<compile_context>
chip_gen: v7x
topology: tpu7x:2x2x1
jax: 0.10.2.dev20260603
libtpu: 0.0.44.dev20260713+nightly
codegen_flags: <defaults>
</compile_context>

<pallas_src>
import functools

import jax
import jax.numpy as jnp
from jax import lax
from jax.experimental import pallas as pl
from jax.experimental.pallas import tpu as pltpu
from jax.experimental.pallas import tpu_sc as plsc

N = 10000
E = 320000
D = 128
ED = 16
G = 64

NC = 2
NS = 16
NW = NC * NS
EB = 128
NBLK = E // EB
BPW = (NBLK + NW - 1) // NW
NPT8 = (N // NS) // 8 * 8
NREM = N - NPT8 * NS

f32 = jnp.float32
i32 = jnp.int32



def _mm2_body(x_ref, wl_ref, bl_ref, wr_ref, br_ref, xl_ref, xr_ref):
    xv = x_ref[...]
    xl_ref[...] = jnp.dot(xv, wl_ref[...], preferred_element_type=f32) + bl_ref[...]
    xr_ref[...] = jnp.dot(xv, wr_ref[...], preferred_element_type=f32) + br_ref[...]


def _node_transform2(x, Wl, bl, Wr, br):
    blk = 2000
    grid = N // blk
    full = pl.BlockSpec((D, D), lambda i: (0, 0))
    vec = pl.BlockSpec((1, D), lambda i: (0, 0))
    rows = pl.BlockSpec((blk, D), lambda i: (i, 0))
    return pl.pallas_call(
        _mm2_body,
        grid=(grid,),
        in_specs=[rows, full, vec, full, vec],
        out_specs=[rows, rows],
        out_shape=[jax.ShapeDtypeStruct((N, D), f32)] * 2,
    )(x, Wl, bl.reshape(1, D), Wr, br.reshape(1, D))


def _mm1_body(x_ref, wl_ref, bl_ref, xl_ref):
    xl_ref[...] = jnp.dot(x_ref[...], wl_ref[...], preferred_element_type=f32) + bl_ref[...]


def _node_transform1(x, Wl, bl):
    blk = 2000
    grid = N // blk
    full = pl.BlockSpec((D, D), lambda i: (0, 0))
    vec = pl.BlockSpec((1, D), lambda i: (0, 0))
    rows = pl.BlockSpec((blk, D), lambda i: (i, 0))
    return pl.pallas_call(
        _mm1_body,
        grid=(grid,),
        in_specs=[rows, full, vec],
        out_specs=rows,
        out_shape=jax.ShapeDtypeStruct((N, D), f32),
    )(x, Wl, bl.reshape(1, D))


ETB = 2560
ETG = E // ETB
ETR = ETB // 128


def _logits_body(gxl_ref, gxr_ref, ea_ref, we_ref, att_ref, ex_ref, w_ref):
    ee = jnp.dot(ea_ref[...], we_ref[...], preferred_element_type=f32)
    gxl = gxl_ref[...]
    z = gxl + gxr_ref[...] + ee
    m = jnp.maximum(z, 0.2 * z)
    logits = jnp.sum(m * att_ref[...], axis=1)
    ex = jnp.exp(logits)
    ex_ref[...] = ex.reshape(1, ETR, 128)
    w_ref[...] = gxl * ex[:, None]


def _edge_ex(gxl, gxr, edge_attr, We, att):
    erows = pl.BlockSpec((ETB, D), lambda i: (i, 0))
    ex3, w = pl.pallas_call(
        _logits_body,
        grid=(ETG,),
        in_specs=[
            erows,
            erows,
            pl.BlockSpec((ETB, ED), lambda i: (i, 0)),
            pl.BlockSpec((ED, D), lambda i: (0, 0)),
            pl.BlockSpec((1, D), lambda i: (0, 0)),
        ],
        out_specs=[pl.BlockSpec((1, ETR, 128), lambda i: (i, 0, 0)), erows],
        out_shape=[
            jax.ShapeDtypeStruct((ETG, ETR, 128), f32),
            jax.ShapeDtypeStruct((E, D), f32),
        ],
    )(gxl, gxr, edge_attr, We, att.reshape(1, D))
    return ex3.reshape(E), w


PB = 1000
PG = N // PB


def _stats_body(p0_ref, p1_ref, dparts_ref, bias_ref, hr_ref, st_ref):
    dp = dparts_ref[...].reshape(NW, PB)
    den = jnp.sum(dp, axis=0) + 1e-16
    h = (p0_ref[...] + p1_ref[...]) / den[:, None] + bias_ref[...]
    h = jnp.maximum(h, 0.0)
    hr_ref[...] = h
    s1 = jnp.sum(h, axis=0, keepdims=True)
    s2 = jnp.sum(h * h, axis=0, keepdims=True)
    blk = jnp.concatenate([s1, s2], axis=0)

    @pl.when(pl.program_id(0) == 0)
    def _():
        st_ref[...] = jnp.zeros_like(st_ref)

    st_ref[...] += blk


def _bn_stats(parts, den_parts, bias):
    dp4 = den_parts.reshape(NW, PG, 1, PB)
    rows = pl.BlockSpec((PB, D), lambda i: (i, 0))
    vec = pl.BlockSpec((1, D), lambda i: (0, 0))
    return pl.pallas_call(
        _stats_body,
        grid=(PG,),
        in_specs=[rows, rows,
                  pl.BlockSpec((NW, 1, 1, PB), lambda i: (0, i, 0, 0)), vec],
        out_specs=[rows, pl.BlockSpec((2, D), lambda i: (0, 0))],
        out_shape=[
            jax.ShapeDtypeStruct((N, D), f32),
            jax.ShapeDtypeStruct((2, D), f32),
        ],
    )(parts[0], parts[1], dp4, bias.reshape(1, D))


def _bn_norm_body(hr_ref, st_ref, gamma_ref, beta_ref, h_ref):
    mu = st_ref[0:1, :] * (1.0 / N)
    var = st_ref[1:2, :] * (1.0 / N) - mu * mu
    h_ref[...] = (hr_ref[...] - mu) * lax.rsqrt(var + 1e-5) * gamma_ref[...] + beta_ref[...]


def _bn_norm(h_raw, stats, gamma, beta):
    rows = pl.BlockSpec((PB, D), lambda i: (i, 0))
    vec = pl.BlockSpec((1, D), lambda i: (0, 0))
    return pl.pallas_call(
        _bn_norm_body,
        grid=(PG,),
        in_specs=[rows, pl.BlockSpec((2, D), lambda i: (0, 0)), vec, vec],
        out_specs=rows,
        out_shape=jax.ShapeDtypeStruct((N, D), f32),
    )(h_raw, stats, gamma.reshape(1, D), beta.reshape(1, D))


def _post(parts, den_parts, bias, gamma, beta):
    h_raw, stats = _bn_stats(parts, den_parts, bias)
    return _bn_norm(h_raw, stats, gamma, beta)


def _bn_pool_body(hr_ref, st_ref, gamma_ref, beta_ref, b_ref, out_ref):
    mu = st_ref[0:1, :] * (1.0 / N)
    var = st_ref[1:2, :] * (1.0 / N) - mu * mu
    h = (hr_ref[...] - mu) * lax.rsqrt(var + 1e-5) * gamma_ref[...] + beta_ref[...]
    b = b_ref[...]

    @pl.when(pl.program_id(0) == 0)
    def _():
        out_ref[...] = jnp.full_like(out_ref, -jnp.inf)

    g_lo = b_ref[0, 0]
    g_hi = b_ref[PB - 1, 0]

    def body(g, _):
        hg = jnp.where(b == g, h, -jnp.inf)
        m = jnp.max(hg, axis=0, keepdims=True)
        sl = pl.ds(g, 1)
        out_ref[sl, :] = jnp.maximum(out_ref[sl, :], m)
        return 0

    lax.fori_loop(g_lo, g_hi + 1, body, 0)


def _bn_pool(h_raw, stats, gamma, beta, batch2d):
    rows = pl.BlockSpec((PB, D), lambda i: (i, 0))
    vec = pl.BlockSpec((1, D), lambda i: (0, 0))
    return pl.pallas_call(
        _bn_pool_body,
        grid=(PG,),
        in_specs=[rows, pl.BlockSpec((2, D), lambda i: (0, 0)), vec, vec,
                  pl.BlockSpec((PB, 1), lambda i: (i, 0))],
        out_specs=pl.BlockSpec((G, D), lambda i: (0, 0)),
        out_shape=jax.ShapeDtypeStruct((G, D), f32),
    )(h_raw, stats, gamma.reshape(1, D), beta.reshape(1, D), batch2d)



_MESH = plsc.VectorSubcoreMesh(core_axis_name="c", subcore_axis_name="s")


def _gather_sc(xl, xr, src, dst):

    @functools.partial(
        pl.kernel,
        out_type=[jax.ShapeDtypeStruct((E, D), f32)] * 2,
        mesh=_MESH,
        scratch_types=[
            pltpu.VMEM((EB,), i32),
            pltpu.VMEM((EB,), i32),
            pltpu.VMEM((EB, D), f32),
            pltpu.VMEM((EB, D), f32),
            pltpu.SemaphoreType.DMA,
            pltpu.SemaphoreType.DMA,
        ],
    )
    def k(xl_h, xr_h, src_h, dst_h, gxl_h, gxr_h, si, di, rl, rr, sem1, sem2):
        c = lax.axis_index("c")
        s = lax.axis_index("s")
        w = s * NC + c

        def body(i, _):
            blk = w + i * NW

            @pl.when(blk < NBLK)
            def _():
                off = pl.multiple_of(blk * EB, EB)
                pltpu.sync_copy(src_h.at[pl.ds(off, EB)], si)
                pltpu.sync_copy(dst_h.at[pl.ds(off, EB)], di)
                cl = pltpu.async_copy(xl_h.at[si], rl, sem1)
                cr = pltpu.async_copy(xr_h.at[di], rr, sem2)
                cl.wait()
                cr.wait()
                pltpu.sync_copy(rl, gxl_h.at[pl.ds(off, EB)])
                pltpu.sync_copy(rr, gxr_h.at[pl.ds(off, EB)])

            return 0

        lax.fori_loop(0, BPW, body, 0)

    return k(xl, xr, src, dst)


PW = E // NW
DCH = 2000


def _den_parts_sc(dst, ex, zeros_n):

    @functools.partial(
        pl.kernel,
        out_type=jax.ShapeDtypeStruct((NW * N,), f32),
        mesh=_MESH,
        compiler_params=pltpu.CompilerParams(needs_layout_passes=False),
        scratch_types=[
            pltpu.VMEM((N,), f32),
            pltpu.VMEM((DCH,), i32),
            pltpu.VMEM((DCH,), f32),
        ],
    )
    def k(dst_h, ex_h, zn_h, parts_h, den_v, di, exv):
        c = lax.axis_index("c")
        s = lax.axis_index("s")
        w = s * NC + c
        base = w * PW
        pltpu.sync_copy(zn_h, den_v)

        def chunk(icnk, _):
            off = pl.multiple_of(base + icnk * DCH, 8)
            pltpu.sync_copy(dst_h.at[pl.ds(off, DCH)], di)
            pltpu.sync_copy(ex_h.at[pl.ds(off, DCH)], exv)

            def vec(j, _):
                sl = pl.ds(j * 16, 16)
                plsc.addupdate_scatter(den_v, [di[sl]], exv[sl])
                return 0

            lax.fori_loop(0, DCH // 16, vec, 0)
            return 0

        lax.fori_loop(0, PW // DCH, chunk, 0)
        pltpu.sync_copy(den_v, parts_h.at[pl.ds(pl.multiple_of(w * N, 8), N)])

    return k(dst, ex, zeros_n)


def _aggregate_sc(w_rows, dst, zeros_nd):

    @functools.partial(
        pl.kernel,
        out_type=jax.ShapeDtypeStruct((NC, N, D), f32),
        mesh=_MESH,
        scratch_types=[
            pltpu.VMEM((EB,), i32),
            pltpu.VMEM((EB, D), f32),
            pltpu.VMEM_SHARED((N, D), f32),
        ],
    )
    def k(w_h, dst_h, znd_h, outp_h, di, rows, acc_sh):
        c = lax.axis_index("c")
        s = lax.axis_index("s")
        w = s * NC + c
        zst = pl.multiple_of(s * NPT8, 8)
        pltpu.sync_copy(znd_h.at[pl.ds(zst, NPT8)], acc_sh.at[pl.ds(zst, NPT8)])

        @pl.when(s == NS - 1)
        def _():
            pltpu.sync_copy(znd_h.at[pl.ds(N - NREM, NREM)],
                            acc_sh.at[pl.ds(N - NREM, NREM)])

        plsc.subcore_barrier()

        def body(i, _):
            blk = w + i * NW

            @pl.when(blk < NBLK)
            def _():
                off = pl.multiple_of(blk * EB, EB)
                pltpu.sync_copy(dst_h.at[pl.ds(off, EB)], di)
                pltpu.sync_copy(w_h.at[pl.ds(off, EB)], rows)
                pltpu.sync_copy(rows, acc_sh.at[di], add=True)

            return 0

        lax.fori_loop(0, BPW, body, 0)
        plsc.subcore_barrier()
        pltpu.sync_copy(acc_sh.at[pl.ds(zst, NPT8)], outp_h.at[c, pl.ds(zst, NPT8)])

        @pl.when(s == NS - 1)
        def _():
            pltpu.sync_copy(acc_sh.at[pl.ds(N - NREM, NREM)],
                            outp_h.at[c, pl.ds(N - NREM, NREM)])

    return k(w_rows, dst, zeros_nd)



def _gat_core(x, src, dst, edge_attr, zeros_n, zeros_nd, Wl, bl, Wr, br, att, We,
              shared_weights):
    if shared_weights:
        xl = _node_transform1(x, Wl, bl)
        xr = xl
    else:
        xl, xr = _node_transform2(x, Wl, bl, Wr, br)
    gxl, gxr = _gather_sc(xl, xr, src, dst)
    ex, w_rows = _edge_ex(gxl, gxr, edge_attr, We, att)
    den_parts = _den_parts_sc(dst, ex, zeros_n)
    out_parts = _aggregate_sc(w_rows, dst, zeros_nd)
    return out_parts, den_parts


def kernel(x, edge_index, edge_attr, batch, Wl1, bl1, Wr1, br1, att1, We1, bias1,
           gamma1, beta1, Wl2, bl2, att2, We2, bias2, gamma2, beta2):
    src = edge_index[0]
    dst = edge_index[1]
    zeros_n = jnp.zeros((N,), f32)
    zeros_nd = jnp.zeros((N, D), f32)
    batch2d = batch.reshape(N, 1)

    parts1, dp1 = _gat_core(x, src, dst, edge_attr, zeros_n, zeros_nd,
                            Wl1, bl1, Wr1, br1, att1, We1, False)
    h1 = _post(parts1, dp1, bias1, gamma1, beta1)
    parts2, dp2 = _gat_core(h1, src, dst, edge_attr, zeros_n, zeros_nd,
                            Wl2, bl2, None, None, att2, We2, True)
    h2_raw, st2 = _bn_stats(parts2, dp2, bias2)
    return _bn_pool(h2_raw, st2, gamma2, beta2, batch2d)

# --- scband reference (transcript-rebuilt; emitter-appended) ---
"""Pipeline reference for scband-graph-conv-block-79577154060686 (READ-ONLY COPY).

The authoritative reference and input builder live on the scoring server;
editing this copy changes nothing except your own understanding.
"""

import jax, jax.numpy as jnp
import numpy as np

N = 10000
E = 320000
D = 128
ED = 16
G = 64


def setup_inputs(seed: int = 0) -> dict:
    key = jax.random.key(seed)
    ks = jax.random.split(key, 16)
    s = 0.05
    inp = {}
    inp['x'] = jax.random.normal(ks[0], (N, D), dtype=jnp.float32)
    inp['edge_index'] = jax.random.randint(ks[1], (2, E), 0, N, dtype=jnp.int32)
    inp['edge_attr'] = jax.random.normal(ks[2], (E, ED), dtype=jnp.float32)
    inp['batch'] = jnp.sort(jax.random.randint(ks[3], (N,), 0, G, dtype=jnp.int32))
    # GATv2 layer 1 (share_weights=False): separate lin_l (source) and lin_r (target)
    inp['Wl1'] = jax.random.normal(ks[4], (D, D), dtype=jnp.float32) * s
    inp['bl1'] = jnp.zeros((D,), dtype=jnp.float32)
    inp['Wr1'] = jax.random.normal(ks[5], (D, D), dtype=jnp.float32) * s
    inp['br1'] = jnp.zeros((D,), dtype=jnp.float32)
    inp['att1'] = jax.random.normal(ks[6], (D,), dtype=jnp.float32) * s
    inp['We1'] = jax.random.normal(ks[7], (ED, D), dtype=jnp.float32) * s
    inp['bias1'] = jnp.zeros((D,), dtype=jnp.float32)
    inp['gamma1'] = jnp.ones((D,), dtype=jnp.float32)
    inp['beta1'] = jnp.zeros((D,), dtype=jnp.float32)
    # GATv2 layer 2 (share_weights=True): lin_r == lin_l
    inp['Wl2'] = jax.random.normal(ks[8], (D, D), dtype=jnp.float32) * s
    inp['bl2'] = jnp.zeros((D,), dtype=jnp.float32)
    inp['att2'] = jax.random.normal(ks[9], (D,), dtype=jnp.float32) * s
    inp['We2'] = jax.random.normal(ks[10], (ED, D), dtype=jnp.float32) * s
    inp['bias2'] = jnp.zeros((D,), dtype=jnp.float32)
    inp['gamma2'] = jnp.ones((D,), dtype=jnp.float32)
    inp['beta2'] = jnp.zeros((D,), dtype=jnp.float32)
    return inp


def _gatv2(x, edge_index, edge_attr, Wl, bl, Wr, br, att, We, bias):
    # PyG GATv2Conv, heads=1, concat=True, negative_slope=0.2
    src = edge_index[0]
    dst = edge_index[1]
    n = x.shape[0]
    xl = x @ Wl + bl  # source transform
    xr = x @ Wr + br  # target transform
    xj = jnp.take(xl, src, axis=0)  # [E, D] messages from source
    xi = jnp.take(xr, dst, axis=0)  # [E, D] target
    ee = edge_attr @ We             # [E, D] edge embedding (lin_edge, bias=False)
    m = jax.nn.leaky_relu(xj + xi + ee, negative_slope=0.2)
    logits = jnp.sum(m * att, axis=-1)  # [E]
    # softmax over edges grouped by destination node
    lmax = jax.ops.segment_max(logits, dst, num_segments=n)
    lmax = jnp.where(jnp.isfinite(lmax), lmax, 0.0)
    ex = jnp.exp(logits - jnp.take(lmax, dst, axis=0))
    den = jax.ops.segment_sum(ex, dst, num_segments=n)
    alpha = ex / (jnp.take(den, dst, axis=0) + 1e-16)
    out = jax.ops.segment_sum(xj * alpha[:, None], dst, num_segments=n)
    return out + bias


def _bn(h, gamma, beta):
    mu = jnp.mean(h, axis=0)
    var = jnp.var(h, axis=0)
    return (h - mu) / jnp.sqrt(var + 1e-5) * gamma + beta


def reference(x, edge_index, edge_attr, batch, Wl1, bl1, Wr1, br1, att1, We1, bias1, gamma1, beta1, Wl2, bl2, att2, We2, bias2, gamma2, beta2):
    h = _gatv2(x, edge_index, edge_attr, Wl1, bl1, Wr1, br1, att1, We1, bias1)
    h = jax.nn.relu(h)
    h = _bn(h, gamma1, beta1)
    h = _gatv2(h, edge_index, edge_attr, Wl2, bl2, Wl2, bl2, att2, We2, bias2)
    h = jax.nn.relu(h)
    h = _bn(h, gamma2, beta2)
    out = jax.ops.segment_max(h, batch, num_segments=G)  # global_max_pool
    return out

if __name__ == "__main__":
    import jax
    _d = setup_inputs()
    print(jax.jit(kernel)(*tuple(_d.values())))

</pallas_src>

<mosaic_0001>
#map = affine_map<(d0, d1) -> (0, 0)>
#map1 = affine_map<(d0, d1) -> (0)>
#map2 = affine_map<(d0, d1) -> (0, 0, 0)>
module attributes {stable_mosaic.version = 14 : i64} {
  func.func @k(%arg0: i32, %arg1: i32, %arg2: memref<320000x128xf32, #tpu.memory_space<hbm>>, %arg3: memref<320000xi32, #tpu.memory_space<hbm>>, %arg4: memref<10000x128xf32, #tpu.memory_space<hbm>>, %arg5: memref<2x10000x128xf32, #tpu.memory_space<hbm>>, %arg6: memref<128xi32, #tpu.memory_space<vmem>>, %arg7: memref<128x128xf32, #tpu.memory_space<vmem>>, %arg8: memref<10000x128xf32, #tpu.memory_space<vmem_shared>>) attributes {dimension_semantics = [#tpu.dimension_semantics<core_parallel>, #tpu.dimension_semantics<subcore_parallel>], iteration_bounds = array<i64: 2, 16>, scalar_prefetch = 0 : i64, scratch_operands = 3 : i64, tpu.core_type = #tpu.core_type<sc_vector_subcore>, window_params = [{transform_indices = #map}, {transform_indices = #map1}, {transform_indices = #map}, {transform_indices = #map2}]} {
    %mul3A = arith.constant 2 : i32
    %mul3A_0 = arith.muli %arg1, %mul3A : i32
    %add3A = arith.addi %mul3A_0, %arg0 : i32
    %mul3A_1 = arith.constant 624 : i32
    %mul3A_2 = arith.muli %arg1, %mul3A_1 : i32
    %multiple_of3A = tpu.assume_multiple %mul3A_2, 8 : i32
    "tpu.region"() ({
      %run_scoped3A = tpu.sem_alloc : memref<!tpu.dma_semaphore, #tpu.memory_space<semaphore_mem>>
      %dma_start3A = arith.constant 0 : i32
      %dma_start3A_17 = tpu.memref_slice %arg8[%multiple_of3A, %dma_start3A] : memref<10000x128xf32, #tpu.memory_space<vmem_shared>> -> memref<624x128xf32, #tpu.memory_space<vmem_shared>>
      %dma_start3A_18 = arith.constant 0 : i32
      %dma_start3A_19 = tpu.memref_slice %arg4[%multiple_of3A, %dma_start3A_18] : memref<10000x128xf32, #tpu.memory_space<hbm>> -> memref<624x128xf32, #tpu.memory_space<hbm>>
      tpu.enqueue_dma source(%dma_start3A_19 : memref<624x128xf32, #tpu.memory_space<hbm>>) target(%dma_start3A_17 : memref<624x128xf32, #tpu.memory_space<vmem_shared>>) target_semaphore(%run_scoped3A : memref<!tpu.dma_semaphore, #tpu.memory_space<semaphore_mem>>)
      %dma_wait3A = arith.constant 0 : i32
      %dma_wait3A_20 = tpu.memref_slice %arg8[%multiple_of3A, %dma_wait3A] : memref<10000x128xf32, #tpu.memory_space<vmem_shared>> -> memref<624x128xf32, #tpu.memory_space<vmem_shared>>
      %dma_wait3A_21 = arith.constant 0 : i32
      %dma_wait3A_22 = tpu.memref_slice %arg4[%multiple_of3A, %dma_wait3A_21] : memref<10000x128xf32, #tpu.memory_space<hbm>> -> memref<624x128xf32, #tpu.memory_space<hbm>>
      tpu.wait_dma2 semaphore(%run_scoped3A : memref<!tpu.dma_semaphore, #tpu.memory_space<semaphore_mem>>) src(%dma_wait3A_22 : memref<624x128xf32, #tpu.memory_space<hbm>>) dst(%dma_wait3A_20 : memref<624x128xf32, #tpu.memory_space<vmem_shared>>)
      tpu.yield
    }) : () -> ()
    %eq3A = arith.constant 15 : i32
    %eq3A_3 = arith.cmpi eq, %arg1, %eq3A : i32
    %convert_element_type3A = arith.extui %eq3A_3 : i1 to i32
    %cond3A = arith.constant 0 : i32
    %cond3A_4 = arith.cmpi ne, %convert_element_type3A, %cond3A : i32
    scf.if %cond3A_4 {
      "tpu.region"() ({
        %run_scoped3A = tpu.sem_alloc : memref<!tpu.dma_semaphore, #tpu.memory_space<semaphore_mem>>
        %dma_start3A = arith.constant 9984 : i32
        %dma_start3A_17 = arith.constant 0 : i32
        %dma_start3A_18 = tpu.memref_slice %arg8[%dma_start3A, %dma_start3A_17] : memref<10000x128xf32, #tpu.memory_space<vmem_shared>> -> memref<16x128xf32, #tpu.memory_space<vmem_shared>>
        %dma_start3A_19 = arith.constant 9984 : i32
        %dma_start3A_20 = arith.constant 0 : i32
        %dma_start3A_21 = tpu.memref_slice %arg4[%dma_start3A_19, %dma_start3A_20] : memref<10000x128xf32, #tpu.memory_space<hbm>> -> memref<16x128xf32, #tpu.memory_space<hbm>>
        tpu.enqueue_dma source(%dma_start3A_21 : memref<16x128xf32, #tpu.memory_space<hbm>>) target(%dma_start3A_18 : memref<16x128xf32, #tpu.memory_space<vmem_shared>>) target_semaphore(%run_scoped3A : memref<!tpu.dma_semaphore, #tpu.memory_space<semaphore_mem>>)
        %dma_wait3A = arith.constant 9984 : i32
        %dma_wait3A_22 = arith.constant 0 : i32
        %dma_wait3A_23 = tpu.memref_slice %arg8[%dma_wait3A, %dma_wait3A_22] : memref<10000x128xf32, #tpu.memory_space<vmem_shared>> -> memref<16x128xf32, #tpu.memory_space<vmem_shared>>
        %dma_wait3A_24 = arith.constant 9984 : i32
        %dma_wait3A_25 = arith.constant 0 : i32
        %dma_wait3A_26 = tpu.memref_slice %arg4[%dma_wait3A_24, %dma_wait3A_25] : memref<10000x128xf32, #tpu.memory_space<hbm>> -> memref<16x128xf32, #tpu.memory_space<hbm>>
        tpu.wait_dma2 semaphore(%run_scoped3A : memref<!tpu.dma_semaphore, #tpu.memory_space<semaphore_mem>>) src(%dma_wait3A_26 : memref<16x128xf32, #tpu.memory_space<hbm>>) dst(%dma_wait3A_23 : memref<16x128xf32, #tpu.memory_space<vmem_shared>>)
        tpu.yield
      }) : () -> ()
    } else {
    }
    %barrier3A = arith.constant 0 : index
    tpu.barrier barrier_id(%barrier3A)
    %scan3A = arith.constant 0 : i32
    %scan3A_5 = arith.constant 0 : i32
    %scan3A_6 = arith.constant 79 : i32
    %scan3A_7 = arith.addi %scan3A_5, %scan3A_6 : i32
    %scan3A_8 = arith.constant 1 : i32
    %scan3A_9 = scf.for %scan3A_17 = %scan3A_5 to %scan3A_7 step %scan3A_8 iter_args(%scan3A_18 = %scan3A) -> (i32)  : i32 {
      %mul3A_19 = arith.constant 32 : i32
      %mul3A_20 = arith.muli %scan3A_17, %mul3A_19 : i32
      %add3A_21 = arith.addi %add3A, %mul3A_20 : i32
      %lt3A = arith.constant 2500 : i32
      %lt3A_22 = arith.cmpi slt, %add3A_21, %lt3A : i32
      %convert_element_type3A_23 = arith.extui %lt3A_22 : i1 to i32
      %cond3A_24 = arith.constant 0 : i32
      %cond3A_25 = arith.cmpi ne, %convert_element_type3A_23, %cond3A_24 : i32
      scf.if %cond3A_25 {
        %mul3A_27 = arith.constant 128 : i32
        %mul3A_28 = arith.muli %add3A_21, %mul3A_27 : i32
        %multiple_of3A_29 = tpu.assume_multiple %mul3A_28, 128 : i32
        "tpu.region"() ({
          %run_scoped3A = tpu.sem_alloc : memref<!tpu.dma_semaphore, #tpu.memory_space<semaphore_mem>>
          %dma_start3A = tpu.memref_slice %arg3[%multiple_of3A_29] : memref<320000xi32, #tpu.memory_space<hbm>> -> memref<128xi32, #tpu.memory_space<hbm>>
          %dma_start3A_30 = tpu.memref_slice %arg3[%multiple_of3A_29] : memref<320000xi32, #tpu.memory_space<hbm>> -> memref<128xi32, #tpu.memory_space<hbm>>
          tpu.enqueue_dma source(%dma_start3A_30 : memref<128xi32, #tpu.memory_space<hbm>>) target(%arg6 : memref<128xi32, #tpu.memory_space<vmem>>) target_semaphore(%run_scoped3A : memref<!tpu.dma_semaphore, #tpu.memory_space<semaphore_mem>>)
          %dma_wait3A = tpu.memref_slice %arg3[%multiple_of3A_29] : memref<320000xi32, #tpu.memory_space<hbm>> -> memref<128xi32, #tpu.memory_space<hbm>>
          %dma_wait3A_31 = tpu.memref_slice %arg3[%multiple_of3A_29] : memref<320000xi32, #tpu.memory_space<hbm>> -> memref<128xi32, #tpu.memory_space<hbm>>
          tpu.wait_dma2 semaphore(%run_scoped3A : memref<!tpu.dma_semaphore, #tpu.memory_space<semaphore_mem>>) src(%dma_wait3A_31 : memref<128xi32, #tpu.memory_space<hbm>>) dst(%arg6 : memref<128xi32, #tpu.memory_space<vmem>>)
          tpu.yield
        }) : () -> ()
        "tpu.region"() ({
          %run_scoped3A = tpu.sem_alloc : memref<!tpu.dma_semaphore, #tpu.memory_space<semaphore_mem>>
          %dma_start3A = arith.constant 0 : i32
          %dma_start3A_30 = tpu.memref_slice %arg2[%multiple_of3A_29, %dma_start3A] : memref<320000x128xf32, #tpu.memory_space<hbm>> -> memref<128x128xf32, #tpu.memory_space<hbm>>
          %dma_start3A_31 = arith.constant 0 : i32
          %dma_start3A_32 = tpu.memref_slice %arg2[%multiple_of3A_29, %dma_start3A_31] : memref<320000x128xf32, #tpu.memory_space<hbm>> -> memref<128x128xf32, #tpu.memory_space<hbm>>
          tpu.enqueue_dma source(%dma_start3A_32 : memref<128x128xf32, #tpu.memory_space<hbm>>) target(%arg7 : memref<128x128xf32, #tpu.memory_space<vmem>>) target_semaphore(%run_scoped3A : memref<!tpu.dma_semaphore, #tpu.memory_space<semaphore_mem>>)
          %dma_wait3A = arith.constant 0 : i32
          %dma_wait3A_33 = tpu.memref_slice %arg2[%multiple_of3A_29, %dma_wait3A] : memref<320000x128xf32, #tpu.memory_space<hbm>> -> memref<128x128xf32, #tpu.memory_space<hbm>>
          %dma_wait3A_34 = arith.constant 0 : i32
          %dma_wait3A_35 = tpu.memref_slice %arg2[%multiple_of3A_29, %dma_wait3A_34] : memref<320000x128xf32, #tpu.memory_space<hbm>> -> memref<128x128xf32, #tpu.memory_space<hbm>>
          tpu.wait_dma2 semaphore(%run_scoped3A : memref<!tpu.dma_semaphore, #tpu.memory_space<semaphore_mem>>) src(%dma_wait3A_35 : memref<128x128xf32, #tpu.memory_space<hbm>>) dst(%arg7 : memref<128x128xf32, #tpu.memory_space<vmem>>)
          tpu.yield
        }) : () -> ()
        "tpu.region"() ({
          %run_scoped3A = tpu.sem_alloc : memref<!tpu.dma_semaphore, #tpu.memory_space<semaphore_mem>>
          %dma_start3A = arith.constant 0 : i32
          %dma_start3A_30 = arith.constant 0 : i32
          %dma_start3A_31 = tpu.memref_slice %arg8[%dma_start3A, %dma_start3A_30] : memref<10000x128xf32, #tpu.memory_space<vmem_shared>> -> memref<10000x128xf32, #tpu.memory_space<vmem_shared>>
          tpu.enqueue_indirect_dma source(%arg7 : memref<128x128xf32, #tpu.memory_space<vmem>>) target(%dma_start3A_31 : memref<10000x128xf32, #tpu.memory_space<vmem_shared>>) offsets(%arg6 : memref<128xi32, #tpu.memory_space<vmem>>) semaphore(%run_scoped3A : memref<!tpu.dma_semaphore, #tpu.memory_space<semaphore_mem>>) {add = true}
          %dma_wait3A = arith.constant 0 : i32
          %dma_wait3A_32 = arith.constant 0 : i32
          %dma_wait3A_33 = tpu.memref_slice %arg8[%dma_wait3A, %dma_wait3A_32] : memref<10000x128xf32, #tpu.memory_space<vmem_shared>> -> memref<10000x128xf32, #tpu.memory_space<vmem_shared>>
          tpu.wait_indirect_dma semaphore(%run_scoped3A : memref<!tpu.dma_semaphore, #tpu.memory_space<semaphore_mem>>) src(%arg7 : memref<128x128xf32, #tpu.memory_space<vmem>>) dst(%dma_wait3A_33 : memref<10000x128xf32, #tpu.memory_space<vmem_shared>>)
          tpu.yield
        }) : () -> ()
      } else {
      }
      %scan3A_26 = arith.constant 0 : i32
      scf.yield %scan3A_26 : i32
    }
    %scan3A_10 = arith.constant 79 : i32
    %barrier3A_11 = arith.constant 0 : index
    tpu.barrier barrier_id(%barrier3A_11)
    "tpu.region"() ({
      %run_scoped3A = tpu.sem_alloc : memref<!tpu.dma_semaphore, #tpu.memory_space<semaphore_mem>>
      %dma_start3A = arith.constant 0 : i32
      %dma_start3A_17 = tpu.memref_slice %arg5[%arg0, %multiple_of3A, %dma_start3A] : memref<2x10000x128xf32, #tpu.memory_space<hbm>> -> memref<1x624x128xf32, #tpu.memory_space<hbm>>
      %dma_start3A_18 = tpu.memref_squeeze %dma_start3A_17 : memref<1x624x128xf32, #tpu.memory_space<hbm>> -> memref<624x128xf32, #tpu.memory_space<hbm>>
      %dma_start3A_19 = arith.constant 0 : i32
      %dma_start3A_20 = tpu.memref_slice %arg8[%multiple_of3A, %dma_start3A_19] : memref<10000x128xf32, #tpu.memory_space<vmem_shared>> -> memref<624x128xf32, #tpu.memory_space<vmem_shared>>
      tpu.enqueue_dma source(%dma_start3A_20 : memref<624x128xf32, #tpu.memory_space<vmem_shared>>) target(%dma_start3A_18 : memref<624x128xf32, #tpu.memory_space<hbm>>) target_semaphore(%run_scoped3A : memref<!tpu.dma_semaphore, #tpu.memory_space<semaphore_mem>>)
      %dma_wait3A = arith.constant 0 : i32
      %dma_wait3A_21 = tpu.memref_slice %arg5[%arg0, %multiple_of3A, %dma_wait3A] : memref<2x10000x128xf32, #tpu.memory_space<hbm>> -> memref<1x624x128xf32, #tpu.memory_space<hbm>>
      %dma_wait3A_22 = tpu.memref_squeeze %dma_wait3A_21 : memref<1x624x128xf32, #tpu.memory_space<hbm>> -> memref<624x128xf32, #tpu.memory_space<hbm>>
      %dma_wait3A_23 = arith.constant 0 : i32
      %dma_wait3A_24 = tpu.memref_slice %arg8[%multiple_of3A, %dma_wait3A_23] : memref<10000x128xf32, #tpu.memory_space<vmem_shared>> -> memref<624x128xf32, #tpu.memory_space<vmem_shared>>
      tpu.wait_dma2 semaphore(%run_scoped3A : memref<!tpu.dma_semaphore, #tpu.memory_space<semaphore_mem>>) src(%dma_wait3A_24 : memref<624x128xf32, #tpu.memory_space<vmem_shared>>) dst(%dma_wait3A_22 : memref<624x128xf32, #tpu.memory_space<hbm>>)
      tpu.yield
    }) : () -> ()
    %eq3A_12 = arith.constant 15 : i32
    %eq3A_13 = arith.cmpi eq, %arg1, %eq3A_12 : i32
    %convert_element_type3A_14 = arith.extui %eq3A_13 : i1 to i32
    %cond3A_15 = arith.constant 0 : i32
    %cond3A_16 = arith.cmpi ne, %convert_element_type3A_14, %cond3A_15 : i32
    scf.if %cond3A_16 {
      "tpu.region"() ({
        %run_scoped3A = tpu.sem_alloc : memref<!tpu.dma_semaphore, #tpu.memory_space<semaphore_mem>>
        %dma_start3A = arith.constant 9984 : i32
        %dma_start3A_17 = arith.constant 0 : i32
        %dma_start3A_18 = tpu.memref_slice %arg5[%arg0, %dma_start3A, %dma_start3A_17] : memref<2x10000x128xf32, #tpu.memory_space<hbm>> -> memref<1x16x128xf32, #tpu.memory_space<hbm>>
        %dma_start3A_19 = tpu.memref_squeeze %dma_start3A_18 : memref<1x16x128xf32, #tpu.memory_space<hbm>> -> memref<16x128xf32, #tpu.memory_space<hbm>>
        %dma_start3A_20 = arith.constant 9984 : i32
        %dma_start3A_21 = arith.constant 0 : i32
        %dma_start3A_22 = tpu.memref_slice %arg8[%dma_start3A_20, %dma_start3A_21] : memref<10000x128xf32, #tpu.memory_space<vmem_shared>> -> memref<16x128xf32, #tpu.memory_space<vmem_shared>>
        tpu.enqueue_dma source(%dma_start3A_22 : memref<16x128xf32, #tpu.memory_space<vmem_shared>>) target(%dma_start3A_19 : memref<16x128xf32, #tpu.memory_space<hbm>>) target_semaphore(%run_scoped3A : memref<!tpu.dma_semaphore, #tpu.memory_space<semaphore_mem>>)
        %dma_wait3A = arith.constant 9984 : i32
        %dma_wait3A_23 = arith.constant 0 : i32
        %dma_wait3A_24 = tpu.memref_slice %arg5[%arg0, %dma_wait3A, %dma_wait3A_23] : memref<2x10000x128xf32, #tpu.memory_space<hbm>> -> memref<1x16x128xf32, #tpu.memory_space<hbm>>
        %dma_wait3A_25 = tpu.memref_squeeze %dma_wait3A_24 : memref<1x16x128xf32, #tpu.memory_space<hbm>> -> memref<16x128xf32, #tpu.memory_space<hbm>>
        %dma_wait3A_26 = arith.constant 9984 : i32
        %dma_wait3A_27 = arith.constant 0 : i32
        %dma_wait3A_28 = tpu.memref_slice %arg8[%dma_wait3A_26, %dma_wait3A_27] : memref<10000x128xf32, #tpu.memory_space<vmem_shared>> -> memref<16x128xf32, #tpu.memory_space<vmem_shared>>
        tpu.wait_dma2 semaphore(%run_scoped3A : memref<!tpu.dma_semaphore, #tpu.memory_space<semaphore_mem>>) src(%dma_wait3A_28 : memref<16x128xf32, #tpu.memory_space<vmem_shared>>) dst(%dma_wait3A_25 : memref<16x128xf32, #tpu.memory_space<hbm>>)
        tpu.yield
      }) : () -> ()
    } else {
    }
    return
  }
}

#map = affine_map<(d0, d1) -> (0)>
module attributes {stable_mosaic.version = 14 : i64} {
  func.func @k(%arg0: i32, %arg1: i32, %arg2: memref<320000xi32, #tpu.memory_space<hbm>>, %arg3: memref<320000xf32, #tpu.memory_space<hbm>>, %arg4: memref<10000xf32, #tpu.memory_space<hbm>>, %arg5: memref<320000xf32, #tpu.memory_space<hbm>>, %arg6: memref<10000xf32, #tpu.memory_space<vmem>>, %arg7: memref<2000xi32, #tpu.memory_space<vmem>>, %arg8: memref<2000xf32, #tpu.memory_space<vmem>>) attributes {dimension_semantics = [#tpu.dimension_semantics<core_parallel>, #tpu.dimension_semantics<subcore_parallel>], iteration_bounds = array<i64: 2, 16>, scalar_prefetch = 0 : i64, scratch_operands = 3 : i64, tpu.core_type = #tpu.core_type<sc_vector_subcore>, window_params = [{transform_indices = #map}, {transform_indices = #map}, {transform_indices = #map}, {transform_indices = #map}]} {
    %mul3A = arith.constant 2 : i32
    %mul3A_0 = arith.muli %arg1, %mul3A : i32
    %add3A = arith.addi %mul3A_0, %arg0 : i32
    %mul3A_1 = arith.constant 10000 : i32
    %mul3A_2 = arith.muli %add3A, %mul3A_1 : i32
    "tpu.region"() ({
      %run_scoped3A = tpu.sem_alloc : memref<!tpu.dma_semaphore, #tpu.memory_space<semaphore_mem>>
      tpu.enqueue_dma source(%arg4 : memref<10000xf32, #tpu.memory_space<hbm>>) target(%arg6 : memref<10000xf32, #tpu.memory_space<vmem>>) target_semaphore(%run_scoped3A : memref<!tpu.dma_semaphore, #tpu.memory_space<semaphore_mem>>)
      tpu.wait_dma2 semaphore(%run_scoped3A : memref<!tpu.dma_semaphore, #tpu.memory_space<semaphore_mem>>) src(%arg4 : memref<10000xf32, #tpu.memory_space<hbm>>) dst(%arg6 : memref<10000xf32, #tpu.memory_space<vmem>>)
      tpu.yield
    }) : () -> ()
    %scan3A = arith.constant 0 : i32
    %scan3A_3 = arith.constant 0 : i32
    %scan3A_4 = arith.constant 5 : i32
    %scan3A_5 = arith.addi %scan3A_3, %scan3A_4 : i32
    %scan3A_6 = arith.constant 1 : i32
    %scan3A_7 = scf.for %scan3A_11 = %scan3A_3 to %scan3A_5 step %scan3A_6 iter_args(%scan3A_12 = %scan3A) -> (i32)  : i32 {
      %mul3A_13 = arith.constant 2000 : i32
      %mul3A_14 = arith.muli %scan3A_11, %mul3A_13 : i32
      %add3A_15 = arith.addi %mul3A_2, %mul3A_14 : i32
      %multiple_of3A_16 = tpu.assume_multiple %add3A_15, 8 : i32
      "tpu.region"() ({
        %run_scoped3A = tpu.sem_alloc : memref<!tpu.dma_semaphore, #tpu.memory_space<semaphore_mem>>
        %dma_start3A = tpu.memref_slice %arg2[%multiple_of3A_16] : memref<320000xi32, #tpu.memory_space<hbm>> -> memref<2000xi32, #tpu.memory_space<hbm>>
        %dma_start3A_25 = tpu.memref_slice %arg2[%multiple_of3A_16] : memref<320000xi32, #tpu.memory_space<hbm>> -> memref<2000xi32, #tpu.memory_space<hbm>>
        tpu.enqueue_dma source(%dma_start3A_25 : memref<2000xi32, #tpu.memory_space<hbm>>) target(%arg7 : memref<2000xi32, #tpu.memory_space<vmem>>) target_semaphore(%run_scoped3A : memref<!tpu.dma_semaphore, #tpu.memory_space<semaphore_mem>>)
        %dma_wait3A = tpu.memref_slice %arg2[%multiple_of3A_16] : memref<320000xi32, #tpu.memory_space<hbm>> -> memref<2000xi32, #tpu.memory_space<hbm>>
        %dma_wait3A_26 = tpu.memref_slice %arg2[%multiple_of3A_16] : memref<320000xi32, #tpu.memory_space<hbm>> -> memref<2000xi32, #tpu.memory_space<hbm>>
        tpu.wait_dma2 semaphore(%run_scoped3A : memref<!tpu.dma_semaphore, #tpu.memory_space<semaphore_mem>>) src(%dma_wait3A_26 : memref<2000xi32, #tpu.memory_space<hbm>>) dst(%arg7 : memref<2000xi32, #tpu.memory_space<vmem>>)
        tpu.yield
      }) : () -> ()
      "tpu.region"() ({
        %run_scoped3A = tpu.sem_alloc : memref<!tpu.dma_semaphore, #tpu.memory_space<semaphore_mem>>
        %dma_start3A = tpu.memref_slice %arg3[%multiple_of3A_16] : memref<320000xf32, #tpu.memory_space<hbm>> -> memref<2000xf32, #tpu.memory_space<hbm>>
        %dma_start3A_25 = tpu.memref_slice %arg3[%multiple_of3A_16] : memref<320000xf32, #tpu.memory_space<hbm>> -> memref<2000xf32, #tpu.memory_space<hbm>>
        tpu.enqueue_dma source(%dma_start3A_25 : memref<2000xf32, #tpu.memory_space<hbm>>) target(%arg8 : memref<2000xf32, #tpu.memory_space<vmem>>) target_semaphore(%run_scoped3A : memref<!tpu.dma_semaphore, #tpu.memory_space<semaphore_mem>>)
        %dma_wait3A = tpu.memref_slice %arg3[%multiple_of3A_16] : memref<320000xf32, #tpu.memory_space<hbm>> -> memref<2000xf32, #tpu.memory_space<hbm>>
        %dma_wait3A_26 = tpu.memref_slice %arg3[%multiple_of3A_16] : memref<320000xf32, #tpu.memory_space<hbm>> -> memref<2000xf32, #tpu.memory_space<hbm>>
        tpu.wait_dma2 semaphore(%run_scoped3A : memref<!tpu.dma_semaphore, #tpu.memory_space<semaphore_mem>>) src(%dma_wait3A_26 : memref<2000xf32, #tpu.memory_space<hbm>>) dst(%arg8 : memref<2000xf32, #tpu.memory_space<vmem>>)
        tpu.yield
      }) : () -> ()
      %scan3A_17 = arith.constant 0 : i32
      %scan3A_18 = arith.constant 0 : i32
      %scan3A_19 = arith.constant 125 : i32
      %scan3A_20 = arith.addi %scan3A_18, %scan3A_19 : i32
      %scan3A_21 = arith.constant 1 : i32
      %scan3A_22 = scf.for %scan3A_25 = %scan3A_18 to %scan3A_20 step %scan3A_21 iter_args(%scan3A_26 = %scan3A_17) -> (i32)  : i32 {
        %mul3A_27 = arith.constant 16 : i32
        %mul3A_28 = arith.muli %scan3A_25, %mul3A_27 : i32
        %get3A = arith.index_cast %mul3A_28 : i32 to index
        %get3A_29 = tpu.vector_load %arg7[%get3A] {strides = array<i32>} : memref<2000xi32, #tpu.memory_space<vmem>>, vector<16xi32>,
        %get3A_30 = arith.index_cast %mul3A_28 : i32 to index
        %get3A_31 = tpu.vector_load %arg8[%get3A_30] {strides = array<i32>} : memref<2000xf32, #tpu.memory_space<vmem>>, vector<16xf32>,
        tpu.vector_store_idx %arg6[%get3A_29], %get3A_31 {add = true} : memref<10000xf32, #tpu.memory_space<vmem>>[vector<16xi32>], vector<16xf32>,
        %scan3A_32 = arith.constant 0 : i32
        scf.yield %scan3A_32 : i32
      }
      %scan3A_23 = arith.constant 125 : i32
      %scan3A_24 = arith.constant 0 : i32
      scf.yield %scan3A_24 : i32
    }
    %scan3A_8 = arith.constant 5 : i32
    %mul3A_9 = arith.constant 10000 : i32
    %mul3A_10 = arith.muli %add3A, %mul3A_9 : i32
    %multiple_of3A = tpu.assume_multiple %mul3A_10, 8 : i32
    "tpu.region"() ({
      %run_scoped3A = tpu.sem_alloc : memref<!tpu.dma_semaphore, #tpu.memory_space<semaphore_mem>>
      %dma_start3A = tpu.memref_slice %arg5[%multiple_of3A] : memref<320000xf32, #tpu.memory_space<hbm>> -> memref<10000xf32, #tpu.memory_space<hbm>>
      %dma_start3A_11 = tpu.memref_slice %arg5[%multiple_of3A] : memref<320000xf32, #tpu.memory_space<hbm>> -> memref<10000xf32, #tpu.memory_space<hbm>>
      tpu.enqueue_dma source(%arg6 : memref<10000xf32, #tpu.memory_space<vmem>>) target(%dma_start3A_11 : memref<10000xf32, #tpu.memory_space<hbm>>) target_semaphore(%run_scoped3A : memref<!tpu.dma_semaphore, #tpu.memory_space<semaphore_mem>>)
      %dma_wait3A = tpu.memref_slice %arg5[%multiple_of3A] : memref<320000xf32, #tpu.memory_space<hbm>> -> memref<10000xf32, #tpu.memory_space<hbm>>
      %dma_wait3A_12 = tpu.memref_slice %arg5[%multiple_of3A] : memref<320000xf32, #tpu.memory_space<hbm>> -> memref<10000xf32, #tpu.memory_space<hbm>>
      tpu.wait_dma2 semaphore(%run_scoped3A : memref<!tpu.dma_semaphore, #tpu.memory_space<semaphore_mem>>) src(%arg6 : memref<10000xf32, #tpu.memory_space<vmem>>) dst(%dma_wait3A_12 : memref<10000xf32, #tpu.memory_space<hbm>>)
      tpu.yield
    }) : () -> ()
    return
  }
}

#map = affine_map<(d0, d1) -> (0, 0)>
#map1 = affine_map<(d0, d1) -> (0)>
module attributes {stable_mosaic.version = 14 : i64} {
  func.func @k(%arg0: i32, %arg1: i32, %arg2: memref<10000x128xf32, #tpu.memory_space<hbm>>, %arg3: memref<10000x128xf32, #tpu.memory_space<hbm>>, %arg4: memref<320000xi32, #tpu.memory_space<hbm>>, %arg5: memref<320000xi32, #tpu.memory_space<hbm>>, %arg6: memref<320000x128xf32, #tpu.memory_space<hbm>>, %arg7: memref<320000x128xf32, #tpu.memory_space<hbm>>, %arg8: memref<128xi32, #tpu.memory_space<vmem>>, %arg9: memref<128xi32, #tpu.memory_space<vmem>>, %arg10: memref<128x128xf32, #tpu.memory_space<vmem>>, %arg11: memref<128x128xf32, #tpu.memory_space<vmem>>, %arg12: memref<!tpu.dma_semaphore, #tpu.memory_space<semaphore_mem>>, %arg13: memref<!tpu.dma_semaphore, #tpu.memory_space<semaphore_mem>>) attributes {dimension_semantics = [#tpu.dimension_semantics<core_parallel>, #tpu.dimension_semantics<subcore_parallel>], iteration_bounds = array<i64: 2, 16>, scalar_prefetch = 0 : i64, scratch_operands = 6 : i64, tpu.core_type = #tpu.core_type<sc_vector_subcore>, window_params = [{transform_indices = #map}, {transform_indices = #map}, {transform_indices = #map1}, {transform_indices = #map1}, {transform_indices = #map}, {transform_indices = #map}]} {
    %mul3A = arith.constant 2 : i32
    %mul3A_0 = arith.muli %arg1, %mul3A : i32
    %add3A = arith.addi %mul3A_0, %arg0 : i32
    %scan3A = arith.constant 0 : i32
    %scan3A_1 = arith.constant 0 : i32
    %scan3A_2 = arith.constant 79 : i32
    %scan3A_3 = arith.addi %scan3A_1, %scan3A_2 : i32
    %scan3A_4 = arith.constant 1 : i32
    %scan3A_5 = scf.for %scan3A_7 = %scan3A_1 to %scan3A_3 step %scan3A_4 iter_args(%scan3A_8 = %scan3A) -> (i32)  : i32 {
      %mul3A_9 = arith.constant 32 : i32
      %mul3A_10 = arith.muli %scan3A_7, %mul3A_9 : i32
      %add3A_11 = arith.addi %add3A, %mul3A_10 : i32
      %lt3A = arith.constant 2500 : i32
      %lt3A_12 = arith.cmpi slt, %add3A_11, %lt3A : i32
      %convert_element_type3A = arith.extui %lt3A_12 : i1 to i32
      %cond3A = arith.constant 0 : i32
      %cond3A_13 = arith.cmpi ne, %convert_element_type3A, %cond3A : i32
      scf.if %cond3A_13 {
        %mul3A_15 = arith.constant 128 : i32
        %mul3A_16 = arith.muli %add3A_11, %mul3A_15 : i32
        %multiple_of3A = tpu.assume_multiple %mul3A_16, 128 : i32
        "tpu.region"() ({
          %run_scoped3A = tpu.sem_alloc : memref<!tpu.dma_semaphore, #tpu.memory_space<semaphore_mem>>
          %dma_start3A_27 = tpu.memref_slice %arg4[%multiple_of3A] : memref<320000xi32, #tpu.memory_space<hbm>> -> memref<128xi32, #tpu.memory_space<hbm>>
          %dma_start3A_28 = tpu.memref_slice %arg4[%multiple_of3A] : memref<320000xi32, #tpu.memory_space<hbm>> -> memref<128xi32, #tpu.memory_space<hbm>>
          tpu.enqueue_dma source(%dma_start3A_28 : memref<128xi32, #tpu.memory_space<hbm>>) target(%arg8 : memref<128xi32, #tpu.memory_space<vmem>>) target_semaphore(%run_scoped3A : memref<!tpu.dma_semaphore, #tpu.memory_space<semaphore_mem>>)
          %dma_wait3A_29 = tpu.memref_slice %arg4[%multiple_of3A] : memref<320000xi32, #tpu.memory_space<hbm>> -> memref<128xi32, #tpu.memory_space<hbm>>
          %dma_wait3A_30 = tpu.memref_slice %arg4[%multiple_of3A] : memref<320000xi32, #tpu.memory_space<hbm>> -> memref<128xi32, #tpu.memory_space<hbm>>
          tpu.wait_dma2 semaphore(%run_scoped3A : memref<!tpu.dma_semaphore, #tpu.memory_space<semaphore_mem>>) src(%dma_wait3A_30 : memref<128xi32, #tpu.memory_space<hbm>>) dst(%arg8 : memref<128xi32, #tpu.memory_space<vmem>>)
          tpu.yield
        }) : () -> ()
        "tpu.region"() ({
          %run_scoped3A = tpu.sem_alloc : memref<!tpu.dma_semaphore, #tpu.memory_space<semaphore_mem>>
          %dma_start3A_27 = tpu.memref_slice %arg5[%multiple_of3A] : memref<320000xi32, #tpu.memory_space<hbm>> -> memref<128xi32, #tpu.memory_space<hbm>>
          %dma_start3A_28 = tpu.memref_slice %arg5[%multiple_of3A] : memref<320000xi32, #tpu.memory_space<hbm>> -> memref<128xi32, #tpu.memory_space<hbm>>
          tpu.enqueue_dma source(%dma_start3A_28 : memref<128xi32, #tpu.memory_space<hbm>>) target(%arg9 : memref<128xi32, #tpu.memory_space<vmem>>) target_semaphore(%run_scoped3A : memref<!tpu.dma_semaphore, #tpu.memory_space<semaphore_mem>>)
          %dma_wait3A_29 = tpu.memref_slice %arg5[%multiple_of3A] : memref<320000xi32, #tpu.memory_space<hbm>> -> memref<128xi32, #tpu.memory_space<hbm>>
          %dma_wait3A_30 = tpu.memref_slice %arg5[%multiple_of3A] : memref<320000xi32, #tpu.memory_space<hbm>> -> memref<128xi32, #tpu.memory_space<hbm>>
          tpu.wait_dma2 semaphore(%run_scoped3A : memref<!tpu.dma_semaphore, #tpu.memory_space<semaphore_mem>>) src(%dma_wait3A_30 : memref<128xi32, #tpu.memory_space<hbm>>) dst(%arg9 : memref<128xi32, #tpu.memory_space<vmem>>)
          tpu.yield
        }) : () -> ()
        %dma_start3A = arith.constant 0 : i32
        %dma_start3A_17 = arith.constant 0 : i32
        %dma_start3A_18 = tpu.memref_slice %arg2[%dma_start3A, %dma_start3A_17] : memref<10000x128xf32, #tpu.memory_space<hbm>> -> memref<10000x128xf32, #tpu.memory_space<hbm>>
        tpu.enqueue_indirect_dma source(%dma_start3A_18 : memref<10000x128xf32, #tpu.memory_space<hbm>>) target(%arg10 : memref<128x128xf32, #tpu.memory_space<vmem>>) offsets(%arg8 : memref<128xi32, #tpu.memory_space<vmem>>) semaphore(%arg12 : memref<!tpu.dma_semaphore, #tpu.memory_space<semaphore_mem>>)
        %dma_start3A_19 = arith.constant 0 : i32
        %dma_start3A_20 = arith.constant 0 : i32
        %dma_start3A_21 = tpu.memref_slice %arg3[%dma_start3A_19, %dma_start3A_20] : memref<10000x128xf32, #tpu.memory_space<hbm>> -> memref<10000x128xf32, #tpu.memory_space<hbm>>
        tpu.enqueue_indirect_dma source(%dma_start3A_21 : memref<10000x128xf32, #tpu.memory_space<hbm>>) target(%arg11 : memref<128x128xf32, #tpu.memory_space<vmem>>) offsets(%arg9 : memref<128xi32, #tpu.memory_space<vmem>>) semaphore(%arg13 : memref<!tpu.dma_semaphore, #tpu.memory_space<semaphore_mem>>)
        %dma_wait3A = arith.constant 0 : i32
        %dma_wait3A_22 = arith.constant 0 : i32
        %dma_wait3A_23 = tpu.memref_slice %arg2[%dma_wait3A, %dma_wait3A_22] : memref<10000x128xf32, #tpu.memory_space<hbm>> -> memref<10000x128xf32, #tpu.memory_space<hbm>>
        tpu.wait_indirect_dma semaphore(%arg12 : memref<!tpu.dma_semaphore, #tpu.memory_space<semaphore_mem>>) src(%dma_wait3A_23 : memref<10000x128xf32, #tpu.memory_space<hbm>>) dst(%arg10 : memref<128x128xf32, #tpu.memory_space<vmem>>)
        %dma_wait3A_24 = arith.constant 0 : i32
        %dma_wait3A_25 = arith.constant 0 : i32
        %dma_wait3A_26 = tpu.memref_slice %arg3[%dma_wait3A_24, %dma_wait3A_25] : memref<10000x128xf32, #tpu.memory_space<hbm>> -> memref<10000x128xf32, #tpu.memory_space<hbm>>
        tpu.wait_indirect_dma semaphore(%arg13 : memref<!tpu.dma_semaphore, #tpu.memory_space<semaphore_mem>>) src(%dma_wait3A_26 : memref<10000x128xf32, #tpu.memory_space<hbm>>) dst(%arg11 : memref<128x128xf32, #tpu.memory_space<vmem>>)
        "tpu.region"() ({
          %run_scoped3A = tpu.sem_alloc : memref<!tpu.dma_semaphore, #tpu.memory_space<semaphore_mem>>
          %dma_start3A_27 = arith.constant 0 : i32
          %dma_start3A_28 = tpu.memref_slice %arg6[%multiple_of3A, %dma_start3A_27] : memref<320000x128xf32, #tpu.memory_space<hbm>> -> memref<128x128xf32, #tpu.memory_space<hbm>>
          %dma_start3A_29 = arith.constant 0 : i32
          %dma_start3A_30 = tpu.memref_slice %arg6[%multiple_of3A, %dma_start3A_29] : memref<320000x128xf32, #tpu.memory_space<hbm>> -> memref<128x128xf32, #tpu.memory_space<hbm>>
          tpu.enqueue_dma source(%arg10 : memref<128x128xf32, #tpu.memory_space<vmem>>) target(%dma_start3A_30 : memref<128x128xf32, #tpu.memory_space<hbm>>) target_semaphore(%run_scoped3A : memref<!tpu.dma_semaphore, #tpu.memory_space<semaphore_mem>>)
          %dma_wait3A_31 = arith.constant 0 : i32
          %dma_wait3A_32 = tpu.memref_slice %arg6[%multiple_of3A, %dma_wait3A_31] : memref<320000x128xf32, #tpu.memory_space<hbm>> -> memref<128x128xf32, #tpu.memory_space<hbm>>
          %dma_wait3A_33 = arith.constant 0 : i32
          %dma_wait3A_34 = tpu.memref_slice %arg6[%multiple_of3A, %dma_wait3A_33] : memref<320000x128xf32, #tpu.memory_space<hbm>> -> memref<128x128xf32, #tpu.memory_space<hbm>>
          tpu.wait_dma2 semaphore(%run_scoped3A : memref<!tpu.dma_semaphore, #tpu.memory_space<semaphore_mem>>) src(%arg10 : memref<128x128xf32, #tpu.memory_space<vmem>>) dst(%dma_wait3A_34 : memref<128x128xf32, #tpu.memory_space<hbm>>)
          tpu.yield
        }) : () -> ()
        "tpu.region"() ({
          %run_scoped3A = tpu.sem_alloc : memref<!tpu.dma_semaphore, #tpu.memory_space<semaphore_mem>>
          %dma_start3A_27 = arith.constant 0 : i32
          %dma_start3A_28 = tpu.memref_slice %arg7[%multiple_of3A, %dma_start3A_27] : memref<320000x128xf32, #tpu.memory_space<hbm>> -> memref<128x128xf32, #tpu.memory_space<hbm>>
          %dma_start3A_29 = arith.constant 0 : i32
          %dma_start3A_30 = tpu.memref_slice %arg7[%multiple_of3A, %dma_start3A_29] : memref<320000x128xf32, #tpu.memory_space<hbm>> -> memref<128x128xf32, #tpu.memory_space<hbm>>
          tpu.enqueue_dma source(%arg11 : memref<128x128xf32, #tpu.memory_space<vmem>>) target(%dma_start3A_30 : memref<128x128xf32, #tpu.memory_space<hbm>>) target_semaphore(%run_scoped3A : memref<!tpu.dma_semaphore, #tpu.memory_space<semaphore_mem>>)
          %dma_wait3A_31 = arith.constant 0 : i32
          %dma_wait3A_32 = tpu.memref_slice %arg7[%multiple_of3A, %dma_wait3A_31] : memref<320000x128xf32, #tpu.memory_space<hbm>> -> memref<128x128xf32, #tpu.memory_space<hbm>>
          %dma_wait3A_33 = arith.constant 0 : i32
          %dma_wait3A_34 = tpu.memref_slice %arg7[%multiple_of3A, %dma_wait3A_33] : memref<320000x128xf32, #tpu.memory_space<hbm>> -> memref<128x128xf32, #tpu.memory_space<hbm>>
          tpu.wait_dma2 semaphore(%run_scoped3A : memref<!tpu.dma_semaphore, #tpu.memory_space<semaphore_mem>>) src(%arg11 : memref<128x128xf32, #tpu.memory_space<vmem>>) dst(%dma_wait3A_34 : memref<128x128xf32, #tpu.memory_space<hbm>>)
          tpu.yield
        }) : () -> ()
      } else {
      }
      %scan3A_14 = arith.constant 0 : i32
      scf.yield %scan3A_14 : i32
    }
    %scan3A_6 = arith.constant 79 : i32
    return
  }
}

#map = affine_map<(d0, d1) -> (0, 0)>
#map1 = affine_map<(d0, d1) -> (0)>
module attributes {stable_mosaic.version = 14 : i64} {
  func.func @k(%arg0: i32, %arg1: i32, %arg2: memref<10000x128xf32, #tpu.memory_space<hbm>>, %arg3: memref<10000x128xf32, #tpu.memory_space<hbm>>, %arg4: memref<320000xi32, #tpu.memory_space<hbm>>, %arg5: memref<320000xi32, #tpu.memory_space<hbm>>, %arg6: memref<320000x128xf32, #tpu.memory_space<hbm>>, %arg7: memref<320000x128xf32, #tpu.memory_space<hbm>>, %arg8: memref<128xi32, #tpu.memory_space<vmem>>, %arg9: memref<128xi32, #tpu.memory_space<vmem>>, %arg10: memref<128x128xf32, #tpu.memory_space<vmem>>, %arg11: memref<128x128xf32, #tpu.memory_space<vmem>>, %arg12: memref<!tpu.dma_semaphore, #tpu.memory_space<semaphore_mem>>, %arg13: memref<!tpu.dma_semaphore, #tpu.memory_space<semaphore_mem>>) attributes {dimension_semantics = [#tpu.dimension_semantics<core_parallel>, #tpu.dimension_semantics<subcore_parallel>], iteration_bounds = array<i64: 2, 16>, scalar_prefetch = 0 : i64, scratch_operands = 6 : i64, tpu.core_type = #tpu.core_type<sc_vector_subcore>, window_params = [{transform_indices = #map}, {transform_indices = #map}, {transform_indices = #map1}, {transform_indices = #map1}, {transform_indices = #map}, {transform_indices = #map}]} {
    %mul3A = arith.constant 2 : i32
    %mul3A_0 = arith.muli %arg1, %mul3A : i32
    %add3A = arith.addi %mul3A_0, %arg0 : i32
    %scan3A = arith.constant 0 : i32
    %scan3A_1 = arith.constant 0 : i32
    %scan3A_2 = arith.constant 79 : i32
    %scan3A_3 = arith.addi %scan3A_1, %scan3A_2 : i32
    %scan3A_4 = arith.constant 1 : i32
    %scan3A_5 = scf.for %scan3A_7 = %scan3A_1 to %scan3A_3 step %scan3A_4 iter_args(%scan3A_8 = %scan3A) -> (i32)  : i32 {
      %mul3A_9 = arith.constant 32 : i32
      %mul3A_10 = arith.muli %scan3A_7, %mul3A_9 : i32
      %add3A_11 = arith.addi %add3A, %mul3A_10 : i32
      %lt3A = arith.constant 2500 : i32
      %lt3A_12 = arith.cmpi slt, %add3A_11, %lt3A : i32
      %convert_element_type3A = arith.extui %lt3A_12 : i1 to i32
      %cond3A = arith.constant 0 : i32
      %cond3A_13 = arith.cmpi ne, %convert_element_type3A, %cond3A : i32
      scf.if %cond3A_13 {
        %mul3A_15 = arith.constant 128 : i32
        %mul3A_16 = arith.muli %add3A_11, %mul3A_15 : i32
        %multiple_of3A = tpu.assume_multiple %mul3A_16, 128 : i32
        "tpu.region"() ({
          %run_scoped3A = tpu.sem_alloc : memref<!tpu.dma_semaphore, #tpu.memory_space<semaphore_mem>>
          %dma_start3A_27 = tpu.memref_slice %arg4[%multiple_of3A] : memref<320000xi32, #tpu.memory_space<hbm>> -> memref<128xi32, #tpu.memory_space<hbm>>
          %dma_start3A_28 = tpu.memref_slice %arg4[%multiple_of3A] : memref<320000xi32, #tpu.memory_space<hbm>> -> memref<128xi32, #tpu.memory_space<hbm>>
          tpu.enqueue_dma source(%dma_start3A_28 : memref<128xi32, #tpu.memory_space<hbm>>) target(%arg8 : memref<128xi32, #tpu.memory_space<vmem>>) target_semaphore(%run_scoped3A : memref<!tpu.dma_semaphore, #tpu.memory_space<semaphore_mem>>)
          %dma_wait3A_29 = tpu.memref_slice %arg4[%multiple_of3A] : memref<320000xi32, #tpu.memory_space<hbm>> -> memref<128xi32, #tpu.memory_space<hbm>>
          %dma_wait3A_30 = tpu.memref_slice %arg4[%multiple_of3A] : memref<320000xi32, #tpu.memory_space<hbm>> -> memref<128xi32, #tpu.memory_space<hbm>>
          tpu.wait_dma2 semaphore(%run_scoped3A : memref<!tpu.dma_semaphore, #tpu.memory_space<semaphore_mem>>) src(%dma_wait3A_30 : memref<128xi32, #tpu.memory_space<hbm>>) dst(%arg8 : memref<128xi32, #tpu.memory_space<vmem>>)
          tpu.yield
        }) : () -> ()
        "tpu.region"() ({
          %run_scoped3A = tpu.sem_alloc : memref<!tpu.dma_semaphore, #tpu.memory_space<semaphore_mem>>
          %dma_start3A_27 = tpu.memref_slice %arg5[%multiple_of3A] : memref<320000xi32, #tpu.memory_space<hbm>> -> memref<128xi32, #tpu.memory_space<hbm>>
          %dma_start3A_28 = tpu.memref_slice %arg5[%multiple_of3A] : memref<320000xi32, #tpu.memory_space<hbm>> -> memref<128xi32, #tpu.memory_space<hbm>>
          tpu.enqueue_dma source(%dma_start3A_28 : memref<128xi32, #tpu.memory_space<hbm>>) target(%arg9 : memref<128xi32, #tpu.memory_space<vmem>>) target_semaphore(%run_scoped3A : memref<!tpu.dma_semaphore, #tpu.memory_space<semaphore_mem>>)
          %dma_wait3A_29 = tpu.memref_slice %arg5[%multiple_of3A] : memref<320000xi32, #tpu.memory_space<hbm>> -> memref<128xi32, #tpu.memory_space<hbm>>
          %dma_wait3A_30 = tpu.memref_slice %arg5[%multiple_of3A] : memref<320000xi32, #tpu.memory_space<hbm>> -> memref<128xi32, #tpu.memory_space<hbm>>
          tpu.wait_dma2 semaphore(%run_scoped3A : memref<!tpu.dma_semaphore, #tpu.memory_space<semaphore_mem>>) src(%dma_wait3A_30 : memref<128xi32, #tpu.memory_space<hbm>>) dst(%arg9 : memref<128xi32, #tpu.memory_space<vmem>>)
          tpu.yield
        }) : () -> ()
        %dma_start3A = arith.constant 0 : i32
        %dma_start3A_17 = arith.constant 0 : i32
        %dma_start3A_18 = tpu.memref_slice %arg2[%dma_start3A, %dma_start3A_17] : memref<10000x128xf32, #tpu.memory_space<hbm>> -> memref<10000x128xf32, #tpu.memory_space<hbm>>
        tpu.enqueue_indirect_dma source(%dma_start3A_18 : memref<10000x128xf32, #tpu.memory_space<hbm>>) target(%arg10 : memref<128x128xf32, #tpu.memory_space<vmem>>) offsets(%arg8 : memref<128xi32, #tpu.memory_space<vmem>>) semaphore(%arg12 : memref<!tpu.dma_semaphore, #tpu.memory_space<semaphore_mem>>)
        %dma_start3A_19 = arith.constant 0 : i32
        %dma_start3A_20 = arith.constant 0 : i32
        %dma_start3A_21 = tpu.memref_slice %arg3[%dma_start3A_19, %dma_start3A_20] : memref<10000x128xf32, #tpu.memory_space<hbm>> -> memref<10000x128xf32, #tpu.memory_space<hbm>>
        tpu.enqueue_indirect_dma source(%dma_start3A_21 : memref<10000x128xf32, #tpu.memory_space<hbm>>) target(%arg11 : memref<128x128xf32, #tpu.memory_space<vmem>>) offsets(%arg9 : memref<128xi32, #tpu.memory_space<vmem>>) semaphore(%arg13 : memref<!tpu.dma_semaphore, #tpu.memory_space<semaphore_mem>>)
        %dma_wait3A = arith.constant 0 : i32
        %dma_wait3A_22 = arith.constant 0 : i32
        %dma_wait3A_23 = tpu.memref_slice %arg2[%dma_wait3A, %dma_wait3A_22] : memref<10000x128xf32, #tpu.memory_space<hbm>> -> memref<10000x128xf32, #tpu.memory_space<hbm>>
        tpu.wait_indirect_dma semaphore(%arg12 : memref<!tpu.dma_semaphore, #tpu.memory_space<semaphore_mem>>) src(%dma_wait3A_23 : memref<10000x128xf32, #tpu.memory_space<hbm>>) dst(%arg10 : memref<128x128xf32, #tpu.memory_space<vmem>>)
        %dma_wait3A_24 = arith.constant 0 : i32
        %dma_wait3A_25 = arith.constant 0 : i32
        %dma_wait3A_26 = tpu.memref_slice %arg3[%dma_wait3A_24, %dma_wait3A_25] : memref<10000x128xf32, #tpu.memory_space<hbm>> -> memref<10000x128xf32, #tpu.memory_space<hbm>>
        tpu.wait_indirect_dma semaphore(%arg13 : memref<!tpu.dma_semaphore, #tpu.memory_space<semaphore_mem>>) src(%dma_wait3A_26 : memref<10000x128xf32, #tpu.memory_space<hbm>>) dst(%arg11 : memref<128x128xf32, #tpu.memory_space<vmem>>)
        "tpu.region"() ({
          %run_scoped3A = tpu.sem_alloc : memref<!tpu.dma_semaphore, #tpu.memory_space<semaphore_mem>>
          %dma_start3A_27 = arith.constant 0 : i32
          %dma_start3A_28 = tpu.memref_slice %arg6[%multiple_of3A, %dma_start3A_27] : memref<320000x128xf32, #tpu.memory_space<hbm>> -> memref<128x128xf32, #tpu.memory_space<hbm>>
          %dma_start3A_29 = arith.constant 0 : i32
          %dma_start3A_30 = tpu.memref_slice %arg6[%multiple_of3A, %dma_start3A_29] : memref<320000x128xf32, #tpu.memory_space<hbm>> -> memref<128x128xf32, #tpu.memory_space<hbm>>
          tpu.enqueue_dma source(%arg10 : memref<128x128xf32, #tpu.memory_space<vmem>>) target(%dma_start3A_30 : memref<128x128xf32, #tpu.memory_space<hbm>>) target_semaphore(%run_scoped3A : memref<!tpu.dma_semaphore, #tpu.memory_space<semaphore_mem>>)
          %dma_wait3A_31 = arith.constant 0 : i32
          %dma_wait3A_32 = tpu.memref_slice %arg6[%multiple_of3A, %dma_wait3A_31] : memref<320000x128xf32, #tpu.memory_space<hbm>> -> memref<128x128xf32, #tpu.memory_space<hbm>>
          %dma_wait3A_33 = arith.constant 0 : i32
          %dma_wait3A_34 = tpu.memref_slice %arg6[%multiple_of3A, %dma_wait3A_33] : memref<320000x128xf32, #tpu.memory_space<hbm>> -> memref<128x128xf32, #tpu.memory_space<hbm>>
          tpu.wait_dma2 semaphore(%run_scoped3A : memref<!tpu.dma_semaphore, #tpu.memory_space<semaphore_mem>>) src(%arg10 : memref<128x128xf32, #tpu.memory_space<vmem>>) dst(%dma_wait3A_34 : memref<128x128xf32, #tpu.memory_space<hbm>>)
          tpu.yield
        }) : () -> ()
        "tpu.region"() ({
          %run_scoped3A = tpu.sem_alloc : memref<!tpu.dma_semaphore, #tpu.memory_space<semaphore_mem>>
          %dma_start3A_27 = arith.constant 0 : i32
          %dma_start3A_28 = tpu.memref_slice %arg7[%multiple_of3A, %dma_start3A_27] : memref<320000x128xf32, #tpu.memory_space<hbm>> -> memref<128x128xf32, #tpu.memory_space<hbm>>
          %dma_start3A_29 = arith.constant 0 : i32
          %dma_start3A_30 = tpu.memref_slice %arg7[%multiple_of3A, %dma_start3A_29] : memref<320000x128xf32, #tpu.memory_space<hbm>> -> memref<128x128xf32, #tpu.memory_space<hbm>>
          tpu.enqueue_dma source(%arg11 : memref<128x128xf32, #tpu.memory_space<vmem>>) target(%dma_start3A_30 : memref<128x128xf32, #tpu.memory_space<hbm>>) target_semaphore(%run_scoped3A : memref<!tpu.dma_semaphore, #tpu.memory_space<semaphore_mem>>)
          %dma_wait3A_31 = arith.constant 0 : i32
          %dma_wait3A_32 = tpu.memref_slice %arg7[%multiple_of3A, %dma_wait3A_31] : memref<320000x128xf32, #tpu.memory_space<hbm>> -> memref<128x128xf32, #tpu.memory_space<hbm>>
          %dma_wait3A_33 = arith.constant 0 : i32
          %dma_wait3A_34 = tpu.memref_slice %arg7[%multiple_of3A, %dma_wait3A_33] : memref<320000x128xf32, #tpu.memory_space<hbm>> -> memref<128x128xf32, #tpu.memory_space<hbm>>
          tpu.wait_dma2 semaphore(%run_scoped3A : memref<!tpu.dma_semaphore, #tpu.memory_space<semaphore_mem>>) src(%arg11 : memref<128x128xf32, #tpu.memory_space<vmem>>) dst(%dma_wait3A_34 : memref<128x128xf32, #tpu.memory_space<hbm>>)
          tpu.yield
        }) : () -> ()
      } else {
      }
      %scan3A_14 = arith.constant 0 : i32
      scf.yield %scan3A_14 : i32
    }
    %scan3A_6 = arith.constant 79 : i32
    return
  }
}

#map = affine_map<(d0, d1) -> (0, 0)>
#map1 = affine_map<(d0, d1) -> (0)>
#map2 = affine_map<(d0, d1) -> (0, 0, 0)>
module attributes {stable_mosaic.version = 14 : i64} {
  func.func @k(%arg0: i32, %arg1: i32, %arg2: memref<320000x128xf32, #tpu.memory_space<hbm>>, %arg3: memref<320000xi32, #tpu.memory_space<hbm>>, %arg4: memref<10000x128xf32, #tpu.memory_space<hbm>>, %arg5: memref<2x10000x128xf32, #tpu.memory_space<hbm>>, %arg6: memref<128xi32, #tpu.memory_space<vmem>>, %arg7: memref<128x128xf32, #tpu.memory_space<vmem>>, %arg8: memref<10000x128xf32, #tpu.memory_space<vmem_shared>>) attributes {dimension_semantics = [#tpu.dimension_semantics<core_parallel>, #tpu.dimension_semantics<subcore_parallel>], iteration_bounds = array<i64: 2, 16>, scalar_prefetch = 0 : i64, scratch_operands = 3 : i64, tpu.core_type = #tpu.core_type<sc_vector_subcore>, window_params = [{transform_indices = #map}, {transform_indices = #map1}, {transform_indices = #map}, {transform_indices = #map2}]} {
    %mul3A = arith.constant 2 : i32
    %mul3A_0 = arith.muli %arg1, %mul3A : i32
    %add3A = arith.addi %mul3A_0, %arg0 : i32
    %mul3A_1 = arith.constant 624 : i32
    %mul3A_2 = arith.muli %arg1, %mul3A_1 : i32
    %multiple_of3A = tpu.assume_multiple %mul3A_2, 8 : i32
    "tpu.region"() ({
      %run_scoped3A = tpu.sem_alloc : memref<!tpu.dma_semaphore, #tpu.memory_space<semaphore_mem>>
      %dma_start3A = arith.constant 0 : i32
      %dma_start3A_17 = tpu.memref_slice %arg8[%multiple_of3A, %dma_start3A] : memref<10000x128xf32, #tpu.memory_space<vmem_shared>> -> memref<624x128xf32, #tpu.memory_space<vmem_shared>>
      %dma_start3A_18 = arith.constant 0 : i32
      %dma_start3A_19 = tpu.memref_slice %arg4[%multiple_of3A, %dma_start3A_18] : memref<10000x128xf32, #tpu.memory_space<hbm>> -> memref<624x128xf32, #tpu.memory_space<hbm>>
      tpu.enqueue_dma source(%dma_start3A_19 : memref<624x128xf32, #tpu.memory_space<hbm>>) target(%dma_start3A_17 : memref<624x128xf32, #tpu.memory_space<vmem_shared>>) target_semaphore(%run_scoped3A : memref<!tpu.dma_semaphore, #tpu.memory_space<semaphore_mem>>)
      %dma_wait3A = arith.constant 0 : i32
      %dma_wait3A_20 = tpu.memref_slice %arg8[%multiple_of3A, %dma_wait3A] : memref<10000x128xf32, #tpu.memory_space<vmem_shared>> -> memref<624x128xf32, #tpu.memory_space<vmem_shared>>
      %dma_wait3A_21 = arith.constant 0 : i32
      %dma_wait3A_22 = tpu.memref_slice %arg4[%multiple_of3A, %dma_wait3A_21] : memref<10000x128xf32, #tpu.memory_space<hbm>> -> memref<624x128xf32, #tpu.memory_space<hbm>>
      tpu.wait_dma2 semaphore(%run_scoped3A : memref<!tpu.dma_semaphore, #tpu.memory_space<semaphore_mem>>) src(%dma_wait3A_22 : memref<624x128xf32, #tpu.memory_space<hbm>>) dst(%dma_wait3A_20 : memref<624x128xf32, #tpu.memory_space<vmem_shared>>)
      tpu.yield
    }) : () -> ()
    %eq3A = arith.constant 15 : i32
    %eq3A_3 = arith.cmpi eq, %arg1, %eq3A : i32
    %convert_element_type3A = arith.extui %eq3A_3 : i1 to i32
    %cond3A = arith.constant 0 : i32
    %cond3A_4 = arith.cmpi ne, %convert_element_type3A, %cond3A : i32
    scf.if %cond3A_4 {
      "tpu.region"() ({
        %run_scoped3A = tpu.sem_alloc : memref<!tpu.dma_semaphore, #tpu.memory_space<semaphore_mem>>
        %dma_start3A = arith.constant 9984 : i32
        %dma_start3A_17 = arith.constant 0 : i32
        %dma_start3A_18 = tpu.memref_slice %arg8[%dma_start3A, %dma_start3A_17] : memref<10000x128xf32, #tpu.memory_space<vmem_shared>> -> memref<16x128xf32, #tpu.memory_space<vmem_shared>>
        %dma_start3A_19 = arith.constant 9984 : i32
        %dma_start3A_20 = arith.constant 0 : i32
        %dma_start3A_21 = tpu.memref_slice %arg4[%dma_start3A_19, %dma_start3A_20] : memref<10000x128xf32, #tpu.memory_space<hbm>> -> memref<16x128xf32, #tpu.memory_space<hbm>>
        tpu.enqueue_dma source(%dma_start3A_21 : memref<16x128xf32, #tpu.memory_space<hbm>>) target(%dma_start3A_18 : memref<16x128xf32, #tpu.memory_space<vmem_shared>>) target_semaphore(%run_scoped3A : memref<!tpu.dma_semaphore, #tpu.memory_space<semaphore_mem>>)
        %dma_wait3A = arith.constant 9984 : i32
        %dma_wait3A_22 = arith.constant 0 : i32
        %dma_wait3A_23 = tpu.memref_slice %arg8[%dma_wait3A, %dma_wait3A_22] : memref<10000x128xf32, #tpu.memory_space<vmem_shared>> -> memref<16x128xf32, #tpu.memory_space<vmem_shared>>
        %dma_wait3A_24 = arith.constant 9984 : i32
        %dma_wait3A_25 = arith.constant 0 : i32
        %dma_wait3A_26 = tpu.memref_slice %arg4[%dma_wait3A_24, %dma_wait3A_25] : memref<10000x128xf32, #tpu.memory_space<hbm>> -> memref<16x128xf32, #tpu.memory_space<hbm>>
        tpu.wait_dma2 semaphore(%run_scoped3A : memref<!tpu.dma_semaphore, #tpu.memory_space<semaphore_mem>>) src(%dma_wait3A_26 : memref<16x128xf32, #tpu.memory_space<hbm>>) dst(%dma_wait3A_23 : memref<16x128xf32, #tpu.memory_space<vmem_shared>>)
        tpu.yield
      }) : () -> ()
    } else {
    }
    %barrier3A = arith.constant 0 : index
    tpu.barrier barrier_id(%barrier3A)
    %scan3A = arith.constant 0 : i32
    %scan3A_5 = arith.constant 0 : i32
    %scan3A_6 = arith.constant 79 : i32
    %scan3A_7 = arith.addi %scan3A_5, %scan3A_6 : i32
    %scan3A_8 = arith.constant 1 : i32
    %scan3A_9 = scf.for %scan3A_17 = %scan3A_5 to %scan3A_7 step %scan3A_8 iter_args(%scan3A_18 = %scan3A) -> (i32)  : i32 {
      %mul3A_19 = arith.constant 32 : i32
      %mul3A_20 = arith.muli %scan3A_17, %mul3A_19 : i32
      %add3A_21 = arith.addi %add3A, %mul3A_20 : i32
      %lt3A = arith.constant 2500 : i32
      %lt3A_22 = arith.cmpi slt, %add3A_21, %lt3A : i32
      %convert_element_type3A_23 = arith.extui %lt3A_22 : i1 to i32
      %cond3A_24 = arith.constant 0 : i32
      %cond3A_25 = arith.cmpi ne, %convert_element_type3A_23, %cond3A_24 : i32
      scf.if %cond3A_25 {
        %mul3A_27 = arith.constant 128 : i32
        %mul3A_28 = arith.muli %add3A_21, %mul3A_27 : i32
        %multiple_of3A_29 = tpu.assume_multiple %mul3A_28, 128 : i32
        "tpu.region"() ({
          %run_scoped3A = tpu.sem_alloc : memref<!tpu.dma_semaphore, #tpu.memory_space<semaphore_mem>>
          %dma_start3A = tpu.memref_slice %arg3[%multiple_of3A_29] : memref<320000xi32, #tpu.memory_space<hbm>> -> memref<128xi32, #tpu.memory_space<hbm>>
          %dma_start3A_30 = tpu.memref_slice %arg3[%multiple_of3A_29] : memref<320000xi32, #tpu.memory_space<hbm>> -> memref<128xi32, #tpu.memory_space<hbm>>
          tpu.enqueue_dma source(%dma_start3A_30 : memref<128xi32, #tpu.memory_space<hbm>>) target(%arg6 : memref<128xi32, #tpu.memory_space<vmem>>) target_semaphore(%run_scoped3A : memref<!tpu.dma_semaphore, #tpu.memory_space<semaphore_mem>>)
          %dma_wait3A = tpu.memref_slice %arg3[%multiple_of3A_29] : memref<320000xi32, #tpu.memory_space<hbm>> -> memref<128xi32, #tpu.memory_space<hbm>>
          %dma_wait3A_31 = tpu.memref_slice %arg3[%multiple_of3A_29] : memref<320000xi32, #tpu.memory_space<hbm>> -> memref<128xi32, #tpu.memory_space<hbm>>
          tpu.wait_dma2 semaphore(%run_scoped3A : memref<!tpu.dma_semaphore, #tpu.memory_space<semaphore_mem>>) src(%dma_wait3A_31 : memref<128xi32, #tpu.memory_space<hbm>>) dst(%arg6 : memref<128xi32, #tpu.memory_space<vmem>>)
          tpu.yield
        }) : () -> ()
        "tpu.region"() ({
          %run_scoped3A = tpu.sem_alloc : memref<!tpu.dma_semaphore, #tpu.memory_space<semaphore_mem>>
          %dma_start3A = arith.constant 0 : i32
          %dma_start3A_30 = tpu.memref_slice %arg2[%multiple_of3A_29, %dma_start3A] : memref<320000x128xf32, #tpu.memory_space<hbm>> -> memref<128x128xf32, #tpu.memory_space<hbm>>
          %dma_start3A_31 = arith.constant 0 : i32
          %dma_start3A_32 = tpu.memref_slice %arg2[%multiple_of3A_29, %dma_start3A_31] : memref<320000x128xf32, #tpu.memory_space<hbm>> -> memref<128x128xf32, #tpu.memory_space<hbm>>
          tpu.enqueue_dma source(%dma_start3A_32 : memref<128x128xf32, #tpu.memory_space<hbm>>) target(%arg7 : memref<128x128xf32, #tpu.memory_space<vmem>>) target_semaphore(%run_scoped3A : memref<!tpu.dma_semaphore, #tpu.memory_space<semaphore_mem>>)
          %dma_wait3A = arith.constant 0 : i32
          %dma_wait3A_33 = tpu.memref_slice %arg2[%multiple_of3A_29, %dma_wait3A] : memref<320000x128xf32, #tpu.memory_space<hbm>> -> memref<128x128xf32, #tpu.memory_space<hbm>>
          %dma_wait3A_34 = arith.constant 0 : i32
          %dma_wait3A_35 = tpu.memref_slice %arg2[%multiple_of3A_29, %dma_wait3A_34] : memref<320000x128xf32, #tpu.memory_space<hbm>> -> memref<128x128xf32, #tpu.memory_space<hbm>>
          tpu.wait_dma2 semaphore(%run_scoped3A : memref<!tpu.dma_semaphore, #tpu.memory_space<semaphore_mem>>) src(%dma_wait3A_35 : memref<128x128xf32, #tpu.memory_space<hbm>>) dst(%arg7 : memref<128x128xf32, #tpu.memory_space<vmem>>)
          tpu.yield
        }) : () -> ()
        "tpu.region"() ({
          %run_scoped3A = tpu.sem_alloc : memref<!tpu.dma_semaphore, #tpu.memory_space<semaphore_mem>>
          %dma_start3A = arith.constant 0 : i32
          %dma_start3A_30 = arith.constant 0 : i32
          %dma_start3A_31 = tpu.memref_slice %arg8[%dma_start3A, %dma_start3A_30] : memref<10000x128xf32, #tpu.memory_space<vmem_shared>> -> memref<10000x128xf32, #tpu.memory_space<vmem_shared>>
          tpu.enqueue_indirect_dma source(%arg7 : memref<128x128xf32, #tpu.memory_space<vmem>>) target(%dma_start3A_31 : memref<10000x128xf32, #tpu.memory_space<vmem_shared>>) offsets(%arg6 : memref<128xi32, #tpu.memory_space<vmem>>) semaphore(%run_scoped3A : memref<!tpu.dma_semaphore, #tpu.memory_space<semaphore_mem>>) {add = true}
          %dma_wait3A = arith.constant 0 : i32
          %dma_wait3A_32 = arith.constant 0 : i32
          %dma_wait3A_33 = tpu.memref_slice %arg8[%dma_wait3A, %dma_wait3A_32] : memref<10000x128xf32, #tpu.memory_space<vmem_shared>> -> memref<10000x128xf32, #tpu.memory_space<vmem_shared>>
          tpu.wait_indirect_dma semaphore(%run_scoped3A : memref<!tpu.dma_semaphore, #tpu.memory_space<semaphore_mem>>) src(%arg7 : memref<128x128xf32, #tpu.memory_space<vmem>>) dst(%dma_wait3A_33 : memref<10000x128xf32, #tpu.memory_space<vmem_shared>>)
          tpu.yield
        }) : () -> ()
      } else {
      }
      %scan3A_26 = arith.constant 0 : i32
      scf.yield %scan3A_26 : i32
    }
    %scan3A_10 = arith.constant 79 : i32
    %barrier3A_11 = arith.constant 0 : index
    tpu.barrier barrier_id(%barrier3A_11)
    "tpu.region"() ({
      %run_scoped3A = tpu.sem_alloc : memref<!tpu.dma_semaphore, #tpu.memory_space<semaphore_mem>>
      %dma_start3A = arith.constant 0 : i32
      %dma_start3A_17 = tpu.memref_slice %arg5[%arg0, %multiple_of3A, %dma_start3A] : memref<2x10000x128xf32, #tpu.memory_space<hbm>> -> memref<1x624x128xf32, #tpu.memory_space<hbm>>
      %dma_start3A_18 = tpu.memref_squeeze %dma_start3A_17 : memref<1x624x128xf32, #tpu.memory_space<hbm>> -> memref<624x128xf32, #tpu.memory_space<hbm>>
      %dma_start3A_19 = arith.constant 0 : i32
      %dma_start3A_20 = tpu.memref_slice %arg8[%multiple_of3A, %dma_start3A_19] : memref<10000x128xf32, #tpu.memory_space<vmem_shared>> -> memref<624x128xf32, #tpu.memory_space<vmem_shared>>
      tpu.enqueue_dma source(%dma_start3A_20 : memref<624x128xf32, #tpu.memory_space<vmem_shared>>) target(%dma_start3A_18 : memref<624x128xf32, #tpu.memory_space<hbm>>) target_semaphore(%run_scoped3A : memref<!tpu.dma_semaphore, #tpu.memory_space<semaphore_mem>>)
      %dma_wait3A = arith.constant 0 : i32
      %dma_wait3A_21 = tpu.memref_slice %arg5[%arg0, %multiple_of3A, %dma_wait3A] : memref<2x10000x128xf32, #tpu.memory_space<hbm>> -> memref<1x624x128xf32, #tpu.memory_space<hbm>>
      %dma_wait3A_22 = tpu.memref_squeeze %dma_wait3A_21 : memref<1x624x128xf32, #tpu.memory_space<hbm>> -> memref<624x128xf32, #tpu.memory_space<hbm>>
      %dma_wait3A_23 = arith.constant 0 : i32
      %dma_wait3A_24 = tpu.memref_slice %arg8[%multiple_of3A, %dma_wait3A_23] : memref<10000x128xf32, #tpu.memory_space<vmem_shared>> -> memref<624x128xf32, #tpu.memory_space<vmem_shared>>
      tpu.wait_dma2 semaphore(%run_scoped3A : memref<!tpu.dma_semaphore, #tpu.memory_space<semaphore_mem>>) src(%dma_wait3A_24 : memref<624x128xf32, #tpu.memory_space<vmem_shared>>) dst(%dma_wait3A_22 : memref<624x128xf32, #tpu.memory_space<hbm>>)
      tpu.yield
    }) : () -> ()
    %eq3A_12 = arith.constant 15 : i32
    %eq3A_13 = arith.cmpi eq, %arg1, %eq3A_12 : i32
    %convert_element_type3A_14 = arith.extui %eq3A_13 : i1 to i32
    %cond3A_15 = arith.constant 0 : i32
    %cond3A_16 = arith.cmpi ne, %convert_element_type3A_14, %cond3A_15 : i32
    scf.if %cond3A_16 {
      "tpu.region"() ({
        %run_scoped3A = tpu.sem_alloc : memref<!tpu.dma_semaphore, #tpu.memory_space<semaphore_mem>>
        %dma_start3A = arith.constant 9984 : i32
        %dma_start3A_17 = arith.constant 0 : i32
        %dma_start3A_18 = tpu.memref_slice %arg5[%arg0, %dma_start3A, %dma_start3A_17] : memref<2x10000x128xf32, #tpu.memory_space<hbm>> -> memref<1x16x128xf32, #tpu.memory_space<hbm>>
        %dma_start3A_19 = tpu.memref_squeeze %dma_start3A_18 : memref<1x16x128xf32, #tpu.memory_space<hbm>> -> memref<16x128xf32, #tpu.memory_space<hbm>>
        %dma_start3A_20 = arith.constant 9984 : i32
        %dma_start3A_21 = arith.constant 0 : i32
        %dma_start3A_22 = tpu.memref_slice %arg8[%dma_start3A_20, %dma_start3A_21] : memref<10000x128xf32, #tpu.memory_space<vmem_shared>> -> memref<16x128xf32, #tpu.memory_space<vmem_shared>>
        tpu.enqueue_dma source(%dma_start3A_22 : memref<16x128xf32, #tpu.memory_space<vmem_shared>>) target(%dma_start3A_19 : memref<16x128xf32, #tpu.memory_space<hbm>>) target_semaphore(%run_scoped3A : memref<!tpu.dma_semaphore, #tpu.memory_space<semaphore_mem>>)
        %dma_wait3A = arith.constant 9984 : i32
        %dma_wait3A_23 = arith.constant 0 : i32
        %dma_wait3A_24 = tpu.memref_slice %arg5[%arg0, %dma_wait3A, %dma_wait3A_23] : memref<2x10000x128xf32, #tpu.memory_space<hbm>> -> memref<1x16x128xf32, #tpu.memory_space<hbm>>
        %dma_wait3A_25 = tpu.memref_squeeze %dma_wait3A_24 : memref<1x16x128xf32, #tpu.memory_space<hbm>> -> memref<16x128xf32, #tpu.memory_space<hbm>>
        %dma_wait3A_26 = arith.constant 9984 : i32
        %dma_wait3A_27 = arith.constant 0 : i32
        %dma_wait3A_28 = tpu.memref_slice %arg8[%dma_wait3A_26, %dma_wait3A_27] : memref<10000x128xf32, #tpu.memory_space<vmem_shared>> -> memref<16x128xf32, #tpu.memory_space<vmem_shared>>
        tpu.wait_dma2 semaphore(%run_scoped3A : memref<!tpu.dma_semaphore, #tpu.memory_space<semaphore_mem>>) src(%dma_wait3A_28 : memref<16x128xf32, #tpu.memory_space<vmem_shared>>) dst(%dma_wait3A_25 : memref<16x128xf32, #tpu.memory_space<hbm>>)
        tpu.yield
      }) : () -> ()
    } else {
    }
    return
  }
}

#map = affine_map<(d0, d1) -> (0)>
module attributes {stable_mosaic.version = 14 : i64} {
  func.func @k(%arg0: i32, %arg1: i32, %arg2: memref<320000xi32, #tpu.memory_space<hbm>>, %arg3: memref<320000xf32, #tpu.memory_space<hbm>>, %arg4: memref<10000xf32, #tpu.memory_space<hbm>>, %arg5: memref<320000xf32, #tpu.memory_space<hbm>>, %arg6: memref<10000xf32, #tpu.memory_space<vmem>>, %arg7: memref<2000xi32, #tpu.memory_space<vmem>>, %arg8: memref<2000xf32, #tpu.memory_space<vmem>>) attributes {dimension_semantics = [#tpu.dimension_semantics<core_parallel>, #tpu.dimension_semantics<subcore_parallel>], iteration_bounds = array<i64: 2, 16>, scalar_prefetch = 0 : i64, scratch_operands = 3 : i64, tpu.core_type = #tpu.core_type<sc_vector_subcore>, window_params = [{transform_indices = #map}, {transform_indices = #map}, {transform_indices = #map}, {transform_indices = #map}]} {
    %mul3A = arith.constant 2 : i32
    %mul3A_0 = arith.muli %arg1, %mul3A : i32
    %add3A = arith.addi %mul3A_0, %arg0 : i32
    %mul3A_1 = arith.constant 10000 : i32
    %mul3A_2 = arith.muli %add3A, %mul3A_1 : i32
    "tpu.region"() ({
      %run_scoped3A = tpu.sem_alloc : memref<!tpu.dma_semaphore, #tpu.memory_space<semaphore_mem>>
      tpu.enqueue_dma source(%arg4 : memref<10000xf32, #tpu.memory_space<hbm>>) target(%arg6 : memref<10000xf32, #tpu.memory_space<vmem>>) target_semaphore(%run_scoped3A : memref<!tpu.dma_semaphore, #tpu.memory_space<semaphore_mem>>)
      tpu.wait_dma2 semaphore(%run_scoped3A : memref<!tpu.dma_semaphore, #tpu.memory_space<semaphore_mem>>) src(%arg4 : memref<10000xf32, #tpu.memory_space<hbm>>) dst(%arg6 : memref<10000xf32, #tpu.memory_space<vmem>>)
      tpu.yield
    }) : () -> ()
    %scan3A = arith.constant 0 : i32
    %scan3A_3 = arith.constant 0 : i32
    %scan3A_4 = arith.constant 5 : i32
    %scan3A_5 = arith.addi %scan3A_3, %scan3A_4 : i32
    %scan3A_6 = arith.constant 1 : i32
    %scan3A_7 = scf.for %scan3A_11 = %scan3A_3 to %scan3A_5 step %scan3A_6 iter_args(%scan3A_12 = %scan3A) -> (i32)  : i32 {
      %mul3A_13 = arith.constant 2000 : i32
      %mul3A_14 = arith.muli %scan3A_11, %mul3A_13 : i32
      %add3A_15 = arith.addi %mul3A_2, %mul3A_14 : i32
      %multiple_of3A_16 = tpu.assume_multiple %add3A_15, 8 : i32
      "tpu.region"() ({
        %run_scoped3A = tpu.sem_alloc : memref<!tpu.dma_semaphore, #tpu.memory_space<semaphore_mem>>
        %dma_start3A = tpu.memref_slice %arg2[%multiple_of3A_16] : memref<320000xi32, #tpu.memory_space<hbm>> -> memref<2000xi32, #tpu.memory_space<hbm>>
        %dma_start3A_25 = tpu.memref_slice %arg2[%multiple_of3A_16] : memref<320000xi32, #tpu.memory_space<hbm>> -> memref<2000xi32, #tpu.memory_space<hbm>>
        tpu.enqueue_dma source(%dma_start3A_25 : memref<2000xi32, #tpu.memory_space<hbm>>) target(%arg7 : memref<2000xi32, #tpu.memory_space<vmem>>) target_semaphore(%run_scoped3A : memref<!tpu.dma_semaphore, #tpu.memory_space<semaphore_mem>>)
        %dma_wait3A = tpu.memref_slice %arg2[%multiple_of3A_16] : memref<320000xi32, #tpu.memory_space<hbm>> -> memref<2000xi32, #tpu.memory_space<hbm>>
        %dma_wait3A_26 = tpu.memref_slice %arg2[%multiple_of3A_16] : memref<320000xi32, #tpu.memory_space<hbm>> -> memref<2000xi32, #tpu.memory_space<hbm>>
        tpu.wait_dma2 semaphore(%run_scoped3A : memref<!tpu.dma_semaphore, #tpu.memory_space<semaphore_mem>>) src(%dma_wait3A_26 : memref<2000xi32, #tpu.memory_space<hbm>>) dst(%arg7 : memref<2000xi32, #tpu.memory_space<vmem>>)
        tpu.yield
      }) : () -> ()
      "tpu.region"() ({
        %run_scoped3A = tpu.sem_alloc : memref<!tpu.dma_semaphore, #tpu.memory_space<semaphore_mem>>
        %dma_start3A = tpu.memref_slice %arg3[%multiple_of3A_16] : memref<320000xf32, #tpu.memory_space<hbm>> -> memref<2000xf32, #tpu.memory_space<hbm>>
        %dma_start3A_25 = tpu.memref_slice %arg3[%multiple_of3A_16] : memref<320000xf32, #tpu.memory_space<hbm>> -> memref<2000xf32, #tpu.memory_space<hbm>>
        tpu.enqueue_dma source(%dma_start3A_25 : memref<2000xf32, #tpu.memory_space<hbm>>) target(%arg8 : memref<2000xf32, #tpu.memory_space<vmem>>) target_semaphore(%run_scoped3A : memref<!tpu.dma_semaphore, #tpu.memory_space<semaphore_mem>>)
        %dma_wait3A = tpu.memref_slice %arg3[%multiple_of3A_16] : memref<320000xf32, #tpu.memory_space<hbm>> -> memref<2000xf32, #tpu.memory_space<hbm>>
        %dma_wait3A_26 = tpu.memref_slice %arg3[%multiple_of3A_16] : memref<320000xf32, #tpu.memory_space<hbm>> -> memref<2000xf32, #tpu.memory_space<hbm>>
        tpu.wait_dma2 semaphore(%run_scoped3A : memref<!tpu.dma_semaphore, #tpu.memory_space<semaphore_mem>>) src(%dma_wait3A_26 : memref<2000xf32, #tpu.memory_space<hbm>>) dst(%arg8 : memref<2000xf32, #tpu.memory_space<vmem>>)
        tpu.yield
      }) : () -> ()
      %scan3A_17 = arith.constant 0 : i32
      %scan3A_18 = arith.constant 0 : i32
      %scan3A_19 = arith.constant 125 : i32
      %scan3A_20 = arith.addi %scan3A_18, %scan3A_19 : i32
      %scan3A_21 = arith.constant 1 : i32
      %scan3A_22 = scf.for %scan3A_25 = %scan3A_18 to %scan3A_20 step %scan3A_21 iter_args(%scan3A_26 = %scan3A_17) -> (i32)  : i32 {
        %mul3A_27 = arith.constant 16 : i32
        %mul3A_28 = arith.muli %scan3A_25, %mul3A_27 : i32
        %get3A = arith.index_cast %mul3A_28 : i32 to index
        %get3A_29 = tpu.vector_load %arg7[%get3A] {strides = array<i32>} : memref<2000xi32, #tpu.memory_space<vmem>>, vector<16xi32>,
        %get3A_30 = arith.index_cast %mul3A_28 : i32 to index
        %get3A_31 = tpu.vector_load %arg8[%get3A_30] {strides = array<i32>} : memref<2000xf32, #tpu.memory_space<vmem>>, vector<16xf32>,
        tpu.vector_store_idx %arg6[%get3A_29], %get3A_31 {add = true} : memref<10000xf32, #tpu.memory_space<vmem>>[vector<16xi32>], vector<16xf32>,
        %scan3A_32 = arith.constant 0 : i32
        scf.yield %scan3A_32 : i32
      }
      %scan3A_23 = arith.constant 125 : i32
      %scan3A_24 = arith.constant 0 : i32
      scf.yield %scan3A_24 : i32
    }
    %scan3A_8 = arith.constant 5 : i32
    %mul3A_9 = arith.constant 10000 : i32
    %mul3A_10 = arith.muli %add3A, %mul3A_9 : i32
    %multiple_of3A = tpu.assume_multiple %mul3A_10, 8 : i32
    "tpu.region"() ({
      %run_scoped3A = tpu.sem_alloc : memref<!tpu.dma_semaphore, #tpu.memory_space<semaphore_mem>>
      %dma_start3A = tpu.memref_slice %arg5[%multiple_of3A] : memref<320000xf32, #tpu.memory_space<hbm>> -> memref<10000xf32, #tpu.memory_space<hbm>>
      %dma_start3A_11 = tpu.memref_slice %arg5[%multiple_of3A] : memref<320000xf32, #tpu.memory_space<hbm>> -> memref<10000xf32, #tpu.memory_space<hbm>>
      tpu.enqueue_dma source(%arg6 : memref<10000xf32, #tpu.memory_space<vmem>>) target(%dma_start3A_11 : memref<10000xf32, #tpu.memory_space<hbm>>) target_semaphore(%run_scoped3A : memref<!tpu.dma_semaphore, #tpu.memory_space<semaphore_mem>>)
      %dma_wait3A = tpu.memref_slice %arg5[%multiple_of3A] : memref<320000xf32, #tpu.memory_space<hbm>> -> memref<10000xf32, #tpu.memory_space<hbm>>
      %dma_wait3A_12 = tpu.memref_slice %arg5[%multiple_of3A] : memref<320000xf32, #tpu.memory_space<hbm>> -> memref<10000xf32, #tpu.memory_space<hbm>>
      tpu.wait_dma2 semaphore(%run_scoped3A : memref<!tpu.dma_semaphore, #tpu.memory_space<semaphore_mem>>) src(%arg6 : memref<10000xf32, #tpu.memory_space<vmem>>) dst(%dma_wait3A_12 : memref<10000xf32, #tpu.memory_space<hbm>>)
      tpu.yield
    }) : () -> ()
    return
  }
}

module attributes {stable_mosaic.version = 14 : i64} {
  func.func @_logits_body(%arg0: i32, %arg1: memref<2560x128xf32, #tpu.memory_space<vmem>>, %arg2: memref<2560x128xf32, #tpu.memory_space<vmem>>, %arg3: memref<2560x16xf32, #tpu.memory_space<vmem>>, %arg4: memref<16x128xf32, #tpu.memory_space<vmem>>, %arg5: memref<1x128xf32, #tpu.memory_space<vmem>>, %arg6: memref<1x20x128xf32, #tpu.memory_space<vmem>>, %arg7: memref<2560x128xf32, #tpu.memory_space<vmem>>) attributes {dimension_semantics = [#tpu.dimension_semantics<arbitrary>], iteration_bounds = array<i64: 125>, scalar_prefetch = 0 : i64, scratch_operands = 0 : i64, tpu.core_type = #tpu.core_type<tc>, window_params = [{transform_indices = @transform_0, window_bounds = array<i64: 2560, 128>}, {transform_indices = @transform_1, window_bounds = array<i64: 2560, 128>}, {transform_indices = @transform_2, window_bounds = array<i64: 2560, 16>}, {pipeline_mode = #tpu.pipeline_mode<synchronous>, transform_indices = @transform_3, window_bounds = array<i64: 16, 128>}, {pipeline_mode = #tpu.pipeline_mode<synchronous>, transform_indices = @transform_4, window_bounds = array<i64: 1, 128>}, {transform_indices = @transform_5, window_bounds = array<i64: 1, 20, 128>}, {transform_indices = @transform_6, window_bounds = array<i64: 2560, 128>}]} {
    %get3A = arith.constant 0 : index
    %get3A_0 = arith.constant 0 : index
    %get3A_1 = vector.load %arg3[%get3A, %get3A_0] : memref<2560x16xf32, #tpu.memory_space<vmem>>, vector<2560x16xf32>
    %get3A_2 = arith.constant 0 : index
    %get3A_3 = arith.constant 0 : index
    %get3A_4 = vector.load %arg4[%get3A_2, %get3A_3] : memref<16x128xf32, #tpu.memory_space<vmem>>, vector<16x128xf32>
    %dot_general3A = arith.constant dense<0.000000e+00> : vector<2560x128xf32>
    %dot_general3A_5 = tpu.matmul %get3A_1, %get3A_4, %dot_general3A {dimension_numbers = #tpu.dot_dimension_numbers<[1], [0], [0], [1], [0, 0, 1, 1], [], []>, transpose_lhs_hint = false} : vector<2560x16xf32>, vector<16x128xf32>, vector<2560x128xf32> -> vector<2560x128xf32>
    %get3A_6 = arith.constant 0 : index
    %get3A_7 = arith.constant 0 : index
    %get3A_8 = vector.load %arg1[%get3A_6, %get3A_7] : memref<2560x128xf32, #tpu.memory_space<vmem>>, vector<2560x128xf32>
    %get3A_9 = arith.constant 0 : index
    %get3A_10 = arith.constant 0 : index
    %get3A_11 = vector.load %arg2[%get3A_9, %get3A_10] : memref<2560x128xf32, #tpu.memory_space<vmem>>, vector<2560x128xf32>
    %add3A = arith.addf %get3A_8, %get3A_11 : vector<2560x128xf32>
    %add3A_12 = arith.addf %add3A, %dot_general3A_5 : vector<2560x128xf32>
    %mul3A = arith.constant 2.000000e-01 : f32
    %mul3A_13 = vector.broadcast %mul3A : f32 to vector<2560x128xf32>
    %mul3A_14 = arith.mulf %mul3A_13, %add3A_12 : vector<2560x128xf32>
    %max3A = arith.maximumf %add3A_12, %mul3A_14 : vector<2560x128xf32>
    %get3A_15 = arith.constant 0 : index
    %get3A_16 = arith.constant 0 : index
    %get3A_17 = vector.load %arg5[%get3A_15, %get3A_16] : memref<1x128xf32, #tpu.memory_space<vmem>>, vector<1x128xf32>
    %mul3A_18 = vector.broadcast %get3A_17 : vector<1x128xf32> to vector<2560x128xf32>
    %mul3A_19 = arith.mulf %max3A, %mul3A_18 : vector<2560x128xf32>
    %reduce_sum3A = arith.constant dense<0.000000e+00> : vector<2560xf32>
    %reduce_sum3A_20 = vector.multi_reduction <add>, %mul3A_19, %reduce_sum3A [1] : vector<2560x128xf32> to vector<2560xf32>
    %exp3A = math.exp %reduce_sum3A_20 : vector<2560xf32>
    %reshape3A = vector.shape_cast %exp3A : vector<2560xf32> to vector<1x20x128xf32>
    %swap3A = arith.constant 0 : index
    %swap3A_21 = arith.constant 0 : index
    %swap3A_22 = arith.constant 0 : index
    %swap3A_23 = vector.load %arg6[%swap3A, %swap3A_21, %swap3A_22] : memref<1x20x128xf32, #tpu.memory_space<vmem>>, vector<1x20x128xf32>
    tpu.vector_store %arg6[%swap3A, %swap3A_21, %swap3A_22], %reshape3A {strides = array<i32>} : memref<1x20x128xf32, #tpu.memory_space<vmem>>, vector<1x20x128xf32>,
    %broadcast_in_dim3A = vector.shape_cast %exp3A : vector<2560xf32> to vector<2560x1xf32>
    %mul3A_24 = vector.broadcast %broadcast_in_dim3A : vector<2560x1xf32> to vector<2560x128xf32>
    %mul3A_25 = arith.mulf %get3A_8, %mul3A_24 : vector<2560x128xf32>
    %swap3A_26 = arith.constant 0 : index
    %swap3A_27 = arith.constant 0 : index
    %swap3A_28 = vector.load %arg7[%swap3A_26, %swap3A_27] : memref<2560x128xf32, #tpu.memory_space<vmem>>, vector<2560x128xf32>
    tpu.vector_store %arg7[%swap3A_26, %swap3A_27], %mul3A_25 {strides = array<i32>} : memref<2560x128xf32, #tpu.memory_space<vmem>>, vector<2560x128xf32>,
    return
  }
  func.func @transform_0(%arg0: i32) -> (i32, i32) {
    %c0_i32 = arith.constant 0 : i32
    %c0_i32_0 = arith.constant 0 : i32
    return %arg0, %c0_i32 : i32, i32
  }
  func.func @transform_1(%arg0: i32) -> (i32, i32) {
    %c0_i32 = arith.constant 0 : i32
    %c0_i32_0 = arith.constant 0 : i32
    return %arg0, %c0_i32 : i32, i32
  }
  func.func @transform_2(%arg0: i32) -> (i32, i32) {
    %c0_i32 = arith.constant 0 : i32
    %c0_i32_0 = arith.constant 0 : i32
    return %arg0, %c0_i32 : i32, i32
  }
  func.func @transform_3(%arg0: i32) -> (i32, i32) {
    %c0_i32 = arith.constant 0 : i32
    %c0_i32_0 = arith.constant 0 : i32
    %c0_i32_1 = arith.constant 0 : i32
    return %c0_i32, %c0_i32_0 : i32, i32
  }
  func.func @transform_4(%arg0: i32) -> (i32, i32) {
    %c0_i32 = arith.constant 0 : i32
    %c0_i32_0 = arith.constant 0 : i32
    %c0_i32_1 = arith.constant 0 : i32
    return %c0_i32, %c0_i32_0 : i32, i32
  }
  func.func @transform_5(%arg0: i32) -> (i32, i32, i32) {
    %c0_i32 = arith.constant 0 : i32
    %c0_i32_0 = arith.constant 0 : i32
    %c0_i32_1 = arith.constant 0 : i32
    return %arg0, %c0_i32, %c0_i32_0 : i32, i32, i32
  }
  func.func @transform_6(%arg0: i32) -> (i32, i32) {
    %c0_i32 = arith.constant 0 : i32
    %c0_i32_0 = arith.constant 0 : i32
    return %arg0, %c0_i32 : i32, i32
  }
}

module attributes {stable_mosaic.version = 14 : i64} {
  func.func @_mm2_body(%arg0: i32, %arg1: memref<2000x128xf32, #tpu.memory_space<vmem>>, %arg2: memref<128x128xf32, #tpu.memory_space<vmem>>, %arg3: memref<1x128xf32, #tpu.memory_space<vmem>>, %arg4: memref<128x128xf32, #tpu.memory_space<vmem>>, %arg5: memref<1x128xf32, #tpu.memory_space<vmem>>, %arg6: memref<2000x128xf32, #tpu.memory_space<vmem>>, %arg7: memref<2000x128xf32, #tpu.memory_space<vmem>>) attributes {dimension_semantics = [#tpu.dimension_semantics<arbitrary>], iteration_bounds = array<i64: 5>, scalar_prefetch = 0 : i64, scratch_operands = 0 : i64, tpu.core_type = #tpu.core_type<tc>, window_params = [{transform_indices = @transform_0, window_bounds = array<i64: 2000, 128>}, {pipeline_mode = #tpu.pipeline_mode<synchronous>, transform_indices = @transform_1, window_bounds = array<i64: 128, 128>}, {pipeline_mode = #tpu.pipeline_mode<synchronous>, transform_indices = @transform_2, window_bounds = array<i64: 1, 128>}, {pipeline_mode = #tpu.pipeline_mode<synchronous>, transform_indices = @transform_3, window_bounds = array<i64: 128, 128>}, {pipeline_mode = #tpu.pipeline_mode<synchronous>, transform_indices = @transform_4, window_bounds = array<i64: 1, 128>}, {transform_indices = @transform_5, window_bounds = array<i64: 2000, 128>}, {transform_indices = @transform_6, window_bounds = array<i64: 2000, 128>}]} {
    %get3A = arith.constant 0 : index
    %get3A_0 = arith.constant 0 : index
    %get3A_1 = vector.load %arg1[%get3A, %get3A_0] : memref<2000x128xf32, #tpu.memory_space<vmem>>, vector<2000x128xf32>
    %get3A_2 = arith.constant 0 : index
    %get3A_3 = arith.constant 0 : index
    %get3A_4 = vector.load %arg2[%get3A_2, %get3A_3] : memref<128x128xf32, #tpu.memory_space<vmem>>, vector<128x128xf32>
    %dot_general3A = arith.constant dense<0.000000e+00> : vector<2000x128xf32>
    %dot_general3A_5 = tpu.matmul %get3A_1, %get3A_4, %dot_general3A {dimension_numbers = #tpu.dot_dimension_numbers<[1], [0], [0], [1], [0, 0, 1, 1], [], []>, transpose_lhs_hint = false} : vector<2000x128xf32>, vector<128x128xf32>, vector<2000x128xf32> -> vector<2000x128xf32>
    %get3A_6 = arith.constant 0 : index
    %get3A_7 = arith.constant 0 : index
    %get3A_8 = vector.load %arg3[%get3A_6, %get3A_7] : memref<1x128xf32, #tpu.memory_space<vmem>>, vector<1x128xf32>
    %add3A = vector.broadcast %get3A_8 : vector<1x128xf32> to vector<2000x128xf32>
    %add3A_9 = arith.addf %dot_general3A_5, %add3A : vector<2000x128xf32>
    %swap3A = arith.constant 0 : index
    %swap3A_10 = arith.constant 0 : index
    %swap3A_11 = vector.load %arg6[%swap3A, %swap3A_10] : memref<2000x128xf32, #tpu.memory_space<vmem>>, vector<2000x128xf32>
    tpu.vector_store %arg6[%swap3A, %swap3A_10], %add3A_9 {strides = array<i32>} : memref<2000x128xf32, #tpu.memory_space<vmem>>, vector<2000x128xf32>,
    %get3A_12 = arith.constant 0 : index
    %get3A_13 = arith.constant 0 : index
    %get3A_14 = vector.load %arg4[%get3A_12, %get3A_13] : memref<128x128xf32, #tpu.memory_space<vmem>>, vector<128x128xf32>
    %dot_general3A_15 = arith.constant dense<0.000000e+00> : vector<2000x128xf32>
    %dot_general3A_16 = tpu.matmul %get3A_1, %get3A_14, %dot_general3A_15 {dimension_numbers = #tpu.dot_dimension_numbers<[1], [0], [0], [1], [0, 0, 1, 1], [], []>, transpose_lhs_hint = false} : vector<2000x128xf32>, vector<128x128xf32>, vector<2000x128xf32> -> vector<2000x128xf32>
    %get3A_17 = arith.constant 0 : index
    %get3A_18 = arith.constant 0 : index
    %get3A_19 = vector.load %arg5[%get3A_17, %get3A_18] : memref<1x128xf32, #tpu.memory_space<vmem>>, vector<1x128xf32>
    %add3A_20 = vector.broadcast %get3A_19 : vector<1x128xf32> to vector<2000x128xf32>
    %add3A_21 = arith.addf %dot_general3A_16, %add3A_20 : vector<2000x128xf32>
    %swap3A_22 = arith.constant 0 : index
    %swap3A_23 = arith.constant 0 : index
    %swap3A_24 = vector.load %arg7[%swap3A_22, %swap3A_23] : memref<2000x128xf32, #tpu.memory_space<vmem>>, vector<2000x128xf32>
    tpu.vector_store %arg7[%swap3A_22, %swap3A_23], %add3A_21 {strides = array<i32>} : memref<2000x128xf32, #tpu.memory_space<vmem>>, vector<2000x128xf32>,
    return
  }
  func.func @transform_0(%arg0: i32) -> (i32, i32) {
    %c0_i32 = arith.constant 0 : i32
    %c0_i32_0 = arith.constant 0 : i32
    return %arg0, %c0_i32 : i32, i32
  }
  func.func @transform_1(%arg0: i32) -> (i32, i32) {
    %c0_i32 = arith.constant 0 : i32
    %c0_i32_0 = arith.constant 0 : i32
    %c0_i32_1 = arith.constant 0 : i32
    return %c0_i32, %c0_i32_0 : i32, i32
  }
  func.func @transform_2(%arg0: i32) -> (i32, i32) {
    %c0_i32 = arith.constant 0 : i32
    %c0_i32_0 = arith.constant 0 : i32
    %c0_i32_1 = arith.constant 0 : i32
    return %c0_i32, %c0_i32_0 : i32, i32
  }
  func.func @transform_3(%arg0: i32) -> (i32, i32) {
    %c0_i32 = arith.constant 0 : i32
    %c0_i32_0 = arith.constant 0 : i32
    %c0_i32_1 = arith.constant 0 : i32
    return %c0_i32, %c0_i32_0 : i32, i32
  }
  func.func @transform_4(%arg0: i32) -> (i32, i32) {
    %c0_i32 = arith.constant 0 : i32
    %c0_i32_0 = arith.constant 0 : i32
    %c0_i32_1 = arith.constant 0 : i32
    return %c0_i32, %c0_i32_0 : i32, i32
  }
  func.func @transform_5(%arg0: i32) -> (i32, i32) {
    %c0_i32 = arith.constant 0 : i32
    %c0_i32_0 = arith.constant 0 : i32
    return %arg0, %c0_i32 : i32, i32
  }
  func.func @transform_6(%arg0: i32) -> (i32, i32) {
    %c0_i32 = arith.constant 0 : i32
    %c0_i32_0 = arith.constant 0 : i32
    return %arg0, %c0_i32 : i32, i32
  }
}

module attributes {stable_mosaic.version = 14 : i64} {
  func.func @_stats_body(%arg0: i32, %arg1: memref<1000x128xf32, #tpu.memory_space<vmem>>, %arg2: memref<1000x128xf32, #tpu.memory_space<vmem>>, %arg3: memref<32x1x1x1000xf32, #tpu.memory_space<vmem>>, %arg4: memref<1x128xf32, #tpu.memory_space<vmem>>, %arg5: memref<1000x128xf32, #tpu.memory_space<vmem>>, %arg6: memref<2x128xf32, #tpu.memory_space<vmem>>) attributes {dimension_semantics = [#tpu.dimension_semantics<arbitrary>], iteration_bounds = array<i64: 10>, scalar_prefetch = 0 : i64, scratch_operands = 0 : i64, tpu.core_type = #tpu.core_type<tc>, window_params = [{transform_indices = @transform_0, window_bounds = array<i64: 1000, 128>}, {transform_indices = @transform_1, window_bounds = array<i64: 1000, 128>}, {transform_indices = @transform_2, window_bounds = array<i64: 32, 1, 1, 1000>}, {pipeline_mode = #tpu.pipeline_mode<synchronous>, transform_indices = @transform_3, window_bounds = array<i64: 1, 128>}, {transform_indices = @transform_4, window_bounds = array<i64: 1000, 128>}, {pipeline_mode = #tpu.pipeline_mode<synchronous>, transform_indices = @transform_5, window_bounds = array<i64: 2, 128>}]} {
    %get3A = arith.constant 0 : index
    %get3A_0 = arith.constant 0 : index
    %get3A_1 = arith.constant 0 : index
    %get3A_2 = arith.constant 0 : index
    %get3A_3 = vector.load %arg3[%get3A, %get3A_0, %get3A_1, %get3A_2] : memref<32x1x1x1000xf32, #tpu.memory_space<vmem>>, vector<32x1x1x1000xf32>
    %reshape3A = vector.shape_cast %get3A_3 : vector<32x1x1x1000xf32> to vector<32x1000xf32>
    %reduce_sum3A = arith.constant dense<0.000000e+00> : vector<1000xf32>
    %reduce_sum3A_4 = vector.multi_reduction <add>, %reshape3A, %reduce_sum3A [0] : vector<32x1000xf32> to vector<1000xf32>
    %add3A = arith.constant 1.000000e-16 : f32
    %add3A_5 = vector.broadcast %add3A : f32 to vector<1000xf32>
    %add3A_6 = arith.addf %reduce_sum3A_4, %add3A_5 : vector<1000xf32>
    %get3A_7 = arith.constant 0 : index
    %get3A_8 = arith.constant 0 : index
    %get3A_9 = vector.load %arg1[%get3A_7, %get3A_8] : memref<1000x128xf32, #tpu.memory_space<vmem>>, vector<1000x128xf32>
    %get3A_10 = arith.constant 0 : index
    %get3A_11 = arith.constant 0 : index
    %get3A_12 = vector.load %arg2[%get3A_10, %get3A_11] : memref<1000x128xf32, #tpu.memory_space<vmem>>, vector<1000x128xf32>
    %add3A_13 = arith.addf %get3A_9, %get3A_12 : vector<1000x128xf32>
    %broadcast_in_dim3A = vector.shape_cast %add3A_6 : vector<1000xf32> to vector<1000x1xf32>
    %div3A = vector.broadcast %broadcast_in_dim3A : vector<1000x1xf32> to vector<1000x128xf32>
    %div3A_14 = arith.divf %add3A_13, %div3A : vector<1000x128xf32>
    %get3A_15 = arith.constant 0 : index
    %get3A_16 = arith.constant 0 : index
    %get3A_17 = vector.load %arg4[%get3A_15, %get3A_16] : memref<1x128xf32, #tpu.memory_space<vmem>>, vector<1x128xf32>
    %add3A_18 = vector.broadcast %get3A_17 : vector<1x128xf32> to vector<1000x128xf32>
    %add3A_19 = arith.addf %div3A_14, %add3A_18 : vector<1000x128xf32>
    %max3A = arith.constant 0.000000e+00 : f32
    %max3A_20 = vector.broadcast %max3A : f32 to vector<1000x128xf32>
    %max3A_21 = arith.maximumf %add3A_19, %max3A_20 : vector<1000x128xf32>
    %swap3A = arith.constant 0 : index
    %swap3A_22 = arith.constant 0 : index
    %swap3A_23 = vector.load %arg5[%swap3A, %swap3A_22] : memref<1000x128xf32, #tpu.memory_space<vmem>>, vector<1000x128xf32>
    tpu.vector_store %arg5[%swap3A, %swap3A_22], %max3A_21 {strides = array<i32>} : memref<1000x128xf32, #tpu.memory_space<vmem>>, vector<1000x128xf32>,
    %reduce_sum3A_24 = arith.constant dense<0.000000e+00> : vector<128xf32>
    %reduce_sum3A_25 = vector.multi_reduction <add>, %max3A_21, %reduce_sum3A_24 [0] : vector<1000x128xf32> to vector<128xf32>
    %broadcast_in_dim3A_26 = vector.shape_cast %reduce_sum3A_25 : vector<128xf32> to vector<1x128xf32>
    %mul3A = arith.mulf %max3A_21, %max3A_21 : vector<1000x128xf32>
    %reduce_sum3A_27 = arith.constant dense<0.000000e+00> : vector<128xf32>
    %reduce_sum3A_28 = vector.multi_reduction <add>, %mul3A, %reduce_sum3A_27 [0] : vector<1000x128xf32> to vector<128xf32>
    %broadcast_in_dim3A_29 = vector.shape_cast %reduce_sum3A_28 : vector<128xf32> to vector<1x128xf32>
    %concatenate3A = tpu.concatenate %broadcast_in_dim3A_26, %broadcast_in_dim3A_29 in 0 : vector<1x128xf32>, vector<1x128xf32> -> vector<2x128xf32>
    %eq3A = arith.constant 0 : i32
    %eq3A_30 = arith.cmpi eq, %arg0, %eq3A : i32
    %convert_element_type3A = arith.extui %eq3A_30 : i1 to i32
    %cond3A = arith.constant 0 : i32
    %cond3A_31 = arith.cmpi ne, %convert_element_type3A, %cond3A : i32
    scf.if %cond3A_31 {
      %broadcast_in_dim3A_39 = arith.constant 0.000000e+00 : f32
      %broadcast_in_dim3A_40 = vector.broadcast %broadcast_in_dim3A_39 : f32 to vector<2x128xf32>
      %swap3A_41 = arith.constant 0 : index
      %swap3A_42 = arith.constant 0 : index
      %swap3A_43 = vector.load %arg6[%swap3A_41, %swap3A_42] : memref<2x128xf32, #tpu.memory_space<vmem>>, vector<2x128xf32>
      tpu.vector_store %arg6[%swap3A_41, %swap3A_42], %broadcast_in_dim3A_40 {strides = array<i32>} : memref<2x128xf32, #tpu.memory_space<vmem>>, vector<2x128xf32>,
    } else {
    }
    %get3A_32 = arith.constant 0 : index
    %get3A_33 = arith.constant 0 : index
    %get3A_34 = vector.load %arg6[%get3A_32, %get3A_33] : memref<2x128xf32, #tpu.memory_space<vmem>>, vector<2x128xf32>
    %add3A_35 = arith.addf %get3A_34, %concatenate3A : vector<2x128xf32>
    %swap3A_36 = arith.constant 0 : index
    %swap3A_37 = arith.constant 0 : index
    %swap3A_38 = vector.load %arg6[%swap3A_36, %swap3A_37] : memref<2x128xf32, #tpu.memory_space<vmem>>, vector<2x128xf32>
    tpu.vector_store %arg6[%swap3A_36, %swap3A_37], %add3A_35 {strides = array<i32>} : memref<2x128xf32, #tpu.memory_space<vmem>>, vector<2x128xf32>,
    return
  }
  func.func @transform_0(%arg0: i32) -> (i32, i32) {
    %c0_i32 = arith.constant 0 : i32
    %c0_i32_0 = arith.constant 0 : i32
    return %arg0, %c0_i32 : i32, i32
  }
  func.func @transform_1(%arg0: i32) -> (i32, i32) {
    %c0_i32 = arith.constant 0 : i32
    %c0_i32_0 = arith.constant 0 : i32
    return %arg0, %c0_i32 : i32, i32
  }
  func.func @transform_2(%arg0: i32) -> (i32, i32, i32, i32) {
    %c0_i32 = arith.constant 0 : i32
    %c0_i32_0 = arith.constant 0 : i32
    %c0_i32_1 = arith.constant 0 : i32
    %c0_i32_2 = arith.constant 0 : i32
    return %c0_i32, %arg0, %c0_i32_0, %c0_i32_1 : i32, i32, i32, i32
  }
  func.func @transform_3(%arg0: i32) -> (i32, i32) {
    %c0_i32 = arith.constant 0 : i32
    %c0_i32_0 = arith.constant 0 : i32
    %c0_i32_1 = arith.constant 0 : i32
    return %c0_i32, %c0_i32_0 : i32, i32
  }
  func.func @transform_4(%arg0: i32) -> (i32, i32) {
    %c0_i32 = arith.constant 0 : i32
    %c0_i32_0 = arith.constant 0 : i32
    return %arg0, %c0_i32 : i32, i32
  }
  func.func @transform_5(%arg0: i32) -> (i32, i32) {
    %c0_i32 = arith.constant 0 : i32
    %c0_i32_0 = arith.constant 0 : i32
    %c0_i32_1 = arith.constant 0 : i32
    return %c0_i32, %c0_i32_0 : i32, i32
  }
}

module attributes {stable_mosaic.version = 14 : i64} {
  func.func @_bn_norm_body(%arg0: i32, %arg1: memref<1000x128xf32, #tpu.memory_space<vmem>>, %arg2: memref<2x128xf32, #tpu.memory_space<vmem>>, %arg3: memref<1x128xf32, #tpu.memory_space<vmem>>, %arg4: memref<1x128xf32, #tpu.memory_space<vmem>>, %arg5: memref<1000x128xf32, #tpu.memory_space<vmem>>) attributes {dimension_semantics = [#tpu.dimension_semantics<arbitrary>], iteration_bounds = array<i64: 10>, scalar_prefetch = 0 : i64, scratch_operands = 0 : i64, tpu.core_type = #tpu.core_type<tc>, window_params = [{transform_indices = @transform_0, window_bounds = array<i64: 1000, 128>}, {pipeline_mode = #tpu.pipeline_mode<synchronous>, transform_indices = @transform_1, window_bounds = array<i64: 2, 128>}, {pipeline_mode = #tpu.pipeline_mode<synchronous>, transform_indices = @transform_2, window_bounds = array<i64: 1, 128>}, {pipeline_mode = #tpu.pipeline_mode<synchronous>, transform_indices = @transform_3, window_bounds = array<i64: 1, 128>}, {transform_indices = @transform_4, window_bounds = array<i64: 1000, 128>}]} {
    %get3A = arith.constant 0 : index
    %get3A_0 = arith.constant 0 : index
    %get3A_1 = vector.load %arg2[%get3A, %get3A_0] : memref<2x128xf32, #tpu.memory_space<vmem>>, vector<1x128xf32>
    %mul3A = arith.constant 9.99999974E-5 : f32
    %mul3A_2 = vector.broadcast %mul3A : f32 to vector<1x128xf32>
    %mul3A_3 = arith.mulf %get3A_1, %mul3A_2 : vector<1x128xf32>
    %get3A_4 = arith.constant 1 : index
    %get3A_5 = arith.constant 0 : index
    %get3A_6 = vector.load %arg2[%get3A_4, %get3A_5] : memref<2x128xf32, #tpu.memory_space<vmem>>, vector<1x128xf32>
    %mul3A_7 = arith.constant 9.99999974E-5 : f32
    %mul3A_8 = vector.broadcast %mul3A_7 : f32 to vector<1x128xf32>
    %mul3A_9 = arith.mulf %get3A_6, %mul3A_8 : vector<1x128xf32>
    %mul3A_10 = arith.mulf %mul3A_3, %mul3A_3 : vector<1x128xf32>
    %sub3A = arith.subf %mul3A_9, %mul3A_10 : vector<1x128xf32>
    %get3A_11 = arith.constant 0 : index
    %get3A_12 = arith.constant 0 : index
    %get3A_13 = vector.load %arg1[%get3A_11, %get3A_12] : memref<1000x128xf32, #tpu.memory_space<vmem>>, vector<1000x128xf32>
    %sub3A_14 = vector.broadcast %mul3A_3 : vector<1x128xf32> to vector<1000x128xf32>
    %sub3A_15 = arith.subf %get3A_13, %sub3A_14 : vector<1000x128xf32>
    %add3A = arith.constant 9.99999974E-6 : f32
    %add3A_16 = vector.broadcast %add3A : f32 to vector<1x128xf32>
    %add3A_17 = arith.addf %sub3A, %add3A_16 : vector<1x128xf32>
    %rsqrt3A = math.rsqrt %add3A_17 : vector<1x128xf32>
    %mul3A_18 = vector.broadcast %rsqrt3A : vector<1x128xf32> to vector<1000x128xf32>
    %mul3A_19 = arith.mulf %sub3A_15, %mul3A_18 : vector<1000x128xf32>
    %get3A_20 = arith.constant 0 : index
    %get3A_21 = arith.constant 0 : index
    %get3A_22 = vector.load %arg3[%get3A_20, %get3A_21] : memref<1x128xf32, #tpu.memory_space<vmem>>, vector<1x128xf32>
    %mul3A_23 = vector.broadcast %get3A_22 : vector<1x128xf32> to vector<1000x128xf32>
    %mul3A_24 = arith.mulf %mul3A_19, %mul3A_23 : vector<1000x128xf32>
    %get3A_25 = arith.constant 0 : index
    %get3A_26 = arith.constant 0 : index
    %get3A_27 = vector.load %arg4[%get3A_25, %get3A_26] : memref<1x128xf32, #tpu.memory_space<vmem>>, vector<1x128xf32>
    %add3A_28 = vector.broadcast %get3A_27 : vector<1x128xf32> to vector<1000x128xf32>
    %add3A_29 = arith.addf %mul3A_24, %add3A_28 : vector<1000x128xf32>
    %swap3A = arith.constant 0 : index
    %swap3A_30 = arith.constant 0 : index
    %swap3A_31 = vector.load %arg5[%swap3A, %swap3A_30] : memref<1000x128xf32, #tpu.memory_space<vmem>>, vector<1000x128xf32>
    tpu.vector_store %arg5[%swap3A, %swap3A_30], %add3A_29 {strides = array<i32>} : memref<1000x128xf32, #tpu.memory_space<vmem>>, vector<1000x128xf32>,
    return
  }
  func.func @transform_0(%arg0: i32) -> (i32, i32) {
    %c0_i32 = arith.constant 0 : i32
    %c0_i32_0 = arith.constant 0 : i32
    return %arg0, %c0_i32 : i32, i32
  }
  func.func @transform_1(%arg0: i32) -> (i32, i32) {
    %c0_i32 = arith.constant 0 : i32
    %c0_i32_0 = arith.constant 0 : i32
    %c0_i32_1 = arith.constant 0 : i32
    return %c0_i32, %c0_i32_0 : i32, i32
  }
  func.func @transform_2(%arg0: i32) -> (i32, i32) {
    %c0_i32 = arith.constant 0 : i32
    %c0_i32_0 = arith.constant 0 : i32
    %c0_i32_1 = arith.constant 0 : i32
    return %c0_i32, %c0_i32_0 : i32, i32
  }
  func.func @transform_3(%arg0: i32) -> (i32, i32) {
    %c0_i32 = arith.constant 0 : i32
    %c0_i32_0 = arith.constant 0 : i32
    %c0_i32_1 = arith.constant 0 : i32
    return %c0_i32, %c0_i32_0 : i32, i32
  }
  func.func @transform_4(%arg0: i32) -> (i32, i32) {
    %c0_i32 = arith.constant 0 : i32
    %c0_i32_0 = arith.constant 0 : i32
    return %arg0, %c0_i32 : i32, i32
  }
}

module attributes {stable_mosaic.version = 14 : i64} {
  func.func @_mm1_body(%arg0: i32, %arg1: memref<2000x128xf32, #tpu.memory_space<vmem>>, %arg2: memref<128x128xf32, #tpu.memory_space<vmem>>, %arg3: memref<1x128xf32, #tpu.memory_space<vmem>>, %arg4: memref<2000x128xf32, #tpu.memory_space<vmem>>) attributes {dimension_semantics = [#tpu.dimension_semantics<arbitrary>], iteration_bounds = array<i64: 5>, scalar_prefetch = 0 : i64, scratch_operands = 0 : i64, tpu.core_type = #tpu.core_type<tc>, window_params = [{transform_indices = @transform_0, window_bounds = array<i64: 2000, 128>}, {pipeline_mode = #tpu.pipeline_mode<synchronous>, transform_indices = @transform_1, window_bounds = array<i64: 128, 128>}, {pipeline_mode = #tpu.pipeline_mode<synchronous>, transform_indices = @transform_2, window_bounds = array<i64: 1, 128>}, {transform_indices = @transform_3, window_bounds = array<i64: 2000, 128>}]} {
    %get3A = arith.constant 0 : index
    %get3A_0 = arith.constant 0 : index
    %get3A_1 = vector.load %arg1[%get3A, %get3A_0] : memref<2000x128xf32, #tpu.memory_space<vmem>>, vector<2000x128xf32>
    %get3A_2 = arith.constant 0 : index
    %get3A_3 = arith.constant 0 : index
    %get3A_4 = vector.load %arg2[%get3A_2, %get3A_3] : memref<128x128xf32, #tpu.memory_space<vmem>>, vector<128x128xf32>
    %dot_general3A = arith.constant dense<0.000000e+00> : vector<2000x128xf32>
    %dot_general3A_5 = tpu.matmul %get3A_1, %get3A_4, %dot_general3A {dimension_numbers = #tpu.dot_dimension_numbers<[1], [0], [0], [1], [0, 0, 1, 1], [], []>, transpose_lhs_hint = false} : vector<2000x128xf32>, vector<128x128xf32>, vector<2000x128xf32> -> vector<2000x128xf32>
    %get3A_6 = arith.constant 0 : index
    %get3A_7 = arith.constant 0 : index
    %get3A_8 = vector.load %arg3[%get3A_6, %get3A_7] : memref<1x128xf32, #tpu.memory_space<vmem>>, vector<1x128xf32>
    %add3A = vector.broadcast %get3A_8 : vector<1x128xf32> to vector<2000x128xf32>
    %add3A_9 = arith.addf %dot_general3A_5, %add3A : vector<2000x128xf32>
    %swap3A = arith.constant 0 : index
    %swap3A_10 = arith.constant 0 : index
    %swap3A_11 = vector.load %arg4[%swap3A, %swap3A_10] : memref<2000x128xf32, #tpu.memory_space<vmem>>, vector<2000x128xf32>
    tpu.vector_store %arg4[%swap3A, %swap3A_10], %add3A_9 {strides = array<i32>} : memref<2000x128xf32, #tpu.memory_space<vmem>>, vector<2000x128xf32>,
    return
  }
  func.func @transform_0(%arg0: i32) -> (i32, i32) {
    %c0_i32 = arith.constant 0 : i32
    %c0_i32_0 = arith.constant 0 : i32
    return %arg0, %c0_i32 : i32, i32
  }
  func.func @transform_1(%arg0: i32) -> (i32, i32) {
    %c0_i32 = arith.constant 0 : i32
    %c0_i32_0 = arith.constant 0 : i32
    %c0_i32_1 = arith.constant 0 : i32
    return %c0_i32, %c0_i32_0 : i32, i32
  }
  func.func @transform_2(%arg0: i32) -> (i32, i32) {
    %c0_i32 = arith.constant 0 : i32
    %c0_i32_0 = arith.constant 0 : i32
    %c0_i32_1 = arith.constant 0 : i32
    return %c0_i32, %c0_i32_0 : i32, i32
  }
  func.func @transform_3(%arg0: i32) -> (i32, i32) {
    %c0_i32 = arith.constant 0 : i32
    %c0_i32_0 = arith.constant 0 : i32
    return %arg0, %c0_i32 : i32, i32
  }
}

module attributes {stable_mosaic.version = 14 : i64} {
  func.func @_bn_pool_body(%arg0: i32, %arg1: memref<1000x128xf32, #tpu.memory_space<vmem>>, %arg2: memref<2x128xf32, #tpu.memory_space<vmem>>, %arg3: memref<1x128xf32, #tpu.memory_space<vmem>>, %arg4: memref<1x128xf32, #tpu.memory_space<vmem>>, %arg5: memref<1000x1xi32, #tpu.memory_space<vmem>>, %arg6: memref<64x128xf32, #tpu.memory_space<vmem>>) attributes {dimension_semantics = [#tpu.dimension_semantics<arbitrary>], iteration_bounds = array<i64: 10>, scalar_prefetch = 0 : i64, scratch_operands = 0 : i64, tpu.core_type = #tpu.core_type<tc>, window_params = [{transform_indices = @transform_0, window_bounds = array<i64: 1000, 128>}, {pipeline_mode = #tpu.pipeline_mode<synchronous>, transform_indices = @transform_1, window_bounds = array<i64: 2, 128>}, {pipeline_mode = #tpu.pipeline_mode<synchronous>, transform_indices = @transform_2, window_bounds = array<i64: 1, 128>}, {pipeline_mode = #tpu.pipeline_mode<synchronous>, transform_indices = @transform_3, window_bounds = array<i64: 1, 128>}, {transform_indices = @transform_4, window_bounds = array<i64: 1000, 1>}, {pipeline_mode = #tpu.pipeline_mode<synchronous>, transform_indices = @transform_5, window_bounds = array<i64: 64, 128>}]} {
    %get3A = arith.constant 0 : index
    %get3A_0 = arith.constant 0 : index
    %get3A_1 = vector.load %arg2[%get3A, %get3A_0] : memref<2x128xf32, #tpu.memory_space<vmem>>, vector<1x128xf32>
    %mul3A = arith.constant 9.99999974E-5 : f32
    %mul3A_2 = vector.broadcast %mul3A : f32 to vector<1x128xf32>
    %mul3A_3 = arith.mulf %get3A_1, %mul3A_2 : vector<1x128xf32>
    %get3A_4 = arith.constant 1 : index
    %get3A_5 = arith.constant 0 : index
    %get3A_6 = vector.load %arg2[%get3A_4, %get3A_5] : memref<2x128xf32, #tpu.memory_space<vmem>>, vector<1x128xf32>
    %mul3A_7 = arith.constant 9.99999974E-5 : f32
    %mul3A_8 = vector.broadcast %mul3A_7 : f32 to vector<1x128xf32>
    %mul3A_9 = arith.mulf %get3A_6, %mul3A_8 : vector<1x128xf32>
    %mul3A_10 = arith.mulf %mul3A_3, %mul3A_3 : vector<1x128xf32>
    %sub3A = arith.subf %mul3A_9, %mul3A_10 : vector<1x128xf32>
    %get3A_11 = arith.constant 0 : index
    %get3A_12 = arith.constant 0 : index
    %get3A_13 = vector.load %arg1[%get3A_11, %get3A_12] : memref<1000x128xf32, #tpu.memory_space<vmem>>, vector<1000x128xf32>
    %sub3A_14 = vector.broadcast %mul3A_3 : vector<1x128xf32> to vector<1000x128xf32>
    %sub3A_15 = arith.subf %get3A_13, %sub3A_14 : vector<1000x128xf32>
    %add3A = arith.constant 9.99999974E-6 : f32
    %add3A_16 = vector.broadcast %add3A : f32 to vector<1x128xf32>
    %add3A_17 = arith.addf %sub3A, %add3A_16 : vector<1x128xf32>
    %rsqrt3A = math.rsqrt %add3A_17 : vector<1x128xf32>
    %mul3A_18 = vector.broadcast %rsqrt3A : vector<1x128xf32> to vector<1000x128xf32>
    %mul3A_19 = arith.mulf %sub3A_15, %mul3A_18 : vector<1000x128xf32>
    %get3A_20 = arith.constant 0 : index
    %get3A_21 = arith.constant 0 : index
    %get3A_22 = vector.load %arg3[%get3A_20, %get3A_21] : memref<1x128xf32, #tpu.memory_space<vmem>>, vector<1x128xf32>
    %mul3A_23 = vector.broadcast %get3A_22 : vector<1x128xf32> to vector<1000x128xf32>
    %mul3A_24 = arith.mulf %mul3A_19, %mul3A_23 : vector<1000x128xf32>
    %get3A_25 = arith.constant 0 : index
    %get3A_26 = arith.constant 0 : index
    %get3A_27 = vector.load %arg4[%get3A_25, %get3A_26] : memref<1x128xf32, #tpu.memory_space<vmem>>, vector<1x128xf32>
    %add3A_28 = vector.broadcast %get3A_27 : vector<1x128xf32> to vector<1000x128xf32>
    %add3A_29 = arith.addf %mul3A_24, %add3A_28 : vector<1000x128xf32>
    %get3A_30 = arith.constant 0 : index
    %get3A_31 = arith.constant 0 : index
    %get3A_32 = vector.load %arg5[%get3A_30, %get3A_31] : memref<1000x1xi32, #tpu.memory_space<vmem>>, vector<1000x1xi32>
    %eq3A = arith.constant 0 : i32
    %eq3A_33 = arith.cmpi eq, %arg0, %eq3A : i32
    %convert_element_type3A = arith.extui %eq3A_33 : i1 to i32
    %cond3A = arith.constant 0 : i32
    %cond3A_34 = arith.cmpi ne, %convert_element_type3A, %cond3A : i32
    scf.if %cond3A_34 {
      %broadcast_in_dim3A = arith.constant 0xFF800000 : f32
      %broadcast_in_dim3A_55 = vector.broadcast %broadcast_in_dim3A : f32 to vector<64x128xf32>
      %swap3A = arith.constant 0 : index
      %swap3A_56 = arith.constant 0 : index
      %swap3A_57 = vector.load %arg6[%swap3A, %swap3A_56] : memref<64x128xf32, #tpu.memory_space<vmem>>, vector<64x128xf32>
      tpu.vector_store %arg6[%swap3A, %swap3A_56], %broadcast_in_dim3A_55 {strides = array<i32>} : memref<64x128xf32, #tpu.memory_space<vmem>>, vector<64x128xf32>,
    } else {
    }
    %get3A_35 = arith.constant 0 : index
    %get3A_36 = arith.constant 0 : index
    %get3A_37 = vector.load %arg5[%get3A_35, %get3A_36] : memref<1000x1xi32, #tpu.memory_space<vmem>>, vector<1x1xi32>
    %get3A_38 = vector.extract %get3A_37[0, 0] : i32 from vector<1x1xi32>
    %get3A_39 = arith.constant 999 : index
    %get3A_40 = arith.constant 0 : index
    %get3A_41 = vector.load %arg5[%get3A_39, %get3A_40] : memref<1000x1xi32, #tpu.memory_space<vmem>>, vector<1x1xi32>
    %get3A_42 = vector.extract %get3A_41[0, 0] : i32 from vector<1x1xi32>
    %add3A_43 = arith.constant 1 : i32
    %add3A_44 = arith.addi %get3A_42, %add3A_43 : i32
    %while3A = arith.constant 0 : i32
    %while3A_45 = arith.subi %add3A_44, %get3A_38 : i32
    %while3A_46 = arith.addi %get3A_38, %while3A_45 : i32
    %while3A_47 = arith.constant 1 : i32
    %while3A_48 = arith.divsi %while3A_45, %while3A_47 : i32
    %while3A_49 = arith.muli %while3A_48, %while3A_47 : i32
    %while3A_50 = arith.addi %get3A_38, %while3A_49 : i32
    %while3A_51 = arith.constant 1 : i32
    %while3A_52 = scf.for %while3A_55 = %get3A_38 to %while3A_50 step %while3A_51 iter_args(%while3A_56 = %while3A) -> (i32)  : i32 {
      %eq3A_57 = vector.broadcast %while3A_55 : i32 to vector<1000x1xi32>
      %eq3A_58 = arith.cmpi eq, %get3A_32, %eq3A_57 : vector<1000x1xi32>
      %jit3A = arith.constant 0xFF800000 : f32
      %broadcast_in_dim3A = vector.shape_cast %eq3A_58 : vector<1000x1xi1> to vector<1000x1xi1>
      %broadcast_in_dim3A_59 = vector.broadcast %broadcast_in_dim3A : vector<1000x1xi1> to vector<1000x128xi1>
      %broadcast_in_dim3A_60 = vector.broadcast %jit3A : f32 to vector<1000x128xf32>
      %select_n3A = arith.select %broadcast_in_dim3A_59, %add3A_29, %broadcast_in_dim3A_60 : vector<1000x128xi1>, vector<1000x128xf32>
      %reduce_max3A = arith.constant dense<0xFF800000> : vector<128xf32>
      %reduce_max3A_61 = vector.multi_reduction <maximumf>, %select_n3A, %reduce_max3A [0] : vector<1000x128xf32> to vector<128xf32>
      %broadcast_in_dim3A_62 = vector.shape_cast %reduce_max3A_61 : vector<128xf32> to vector<1x128xf32>
      %get3A_63 = arith.index_cast %while3A_55 : i32 to index
      %get3A_64 = arith.constant 0 : index
      %get3A_65 = vector.load %arg6[%get3A_63, %get3A_64] : memref<64x128xf32, #tpu.memory_space<vmem>>, vector<1x128xf32>
      %max3A = arith.maximumf %get3A_65, %broadcast_in_dim3A_62 : vector<1x128xf32>
      %swap3A = arith.index_cast %while3A_55 : i32 to index
      %swap3A_66 = arith.constant 0 : index
      %swap3A_67 = vector.load %arg6[%swap3A, %swap3A_66] : memref<64x128xf32, #tpu.memory_space<vmem>>, vector<1x128xf32>
      tpu.vector_store %arg6[%swap3A, %swap3A_66], %max3A {strides = array<i32>} : memref<64x128xf32, #tpu.memory_space<vmem>>, vector<1x128xf32>,
      %while3A_68 = arith.constant 0 : i32
      scf.yield %while3A_68 : i32
    }
    %while3A_53 = arith.constant 1 : i32
    %while3A_54 = scf.for %while3A_55 = %while3A_50 to %while3A_46 step %while3A_53 iter_args(%while3A_56 = %while3A_52) -> (i32)  : i32 {
      %eq3A_57 = vector.broadcast %while3A_55 : i32 to vector<1000x1xi32>
      %eq3A_58 = arith.cmpi eq, %get3A_32, %eq3A_57 : vector<1000x1xi32>
      %jit3A = arith.constant 0xFF800000 : f32
      %broadcast_in_dim3A = vector.shape_cast %eq3A_58 : vector<1000x1xi1> to vector<1000x1xi1>
      %broadcast_in_dim3A_59 = vector.broadcast %broadcast_in_dim3A : vector<1000x1xi1> to vector<1000x128xi1>
      %broadcast_in_dim3A_60 = vector.broadcast %jit3A : f32 to vector<1000x128xf32>
      %select_n3A = arith.select %broadcast_in_dim3A_59, %add3A_29, %broadcast_in_dim3A_60 : vector<1000x128xi1>, vector<1000x128xf32>
      %reduce_max3A = arith.constant dense<0xFF800000> : vector<128xf32>
      %reduce_max3A_61 = vector.multi_reduction <maximumf>, %select_n3A, %reduce_max3A [0] : vector<1000x128xf32> to vector<128xf32>
      %broadcast_in_dim3A_62 = vector.shape_cast %reduce_max3A_61 : vector<128xf32> to vector<1x128xf32>
      %get3A_63 = arith.index_cast %while3A_55 : i32 to index
      %get3A_64 = arith.constant 0 : index
      %get3A_65 = vector.load %arg6[%get3A_63, %get3A_64] : memref<64x128xf32, #tpu.memory_space<vmem>>, vector<1x128xf32>
      %max3A = arith.maximumf %get3A_65, %broadcast_in_dim3A_62 : vector<1x128xf32>
      %swap3A = arith.index_cast %while3A_55 : i32 to index
      %swap3A_66 = arith.constant 0 : index
      %swap3A_67 = vector.load %arg6[%swap3A, %swap3A_66] : memref<64x128xf32, #tpu.memory_space<vmem>>, vector<1x128xf32>
      tpu.vector_store %arg6[%swap3A, %swap3A_66], %max3A {strides = array<i32>} : memref<64x128xf32, #tpu.memory_space<vmem>>, vector<1x128xf32>,
      %while3A_68 = arith.constant 0 : i32
      scf.yield %while3A_68 : i32
    }
    return
  }
  func.func @transform_0(%arg0: i32) -> (i32, i32) {
    %c0_i32 = arith.constant 0 : i32
    %c0_i32_0 = arith.constant 0 : i32
    return %arg0, %c0_i32 : i32, i32
  }
  func.func @transform_1(%arg0: i32) -> (i32, i32) {
    %c0_i32 = arith.constant 0 : i32
    %c0_i32_0 = arith.constant 0 : i32
    %c0_i32_1 = arith.constant 0 : i32
    return %c0_i32, %c0_i32_0 : i32, i32
  }
  func.func @transform_2(%arg0: i32) -> (i32, i32) {
    %c0_i32 = arith.constant 0 : i32
    %c0_i32_0 = arith.constant 0 : i32
    %c0_i32_1 = arith.constant 0 : i32
    return %c0_i32, %c0_i32_0 : i32, i32
  }
  func.func @transform_3(%arg0: i32) -> (i32, i32) {
    %c0_i32 = arith.constant 0 : i32
    %c0_i32_0 = arith.constant 0 : i32
    %c0_i32_1 = arith.constant 0 : i32
    return %c0_i32, %c0_i32_0 : i32, i32
  }
  func.func @transform_4(%arg0: i32) -> (i32, i32) {
    %c0_i32 = arith.constant 0 : i32
    %c0_i32_0 = arith.constant 0 : i32
    return %arg0, %c0_i32 : i32, i32
  }
  func.func @transform_5(%arg0: i32) -> (i32, i32) {
    %c0_i32 = arith.constant 0 : i32
    %c0_i32_0 = arith.constant 0 : i32
    %c0_i32_1 = arith.constant 0 : i32
    return %c0_i32, %c0_i32_0 : i32, i32
  }
}

</mosaic_0001>

<sc_bundles>
// kernel: kernel.16.cloned.1.call-start
scs
__scs_entry_jumppad:
0x0: {  	(pc) =	sbr.rel $0x88, $3  }
0x1: {  	(tag) =	ssettag $0x0;
	lr =	simm.s32 $0x1  }
0x2: {  	[smem:$0x3F8D] =	sst lr;
	_ =	strace $0xD0000000  }
0x3: {  	_ = 	snop  }
0x4: {  	_ = 	snop  }
0x5: {  	_ = 	snop  }
0x6: {  	_ = 	snop  }
0x7: {  	_ = 	snop  }
__scs_overlays_trampoline_lowered:
0x8: {  	[smem:$0x3F9C] =	sst s0  }
0x9: {  	[smem:$0x3F9D] =	sst s1  }
0xa: {  	[smem:$0x3F9E] =	sst s2  }
0xb: {  	[smem:$0x3F9F] =	sst s3  }
0xc: {  	[smem:$0x3FA0] =	sst s4  }
0xd: {  	[smem:$0x3FA1] =	sst s5  }
0xe: {  	[smem:$0x3FA2] =	sst s6  }
0xf: {  	[smem:$0x3FA3] =	sst s7  }
0x10: {  	[smem:$0x3FA4] =	sst s8  }
0x11: {  	[smem:$0x3FA5] =	sst s9;
	s0 =	simm.s32 @!p0 $0x0  }
0x12: {  	s1 =	sld [smem:$0x3F8B];
	s0 =	simm.s32 @p0 $0x1  }
0x13: {  	[smem:$0x3FA6] =	sst s0;
	s0 =	simm.s32 @!p1 $0x0  }
0x14: {  	s2 =	sld [smem:$0x3F8A];
	s0 =	simm.s32 @p1 $0x1  }
0x15: {  	[smem:$0x3FA7] =	sst s0;
	s0 =	simm.s32 @!p2 $0x0  }
0x16: {  	s3 =	sld [smem:$0x3FDB];
	s0 =	simm.s32 @p2 $0x1  }
0x17: {  	s4 =	simm.s32 $0x1BF5;
	[smem:$0x3FA9] =	sst s0  }
0x18: {  	s0 =	sld [smem:$0x3F8C];
	_ =	swait.ge [sflag:s4], $0x0  }
0x19: {  	s7 =	sld [smem:$0x3F8D]  }
0x1a: {  	s8 =	sadd.s32 $0xFFFFE003, lr  }
0x1b: {  	s9 =	sadd.s32 $0xFFFFFEF7, lr;
	s5 =	simm.s32 $0xFFFFFFFF;
	p2 =	slt.u32 s8, $0xFFFFF086  }
0x1c: {  	p1 =	slt.u32 s9, $0xF7A;
	s5 =	simm.s32 @!p2 $0x0  }
0x1d: {  	s5 =	simm.s32 @p1 $0x1;
	p0 =	seq.s32 s7, s2  }
0x1e: {  	s7 =	smul.u32 @!p0 $0xF7A, s2;
	p2 =	seq.s32 @!p0 s5, $0x0  }
0x1f: {  	s9 =	smul.u32 $0xF7A, s1;
	s8 =	simm.s32 @!p0 $0x1BF5;
	p2 =	por !p2, p0  }
0x20: {  	[sflag:s8] =	ssyncset.s32 @!p0 $0xFFFFF086;
	s6 =	sadd.s32 @!p0 s3, s7;
	s7 =	simm.s32 @!p0 $0x108  }
0x21: {  	s3 =	sadd.s32 s3, s9;
	s6 =	sadd.s32 @!p0 $0x88, s6;
	s7 =	simm.s32 @p2 $0x1082  }
0x22: {  	[simem:s7], [sflag:s8] =	dma.local @!p0 [hbm:s6], $0xF7A  }
0x23: {  	s9 =	sor.u32 $0xD0000000, s2;
	s6 =	simm.s32 $0x108;
	_ =	swait.ge @!p0 [sflag:s8], $0x0  }
0x24: {  	s3 =	sadd.s32 $0x88, s3;
	s6 =	simm.s32 @!p1 $0x1082;
	[sflag:s4] =	ssyncset.s32 $0xFFFFF086  }
0x25: {  	[simem:s6], [sflag:s4] =	dma.local [hbm:s3], $0xF7A  }
0x26: {  	[smem:$0x3F8D] =	sst s1;
	(tag) =	ssettag s2;
	_ =	strace s9  }
0x27: {  	s1 =	sld [smem:$0x3F9D]  }
0x28: {  	s2 =	sld [smem:$0x3F9E]  }
0x29: {  	s4 =	sld [smem:$0x3FA0]  }
0x2a: {  	p0 =	seq.s32 s5, $0x0;
	s5 =	sld [smem:$0x3FA1]  }
0x2b: {  	s6 =	sld [smem:$0x3FA2]  }
0x2c: {  	s7 =	sld [smem:$0x3FA3]  }
0x2d: {  	s3 =	simm.s32 $0x108;
	s8 =	sld [smem:$0x3FA4]  }
0x2e: {  	s3 =	simm.s32 @!p0 $0x1082;
	s9 =	sld [smem:$0x3FA5]  }
0x2f: {  	lr =	sadd.s32 s0, s3;
	s0 =	sld [smem:$0x3F9C]  }
0x30: {  	s3 =	sld [smem:$0x3F9F]  }
0x31: {  	[smem:$0x3FA8] =	sst s10  }
0x32: {  	s10 =	sld [smem:$0x3FA6];
	_ =	sdelay $0x3  }
0x33: {  	p0 =	seq.s32 s10, $0x1;
	s10 =	sld [smem:$0x3FA8];
	_ =	sdelay $0x3  }
0x34: {  	[smem:$0x3FA8] =	sst s10  }
0x35: {  	s10 =	sld [smem:$0x3FA7];
	_ =	sdelay $0x3  }
0x36: {  	p1 =	seq.s32 s10, $0x1;
	s10 =	sld [smem:$0x3FA8];
	_ =	sdelay $0x3  }
0x37: {  	[smem:$0x3FA8] =	sst s10  }
0x38: {  	s10 =	sld [smem:$0x3FA9]  }
0x39: {  	_ = 	snop;
	(pc) =	sbr.ind lr, $3  }
0x3a: {  	_ = 	snop  }
0x3b: {  	_ = 	snop  }
0x3c: {  	p2 =	seq.s32 s10, $0x1;
	s10 =	sld [smem:$0x3FA8]  }
0x3d: {  	_ =	shalt  }
0x3e: {  	_ =	shalt  }
0x3f: {  	_ =	shalt  }
0x40: {  	_ =	shalt  }
0x41: {  	_ =	shalt  }
0x42: {  	_ =	shalt  }
0x43: {  	_ =	shalt  }
0x44: {  	_ =	shalt  }
0x45: {  	_ =	shalt  }
0x46: {  	_ =	shalt  }
0x47: {  	_ =	shalt  }
0x48: {  	_ =	shalt  }
0x49: {  	_ =	shalt  }
0x4a: {  	_ =	shalt  }
0x4b: {  	_ =	shalt  }
0x4c: {  	_ =	shalt  }
0x4d: {  	_ =	shalt  }
0x4e: {  	_ =	shalt  }
0x4f: {  	_ =	shalt  }
0x50: {  	_ =	shalt  }
0x51: {  	_ =	shalt  }
0x52: {  	_ =	shalt  }
0x53: {  	_ =	shalt  }
0x54: {  	_ =	shalt  }
0x55: {  	_ =	shalt  }
0x56: {  	_ =	shalt  }
0x57: {  	_ =	shalt  }
0x58: {  	_ =	shalt  }
0x59: {  	_ =	shalt  }
0x5a: {  	_ =	shalt  }
0x5b: {  	_ =	shalt  }
0x5c: {  	_ =	shalt  }
0x5d: {  	_ =	shalt  }
0x5e: {  	_ =	shalt  }
0x5f: {  	_ =	shalt  }
0x60: {  	_ =	shalt  }
0x61: {  	_ =	shalt  }
0x62: {  	_ =	shalt  }
0x63: {  	_ =	shalt  }
0x64: {  	_ =	shalt  }
0x65: {  	_ =	shalt  }
0x66: {  	_ =	shalt  }
0x67: {  	_ =	shalt  }
0x68: {  	_ =	shalt  }
0x69: {  	_ =	shalt  }
0x6a: {  	_ =	shalt  }
0x6b: {  	_ =	shalt  }
0x6c: {  	_ =	shalt  }
0x6d: {  	_ =	shalt  }
0x6e: {  	_ =	shalt  }
0x6f: {  	_ =	shalt  }
0x70: {  	_ =	shalt  }
0x71: {  	_ =	shalt  }
0x72: {  	_ =	shalt  }
0x73: {  	_ =	shalt  }
0x74: {  	_ =	shalt  }
0x75: {  	_ =	shalt  }
0x76: {  	_ =	shalt  }
0x77: {  	_ =	shalt  }
0x78: {  	_ =	shalt  }
0x79: {  	_ =	shalt  }
0x7a: {  	_ =	shalt  }
0x7b: {  	_ =	shalt  }
0x7c: {  	_ =	shalt  }
0x7d: {  	_ =	shalt  }
0x7e: {  	_ =	shalt  }
0x7f: {  	_ =	shalt  }
0x80: {  	_ =	shalt  }
0x81: {  	_ =	shalt  }
0x82: {  	_ =	shalt  }
0x83: {  	_ =	shalt  }
0x84: {  	_ =	shalt  }
0x85: {  	_ =	shalt  }
0x86: {  	_ =	shalt  }
0x87: {  	_ =	shalt  }
.Lfunc_end0:
.L_simem_size_0:
called_computation_lowered:
.L_overlay_start_0:
0x88: {  	s2 =	sld [smem:$0x3FD9]  }
0x89: {  	s3 =	sld [smem:$0x3FFE];
	_ =	sdelay $0x1  }
0x8a: {  	s1 =	srdreg.scid  }
0x8b: {  	s0 =	sand.u32 $0x1, s1  }
0x8c: {  	s16 =	sshll.u32 s0, $0xA;
	s2 =	sadd.s32 s3, s2  }
0x8d: {  	s2 =	sadd.s32 s2, s16  }
0x8e: {  	[smem:$0x3FB4] =	sst s2  }
0x8f: {  	_ = 	snop  }
0x90: {  	(tm) =	ssettm $0x1  }
0x91: {  	s17 =	sld [smem:$0x3FFB];
	_ =	sdelay $0x3  }
0x92: {  	_ =	strace s17  }
0x93: {  	s2 =	sld [smem:$0x3FFC];
	_ =	sdelay $0x3  }
0x94: {  	_ =	strace s2  }
0x95: {  	s2 =	sld [smem:$0x3FFD];
	_ =	sdelay $0x3  }
0x96: {  	_ =	strace s2  }
0x97: {  	_ =	strace $0x8FFFFFFF  }
0x98: {  	s18 =	sld [smem:$0x3FDB];
	_ =	sdelay $0x1  }
0x99: {  	s19 =	simm.s32 $_scs_section_size  }
0x9a: {  	s4 =	simm.s32 $_size__tile_overlayer_lowered;
	s5 =	simm.s32 $_tile_overlayer_lowered  }
0x9b: {  	s22 =	simm.s32 $0x1BFF;
	s21 =	sshll.u32 s5, $0x1;
	s2 =	sadd.s32 s19, s18  }
0x9c: {  	s6 =	simm.s32 $0x0;
	s20 =	sshll.u32 s4, $0x1;
	s4 =	sadd.s32 s21, s2  }
0x9d: {  	[timem:s6], [sflag:s22] =	dma.local [hbm:s4], s20  }
0x9e: {  	_ =	swait.ge [sflag:s22], s20  }
0x9f: {  	s3 =	ssub.s32 $0x0, s20;
	[sflag:s22] =	ssyncset.done $0x0  }
0xa0: {  	[sflag:s22] =	ssyncadd.s32 s3;
	_ =	sdelay $0x1  }
0xa1: {  	s23 =	simm.s32 $0x1B8B  }
0xa2: {  	_ =	swait.ge [sflag:s23], $0x1  }
0xa3: {  	[sflag:s23] =	ssyncset.done $0x0  }
0xa4: {  	s25 =	simm.s32 $0x1B8E;
	s24 =	sld [smem:$0x3FFE];
	[sflag:s23] =	ssyncadd.s32 $0xFFFFFFFF  }
0xa5: {  	s26 =	simm.s32 $execute0_lowered;
	[smem:$0x3FD2] =	sst s25  }
0xa6: {  	s4 =	sshll.u32 s26, $0x1;
	_ =	strace $0x80000046;
	[dreg:$0x1] =	wrdreg $0xFFFFFFFF  }
0xa7: {  	s28 =	simm.s32 $_size_execute0_lowered;
	s2 =	sadd.s32 s2, s4;
	[dreg:$0x0] =	wrdreg $0x0  }
0xa8: {  	s4 =	sshll.u32 s28, $0x1;
	[dreg:$0x2] =	wrdreg s2  }
0xa9: {  	[dreg:$0x3] =	wrdreg s4  }
0xaa: {  	[dreg:$0x4] =	wrdreg $0xC0  }
0xab: {  	_ =	task [dreg:s6], $0x5FFFF  }
0xac: {  	[dreg:$0x1] =	wrdreg $0xFFFFFFFF  }
0xad: {  	[dreg:$0x0] =	wrdreg $0x60  }
0xae: {  	[dreg:$0x2] =	wrdreg s24  }
0xaf: {  	[dreg:$0x3] =	wrdreg $0x9  }
0xb0: {  	_ =	task.clear_ibuf [dreg:s6], $0x4FFFF;
	_ =	strace $0x90000046  }
0xb1: {  	s29 =	simm.s32 $0x9;
	_ =	strace $0x80000048  }
0xb2: {  	_ =	swait.ge [sflag:s29], $0x1  }
0xb3: {  	[sflag:s29] =	ssyncadd.s32 $0xFFFFFFFF  }
0xb4: {  	_ =	strace $0x90000048  }
0xb5: {  	_ =	sfence  }
0xb6: {  	s30 =	sld [smem:$0x0];
	_ =	sdelay $0x2  }
0xb7: {  	s31 =	sshll.u32 s1, $0xD;
	s1 =	sshrl.u32 s1, $0x2  }
0xb8: {  	s3 =	sand.u32 $0x4000, s31;
	s1 =	sadd.s32 s1, s30  }
0xb9: {  	s0 =	sor.u32 s3, s0;
	s1 =	sshll.u32 s1, $0x11  }
0xba: {  	s0 =	sor.u32 s1, s0  }
0xbb: {  	s0 =	sadd.s32 $0x8F2B, s0  }
0xbc: {  	[sflag:s0] =	ssyncadd.remote.s32 $0x1  }
0xbd: {  	_ =	sfence.sel $0xFFFF  }
0xbe: {  	[dreg:$0x0] =	wrdreg $0xFFFFFFFF;
	(pc) =	sbr.abs _section_cstart, $3  }
0xbf: {  	[dreg:$0x1] =	wrdreg $0xFFFFFFFF  }
0xc0: {  	_ =	task.clear_ibuf [dreg:s6], $0x2FFFF;
	_ =	strace $0x9FFFFFFF  }
0xc1: {  	(tm) =	ssettm $0x7FFFFFFF  }
tec
execute0_lowered:
.L_overlay_start_1:
0x0: {  	(tag) =	ssettag $0x1  }
0x1: {  	s5 =	rddreg [dreg:$0x0]  }
0x2: {  	s0 =	rddreg [dreg:$0x1];
	s1 =	simm.s32 $0x0;
	s4 =	srdreg.scid  }
0x3: {  	s2 =	stileid.u32;
	[smem:$0x7FF] =	sst s1  }
0x4: {  	s3 =	sadd.s32 $0x1A400, s5;
	s6 =	sand.u32 $0x1, s4;
	s4 =	sadd.s32 $0x41600, s5  }
0x5: {  	s7 =	sshll.u32 s2, $0x5;
	s9 =	sshll.u32 s2, $0xC;
	_ =	strace $0x80000047  }
0x6: {  	s8 =	ssub.s32 $0x2, s6;
	s7 =	sadd.s32 s7, s5;
	s9 =	sadd.s32 s9, s5  }
0x7: {  	s31 =	sshll.u32 s6, $0x4;
	s11 =	sshll.u32 s6, $0xB;
	s10 =	sshrl.u32 s8, $0x1  }
0x8: {  	s5 =	sshll.u32 s2, $0x1;
	s11 =	sadd.s32 s11, s9;
	s8 =	ssub.s32 s8, s10  }
0x9: {  	s10 =	sadd.s32 s31, s7;
	s9 =	sadd.s32 $0x54A800, s11;
	s6 =	smax.u32 s8, $0x1  }
0xa: {  	s7 =	sadd.s32 $0x10600, s10;
	s8 =	sadd.s32 $0x6800, s10;
	s10 =	sadd.s32 $0x68800, s11  }
.LBB2_1:
0xb: {  	p0 =	sgt.u32 s5, $0x9C3  }
0xc: {  	s11 =	sadd.s32 @!p0 $0x0, s8;
	s12 =	simm.s32 @!p0 $0x0;
	s15 =	simm.s32 @!p0 $0x4  }
0xd: {  	[tilespmem:s12], [sflag:$0x4] =	stream.linear.gather @!p0 [hbm4b:s11+s12], $0x80, $0x38;
	[tilespmem:$0x8100] =	vst v63  }
0xe: {  	_ =	swait.ge @!p0 [sflag:s15], $0x80;
	p0 =	por p0, p0  }
0xf: {  	[sflag:s15] =	ssyncset.done @!p0 $0x0  }
0x10: {  	s11 =	sadd.s32 @!p0 $0x0, s7;
	s13 =	simm.s32 @!p0 $0x80;
	[sflag:s15] =	ssyncadd.s32 @!p0 $0xFFFFFF80  }
0x11: {  	[tilespmem:s13], [sflag:$0x4] =	stream.linear.gather @!p0 [hbm4b:s11+s12], $0x80, $0x38;
	[tilespmem:$0x8100] =	vst v63  }
0x12: {  	_ =	swait.ge @!p0 [sflag:s15], $0x80  }
0x13: {  	[sflag:s15] =	ssyncset.done @!p0 $0x0  }
0x14: {  	s11 =	simm.s32 @!p0 $0x100;
	[sflag:s15] =	ssyncadd.s32 @!p0 $0xFFFFFF80  }
0x15: {  	[tilespmem:s11], [sflag:$0x1] =	stream.indirect.gather @!p0 [hbm4b:s3+s13], $0x80, s12, s13, $0xb8;
	[tilespmem:$0x8100] =	vst v63  }
0x16: {  	s16 =	simm.s32 @!p0 $0x4100;
	s14 =	simm.s32 @!p0 $0x1  }
0x17: {  	[tilespmem:s16], [sflag:$0x2] =	stream.indirect.gather @!p0 [hbm4b:s4+s13], $0x80, s13, s13, $0xb8;
	[tilespmem:$0x8100] =	vst v63  }
0x18: {  	_ =	swait.ge @!p0 [sflag:s14], $0x4000  }
0x19: {  	[sflag:s14] =	ssyncset.done @!p0 $0x0  }
0x1a: {  	s13 =	simm.s32 @!p0 $0x2;
	[sflag:s14] =	ssyncadd.s32 @!p0 $0xFFFFC000  }
0x1b: {  	_ =	swait.ge @!p0 [sflag:s13], $0x4000  }
0x1c: {  	[sflag:s13] =	ssyncset.done @!p0 $0x0  }
0x1d: {  	[sflag:s13] =	ssyncadd.s32 @!p0 $0xFFFFC000  }
0x1e: {  	[hbm4b:s10+s12] =	stream.linear.scatter @!p0 [tilespmem:s11], [sflag:$0x4], $0x4000, $0x38;
	[tilespmem:$0x8100] =	vst v63  }
0x1f: {  	_ =	swait.ge @!p0 [sflag:s15], $0x4000  }
0x20: {  	[sflag:s15] =	ssyncset.done @!p0 $0x0  }
0x21: {  	s14 =	simm.s32 $0x400;
	s13 =	simm.s32 $0x200;
	[sflag:s15] =	ssyncadd.s32 @!p0 $0xFFFFC000  }
0x22: {  	[hbm4b:s9+s12] =	stream.linear.scatter @!p0 [tilespmem:s16], [sflag:$0x3], $0x4000, $0x38;
	[tilespmem:$0x8100] =	vst v63  }
0x23: {  	s11 =	sadd.s32 $0x10000, s10;
	s15 =	sadd.s32 $0x20, s5;
	s16 =	simm.s32 @!p0 $0x3  }
0x24: {  	p2 =	sgt.u32 s15, $0x9C3;
	s12 =	sadd.s32 $0x10000, s9;
	_ =	swait.ge @!p0 [sflag:s16], $0x4000  }
.LBB2_2:
0x25: {  	s17 =	sadd.s32 @!p2 s13, s8  }
0x26: {  	s18 =	simm.s32 @!p2 $0x0;
	[sflag:s16] =	ssyncset.done @!p0 $0x0;
	s19 =	smov.u32 s14  }
0x27: {  	s14 =	sadd.s32 $0x200, s14;
	s20 =	simm.s32 @!p2 $0x4;
	[sflag:s16] =	ssyncadd.s32 @!p0 $0xFFFFC000  }
0x28: {  	[tilespmem:s18], [sflag:$0x4] =	stream.linear.gather @!p2 [hbm4b:s17+s18], $0x80, $0x38;
	[tilespmem:$0x8100] =	vst v63  }
0x29: {  	p1 =	sne.s32 s14, $0x9E00;
	p0 =	por p2, p2;
	_ =	swait.ge @!p2 [sflag:s20], $0x80  }
0x2a: {  	[sflag:s20] =	ssyncset.done @!p0 $0x0  }
0x2b: {  	s13 =	sadd.s32 @!p0 s13, s7;
	s16 =	simm.s32 @!p0 $0x80;
	[sflag:s20] =	ssyncadd.s32 @!p0 $0xFFFFFF80  }
0x2c: {  	[tilespmem:s16], [sflag:$0x4] =	stream.linear.gather @!p0 [hbm4b:s13+s18], $0x80, $0x38;
	[tilespmem:$0x8100] =	vst v63  }
0x2d: {  	s13 =	smov.u32 s19;
	_ =	swait.ge @!p0 [sflag:s20], $0x80  }
0x2e: {  	[sflag:s20] =	ssyncset.done @!p0 $0x0  }
0x2f: {  	s17 =	simm.s32 @!p0 $0x100;
	[sflag:s20] =	ssyncadd.s32 @!p0 $0xFFFFFF80  }
0x30: {  	[tilespmem:s17], [sflag:$0x1] =	stream.indirect.gather @!p0 [hbm4b:s3+s16], $0x80, s18, s16, $0xb8;
	[tilespmem:$0x8100] =	vst v63  }
0x31: {  	s21 =	simm.s32 @!p0 $0x1;
	s19 =	simm.s32 @!p0 $0x4100  }
0x32: {  	[tilespmem:s19], [sflag:$0x2] =	stream.indirect.gather @!p0 [hbm4b:s4+s16], $0x80, s16, s16, $0xb8;
	[tilespmem:$0x8100] =	vst v63  }
0x33: {  	_ =	swait.ge @!p0 [sflag:s21], $0x4000  }
0x34: {  	[sflag:s21] =	ssyncset.done @!p0 $0x0  }
0x35: {  	s16 =	simm.s32 @!p0 $0x2;
	[sflag:s21] =	ssyncadd.s32 @!p0 $0xFFFFC000  }
0x36: {  	_ =	swait.ge @!p0 [sflag:s16], $0x4000  }
0x37: {  	[sflag:s16] =	ssyncset.done @!p0 $0x0  }
0x38: {  	[sflag:s16] =	ssyncadd.s32 @!p0 $0xFFFFC000  }
0x39: {  	[hbm4b:s11+s18] =	stream.linear.scatter @!p0 [tilespmem:s17], [sflag:$0x4], $0x4000, $0x38;
	[tilespmem:$0x8100] =	vst v63  }
.Ltmp0:
0x3a: {  	_ =	swait.ge @!p0 [sflag:s20], $0x4000;
	(pc) =	sbr.rel @p1 .LBB2_2-.Ltmp0, $4  }
0x3b: {  	s11 =	sadd.s32 $0x10000, s11;
	[sflag:s20] =	ssyncset.done @!p0 $0x0  }
0x3c: {  	s15 =	sadd.s32 $0x20, s15;
	s16 =	simm.s32 @!p0 $0x3;
	[sflag:s20] =	ssyncadd.s32 @!p0 $0xFFFFC000  }
0x3d: {  	[hbm4b:s12+s18] =	stream.linear.scatter @!p0 [tilespmem:s19], [sflag:$0x3], $0x4000, $0x38;
	[tilespmem:$0x8100] =	vst v63  }
0x3e: {  	p2 =	sgt.u32 s15, $0x9C3;
	s12 =	sadd.s32 $0x10000, s12;
	_ =	swait.ge @!p0 [sflag:s16], $0x4000  }
0x3f: {  	s14 =	sadd.s32 @!p2 s13, s8;
	[sflag:s16] =	ssyncset.done @!p0 $0x0  }
0x40: {  	s15 =	simm.s32 @!p2 $0x0;
	s17 =	simm.s32 @!p2 $0x4;
	[sflag:s16] =	ssyncadd.s32 @!p0 $0xFFFFC000  }
0x41: {  	[tilespmem:s15], [sflag:$0x4] =	stream.linear.gather @!p2 [hbm4b:s14+s15], $0x80, $0x38;
	[tilespmem:$0x8100] =	vst v63  }
0x42: {  	p0 =	por p2, p2;
	_ =	swait.ge @!p2 [sflag:s17], $0x80  }
0x43: {  	[sflag:s17] =	ssyncset.done @!p0 $0x0  }
0x44: {  	s13 =	sadd.s32 @!p0 s13, s7;
	s14 =	simm.s32 @!p0 $0x80;
	[sflag:s17] =	ssyncadd.s32 @!p0 $0xFFFFFF80  }
0x45: {  	[tilespmem:s14], [sflag:$0x4] =	stream.linear.gather @!p0 [hbm4b:s13+s15], $0x80, $0x38;
	[tilespmem:$0x8100] =	vst v63  }
0x46: {  	_ =	swait.ge @!p0 [sflag:s17], $0x80  }
0x47: {  	[sflag:s17] =	ssyncset.done @!p0 $0x0  }
0x48: {  	s13 =	simm.s32 @!p0 $0x100;
	[sflag:s17] =	ssyncadd.s32 @!p0 $0xFFFFFF80  }
0x49: {  	[tilespmem:s13], [sflag:$0x1] =	stream.indirect.gather @!p0 [hbm4b:s3+s14], $0x80, s15, s14, $0xb8;
	[tilespmem:$0x8100] =	vst v63  }
0x4a: {  	s16 =	simm.s32 @!p0 $0x4100;
	s18 =	simm.s32 @!p0 $0x1  }
0x4b: {  	[tilespmem:s16], [sflag:$0x2] =	stream.indirect.gather @!p0 [hbm4b:s4+s14], $0x80, s14, s14, $0xb8;
	[tilespmem:$0x8100] =	vst v63  }
0x4c: {  	_ =	swait.ge @!p0 [sflag:s18], $0x4000  }
0x4d: {  	[sflag:s18] =	ssyncset.done @!p0 $0x0  }
0x4e: {  	s14 =	simm.s32 @!p0 $0x2;
	[sflag:s18] =	ssyncadd.s32 @!p0 $0xFFFFC000  }
0x4f: {  	_ =	swait.ge @!p0 [sflag:s14], $0x4000  }
0x50: {  	[sflag:s14] =	ssyncset.done @!p0 $0x0  }
0x51: {  	[sflag:s14] =	ssyncadd.s32 @!p0 $0xFFFFC000  }
0x52: {  	[hbm4b:s11+s15] =	stream.linear.scatter @!p0 [tilespmem:s13], [sflag:$0x4], $0x4000, $0x38;
	[tilespmem:$0x8100] =	vst v63  }
0x53: {  	s1 =	sadd.s32 $0x1, s1;
	_ =	swait.ge @!p0 [sflag:s17], $0x4000  }
0x54: {  	p1 =	sne.s32 s1, s6;
	[sflag:s17] =	ssyncset.done @!p0 $0x0  }
.Ltmp1:
0x55: {  	s11 =	simm.s32 @!p0 $0x3;
	[sflag:s17] =	ssyncadd.s32 @!p0 $0xFFFFC000;
	(pc) =	sbr.rel @p1 .LBB2_1-.Ltmp1, $4  }
0x56: {  	[hbm4b:s12+s15] =	stream.linear.scatter @!p0 [tilespmem:s16], [sflag:$0x3], $0x4000, $0x38;
	[tilespmem:$0x8100] =	vst v63  }
0x57: {  	_ =	swait.ge @!p0 [sflag:s11], $0x4000  }
0x58: {  	[sflag:s11] =	ssyncset.done @!p0 $0x0  }
0x59: {  	[sflag:s11] =	ssyncadd.s32 @!p0 $0xFFFFC000  }
0x5a: {  	_ =	sfence.sel $0x180000  }
0x5b: {  	[bflag:$0x0] =	sbarrier.arrive $0xFFFF  }
0x5c: {  	p0 =	sne.s32 s2, $0x0;
	_ =	strace $0x90000047  }
0x5d: {  	s0 =	sadd.s32 @!p0 $0x100000, s0;
	[bflag:$0x2] =	sbarrier.arrive $0xFFFF  }
0x5e: {  	[sflag:s0] =	ssyncadd.tile.s32 @!p0 $0x1;
	_ =	shalt  }
.Lfunc_end2:
_tile_overlayer_lowered:
.L_overlay_start_2:
0x5f: {  	(tag) =	ssettag $0x2  }
0x60: {  	s0 =	rddreg [dreg:$0x0];
	s2 =	stileid.u32  }
0x61: {  	s1 =	rddreg [dreg:$0x1];
	p0 =	sne.s32 s2, $0x0  }
0x62: {  	s3 =	rddreg [dreg:$0x2];
	[bflag:$0x3] =	sbarrier.arrive $0xFFFF;
	s2 =	simm.s32 @!p0 $0x1C03  }
0x63: {  	[timem:s3], [sflag:s2] =	dma.local @!p0 [hbm:s0], s1  }
0x64: {  	s0 =	simm.s32 @!p0 $0x3  }
0x65: {  	_ =	swait.ge @!p0 [sflag:s0], s1  }
0x66: {  	s1 =	ssub.s32 @!p0 $0x0, s1;
	[sflag:s0] =	ssyncset.done @!p0 $0x0  }
0x67: {  	[sflag:s0] =	ssyncadd.s32 @!p0 s1  }
0x68: {  	[bflag:$0x3] =	sbarrier.arrive $0xFFFF  }
0x69: {  	_ =	shalt  }

// kernel: kernel.19.cloned.1.call-start
scs
__scs_entry_jumppad:
0x0: {  	(pc) =	sbr.rel $0x88, $3  }
0x1: {  	(tag) =	ssettag $0x0;
	lr =	simm.s32 $0x1  }
0x2: {  	[smem:$0x3F8D] =	sst lr;
	_ =	strace $0xD0000000  }
0x3: {  	_ = 	snop  }
0x4: {  	_ = 	snop  }
0x5: {  	_ = 	snop  }
0x6: {  	_ = 	snop  }
0x7: {  	_ = 	snop  }
__scs_overlays_trampoline_lowered:
0x8: {  	[smem:$0x3F9C] =	sst s0  }
0x9: {  	[smem:$0x3F9D] =	sst s1  }
0xa: {  	[smem:$0x3F9E] =	sst s2  }
0xb: {  	[smem:$0x3F9F] =	sst s3  }
0xc: {  	[smem:$0x3FA0] =	sst s4  }
0xd: {  	[smem:$0x3FA1] =	sst s5  }
0xe: {  	[smem:$0x3FA2] =	sst s6  }
0xf: {  	[smem:$0x3FA3] =	sst s7  }
0x10: {  	[smem:$0x3FA4] =	sst s8  }
0x11: {  	[smem:$0x3FA5] =	sst s9;
	s0 =	simm.s32 @!p0 $0x0  }
0x12: {  	s1 =	sld [smem:$0x3F8B];
	s0 =	simm.s32 @p0 $0x1  }
0x13: {  	[smem:$0x3FA6] =	sst s0;
	s0 =	simm.s32 @!p1 $0x0  }
0x14: {  	s2 =	sld [smem:$0x3F8A];
	s0 =	simm.s32 @p1 $0x1  }
0x15: {  	[smem:$0x3FA7] =	sst s0;
	s0 =	simm.s32 @!p2 $0x0  }
0x16: {  	s3 =	sld [smem:$0x3FDB];
	s0 =	simm.s32 @p2 $0x1  }
0x17: {  	s4 =	simm.s32 $0x1BF5;
	[smem:$0x3FA9] =	sst s0  }
0x18: {  	s0 =	sld [smem:$0x3F8C];
	_ =	swait.ge [sflag:s4], $0x0  }
0x19: {  	s7 =	sld [smem:$0x3F8D]  }
0x1a: {  	s8 =	sadd.s32 $0xFFFFE003, lr  }
0x1b: {  	s9 =	sadd.s32 $0xFFFFFEF7, lr;
	s5 =	simm.s32 $0xFFFFFFFF;
	p2 =	slt.u32 s8, $0xFFFFF086  }
0x1c: {  	p1 =	slt.u32 s9, $0xF7A;
	s5 =	simm.s32 @!p2 $0x0  }
0x1d: {  	s5 =	simm.s32 @p1 $0x1;
	p0 =	seq.s32 s7, s2  }
0x1e: {  	s7 =	smul.u32 @!p0 $0xF7A, s2;
	p2 =	seq.s32 @!p0 s5, $0x0  }
0x1f: {  	s9 =	smul.u32 $0xF7A, s1;
	s8 =	simm.s32 @!p0 $0x1BF5;
	p2 =	por !p2, p0  }
0x20: {  	[sflag:s8] =	ssyncset.s32 @!p0 $0xFFFFF086;
	s6 =	sadd.s32 @!p0 s3, s7;
	s7 =	simm.s32 @!p0 $0x108  }
0x21: {  	s3 =	sadd.s32 s3, s9;
	s6 =	sadd.s32 @!p0 $0x88, s6;
	s7 =	simm.s32 @p2 $0x1082  }
0x22: {  	[simem:s7], [sflag:s8] =	dma.local @!p0 [hbm:s6], $0xF7A  }
0x23: {  	s9 =	sor.u32 $0xD0000000, s2;
	s6 =	simm.s32 $0x108;
	_ =	swait.ge @!p0 [sflag:s8], $0x0  }
0x24: {  	s3 =	sadd.s32 $0x88, s3;
	s6 =	simm.s32 @!p1 $0x1082;
	[sflag:s4] =	ssyncset.s32 $0xFFFFF086  }
0x25: {  	[simem:s6], [sflag:s4] =	dma.local [hbm:s3], $0xF7A  }
0x26: {  	[smem:$0x3F8D] =	sst s1;
	(tag) =	ssettag s2;
	_ =	strace s9  }
0x27: {  	s1 =	sld [smem:$0x3F9D]  }
0x28: {  	s2 =	sld [smem:$0x3F9E]  }
0x29: {  	s4 =	sld [smem:$0x3FA0]  }
0x2a: {  	p0 =	seq.s32 s5, $0x0;
	s5 =	sld [smem:$0x3FA1]  }
0x2b: {  	s6 =	sld [smem:$0x3FA2]  }
0x2c: {  	s7 =	sld [smem:$0x3FA3]  }
0x2d: {  	s3 =	simm.s32 $0x108;
	s8 =	sld [smem:$0x3FA4]  }
0x2e: {  	s3 =	simm.s32 @!p0 $0x1082;
	s9 =	sld [smem:$0x3FA5]  }
0x2f: {  	lr =	sadd.s32 s0, s3;
	s0 =	sld [smem:$0x3F9C]  }
0x30: {  	s3 =	sld [smem:$0x3F9F]  }
0x31: {  	[smem:$0x3FA8] =	sst s10  }
0x32: {  	s10 =	sld [smem:$0x3FA6];
	_ =	sdelay $0x3  }
0x33: {  	p0 =	seq.s32 s10, $0x1;
	s10 =	sld [smem:$0x3FA8];
	_ =	sdelay $0x3  }
0x34: {  	[smem:$0x3FA8] =	sst s10  }
0x35: {  	s10 =	sld [smem:$0x3FA7];
	_ =	sdelay $0x3  }
0x36: {  	p1 =	seq.s32 s10, $0x1;
	s10 =	sld [smem:$0x3FA8];
	_ =	sdelay $0x3  }
0x37: {  	[smem:$0x3FA8] =	sst s10  }
0x38: {  	s10 =	sld [smem:$0x3FA9]  }
0x39: {  	_ = 	snop;
	(pc) =	sbr.ind lr, $3  }
0x3a: {  	_ = 	snop  }
0x3b: {  	_ = 	snop  }
0x3c: {  	p2 =	seq.s32 s10, $0x1;
	s10 =	sld [smem:$0x3FA8]  }
0x3d: {  	_ =	shalt  }
0x3e: {  	_ =	shalt  }
0x3f: {  	_ =	shalt  }
0x40: {  	_ =	shalt  }
0x41: {  	_ =	shalt  }
0x42: {  	_ =	shalt  }
0x43: {  	_ =	shalt  }
0x44: {  	_ =	shalt  }
0x45: {  	_ =	shalt  }
0x46: {  	_ =	shalt  }
0x47: {  	_ =	shalt  }
0x48: {  	_ =	shalt  }
0x49: {  	_ =	shalt  }
0x4a: {  	_ =	shalt  }
0x4b: {  	_ =	shalt  }
0x4c: {  	_ =	shalt  }
0x4d: {  	_ =	shalt  }
0x4e: {  	_ =	shalt  }
0x4f: {  	_ =	shalt  }
0x50: {  	_ =	shalt  }
0x51: {  	_ =	shalt  }
0x52: {  	_ =	shalt  }
0x53: {  	_ =	shalt  }
0x54: {  	_ =	shalt  }
0x55: {  	_ =	shalt  }
0x56: {  	_ =	shalt  }
0x57: {  	_ =	shalt  }
0x58: {  	_ =	shalt  }
0x59: {  	_ =	shalt  }
0x5a: {  	_ =	shalt  }
0x5b: {  	_ =	shalt  }
0x5c: {  	_ =	shalt  }
0x5d: {  	_ =	shalt  }
0x5e: {  	_ =	shalt  }
0x5f: {  	_ =	shalt  }
0x60: {  	_ =	shalt  }
0x61: {  	_ =	shalt  }
0x62: {  	_ =	shalt  }
0x63: {  	_ =	shalt  }
0x64: {  	_ =	shalt  }
0x65: {  	_ =	shalt  }
0x66: {  	_ =	shalt  }
0x67: {  	_ =	shalt  }
0x68: {  	_ =	shalt  }
0x69: {  	_ =	shalt  }
0x6a: {  	_ =	shalt  }
0x6b: {  	_ =	shalt  }
0x6c: {  	_ =	shalt  }
0x6d: {  	_ =	shalt  }
0x6e: {  	_ =	shalt  }
0x6f: {  	_ =	shalt  }
0x70: {  	_ =	shalt  }
0x71: {  	_ =	shalt  }
0x72: {  	_ =	shalt  }
0x73: {  	_ =	shalt  }
0x74: {  	_ =	shalt  }
0x75: {  	_ =	shalt  }
0x76: {  	_ =	shalt  }
0x77: {  	_ =	shalt  }
0x78: {  	_ =	shalt  }
0x79: {  	_ =	shalt  }
0x7a: {  	_ =	shalt  }
0x7b: {  	_ =	shalt  }
0x7c: {  	_ =	shalt  }
0x7d: {  	_ =	shalt  }
0x7e: {  	_ =	shalt  }
0x7f: {  	_ =	shalt  }
0x80: {  	_ =	shalt  }
0x81: {  	_ =	shalt  }
0x82: {  	_ =	shalt  }
0x83: {  	_ =	shalt  }
0x84: {  	_ =	shalt  }
0x85: {  	_ =	shalt  }
0x86: {  	_ =	shalt  }
0x87: {  	_ =	shalt  }
.Lfunc_end0:
.L_simem_size_0:
called_computation.1_lowered:
.L_overlay_start_0:
0x88: {  	s2 =	sld [smem:$0x3FD9]  }
0x89: {  	s3 =	sld [smem:$0x3FFE];
	_ =	sdelay $0x1  }
0x8a: {  	s1 =	srdreg.scid  }
0x8b: {  	s0 =	sand.u32 $0x1, s1  }
0x8c: {  	s17 =	sshll.u32 s0, $0xA;
	s2 =	sadd.s32 s3, s2  }
0x8d: {  	s2 =	sadd.s32 s2, s17  }
0x8e: {  	[smem:$0x3FB4] =	sst s2  }
0x8f: {  	_ = 	snop  }
0x90: {  	(tm) =	ssettm $0x1  }
0x91: {  	s18 =	sld [smem:$0x3FFB];
	_ =	sdelay $0x3  }
0x92: {  	_ =	strace s18  }
0x93: {  	s2 =	sld [smem:$0x3FFC];
	_ =	sdelay $0x3  }
0x94: {  	_ =	strace s2  }
0x95: {  	s2 =	sld [smem:$0x3FFD];
	_ =	sdelay $0x3  }
0x96: {  	_ =	strace s2  }
0x97: {  	_ =	strace $0x8FFFFFFF  }
0x98: {  	s19 =	sld [smem:$0x3FDB];
	_ =	sdelay $0x1  }
0x99: {  	s20 =	simm.s32 $_scs_section_size  }
0x9a: {  	s4 =	simm.s32 $_size__tile_overlayer_lowered;
	s5 =	simm.s32 $_tile_overlayer_lowered  }
0x9b: {  	s6 =	simm.s32 $0x1BFF;
	s21 =	sshll.u32 s5, $0x1;
	s3 =	sadd.s32 s20, s19  }
0x9c: {  	s22 =	simm.s32 $0x0;
	s4 =	sshll.u32 s4, $0x1;
	s5 =	sadd.s32 s21, s3  }
0x9d: {  	[timem:s22], [sflag:s6] =	dma.local [hbm:s5], s4  }
0x9e: {  	_ =	swait.ge [sflag:s6], s4  }
0x9f: {  	s4 =	ssub.s32 $0x0, s4;
	[sflag:s6] =	ssyncset.done $0x0  }
0xa0: {  	[sflag:s6] =	ssyncadd.s32 s4;
	_ =	sdelay $0x1  }
0xa1: {  	s23 =	simm.s32 $0x1B8B  }
0xa2: {  	_ =	swait.ge [sflag:s23], $0x1  }
0xa3: {  	[sflag:s23] =	ssyncset.done $0x0  }
0xa4: {  	[sflag:s23] =	ssyncadd.s32 $0xFFFFFFFF  }
0xa5: {  	s4 =	sld [smem:$0x0]  }
0xa6: {  	s5 =	sand.u32 $0xFFFFFFFE, s1  }
0xa7: {  	p0 =	sne.s32 s1, s5  }
0xa8: {  	s5 =	sshll.u32 @p0 s5, $0xE  }
0xa9: {  	s5 =	sadd.s32 @p0 $0x11B8D, s5;
	s6 =	sshll.u32 @p0 s4, $0x11  }
0xaa: {  	s5 =	sor.u32 @p0 s6, s5  }
0xab: {  	[sflag:s5] =	ssyncadd.remote.s32 @p0 $0x1;
	_ =	sdelay $0x1  }
0xac: {  	s5 =	simm.s32 @p0 $0x1B8D  }
0xad: {  	_ =	swait.eq @p0 [sflag:s5], $0x1  }
0xae: {  	[sflag:s5] =	ssyncadd.s32 @p0 $0xFFFFFFFF  }
0xaf: {  	s6 =	sshll.u32 @!p0 s1, $0xE  }
0xb0: {  	s6 =	sor.u32 @!p0 $0x4000, s6;
	s5 =	simm.s32 @!p0 $0x1B8D  }
0xb1: {  	s4 =	sshll.u32 @!p0 s4, $0x11;
	s6 =	sadd.s32 @!p0 $0x11B8D, s6;
	_ =	swait.eq @!p0 [sflag:s5], $0x1  }
0xb2: {  	s4 =	sor.u32 @!p0 s4, s6;
	[sflag:s5] =	ssyncadd.s32 @!p0 $0xFFFFFFFF  }
0xb3: {  	s25 =	simm.s32 $0x1B8E;
	s24 =	sld [smem:$0x3FFE];
	[sflag:s4] =	ssyncadd.remote.s32 @!p0 $0x1  }
0xb4: {  	s26 =	simm.s32 $execute0_lowered;
	[smem:$0x3FD2] =	sst s25  }
0xb5: {  	s5 =	sshll.u32 s26, $0x1;
	_ =	strace $0x8000004C;
	[dreg:$0x1] =	wrdreg $0xFFFFFFFF  }
0xb6: {  	s28 =	simm.s32 $_size_execute0_lowered;
	s3 =	sadd.s32 s3, s5;
	[dreg:$0x0] =	wrdreg $0x0  }
0xb7: {  	s5 =	sshll.u32 s28, $0x1;
	[dreg:$0x2] =	wrdreg s3  }
0xb8: {  	[dreg:$0x3] =	wrdreg s5  }
0xb9: {  	[dreg:$0x4] =	wrdreg $0xC0  }
0xba: {  	_ =	task [dreg:s22], $0x5FFFF  }
0xbb: {  	[dreg:$0x1] =	wrdreg $0xFFFFFFFF  }
0xbc: {  	[dreg:$0x0] =	wrdreg $0x60  }
0xbd: {  	[dreg:$0x2] =	wrdreg s24  }
0xbe: {  	[dreg:$0x3] =	wrdreg $0x9  }
0xbf: {  	_ =	task.clear_ibuf [dreg:s22], $0x4FFFF;
	_ =	strace $0x9000004C  }
0xc0: {  	s29 =	simm.s32 $0x9;
	_ =	strace $0x8000004E  }
0xc1: {  	_ =	swait.ge [sflag:s29], $0x1  }
0xc2: {  	[sflag:s29] =	ssyncadd.s32 $0xFFFFFFFF  }
0xc3: {  	_ =	strace $0x9000004E  }
0xc4: {  	_ =	sfence  }
0xc5: {  	s30 =	sld [smem:$0x0];
	_ =	sdelay $0x2  }
0xc6: {  	s31 =	sshll.u32 s1, $0xD;
	s1 =	sshrl.u32 s1, $0x2  }
0xc7: {  	s4 =	sand.u32 $0x4000, s31;
	s1 =	sadd.s32 s1, s30  }
0xc8: {  	s0 =	sor.u32 s4, s0;
	s1 =	sshll.u32 s1, $0x11  }
0xc9: {  	s0 =	sor.u32 s1, s0  }
0xca: {  	s0 =	sadd.s32 $0x8F2B, s0  }
0xcb: {  	[sflag:s0] =	ssyncadd.remote.s32 $0x1  }
0xcc: {  	_ =	sfence.sel $0xFFFF  }
0xcd: {  	[dreg:$0x0] =	wrdreg $0xFFFFFFFF;
	(pc) =	sbr.abs _section_cstart, $3  }
0xce: {  	[dreg:$0x1] =	wrdreg $0xFFFFFFFF  }
0xcf: {  	_ =	task.clear_ibuf [dreg:s22], $0x2FFFF;
	_ =	strace $0x9FFFFFFF  }
0xd0: {  	(tm) =	ssettm $0x7FFFFFFF  }
0xd1: {  	_ =	shalt  }
tec
execute0_lowered:
.L_overlay_start_1:
0x0: {  	(tag) =	ssettag $0x1  }
0x1: {  	s1 =	srdreg.scid;
	s0 =	stileid.u32  }
0x2: {  	s7 =	rddreg [dreg:$0x0];
	s2 =	simm.s32 $0x0;
	s11 =	simm.s32 $0x2F80  }
0x3: {  	s12 =	simm.s32 $0x0;
	s5 =	sand.u32 $0x1, s1;
	s3 =	sshll.u32 s0, $0x1  }
0x4: {  	s16 =	simm.s32 $0x0;
	s1 =	rddreg [dreg:$0x1];
	s3 =	sor.u32 s5, s3  }
0x5: {  	[smem:$0x7FF] =	sst s2;
	s4 =	sadd.s32 $0x10600, s7;
	s3 =	smul.u32 $0x2710, s3  }
0x6: {  	s6 =	sadd.s32 $0x1A400, s7;
	_ =	strace $0x8000004D;
	s8 =	ssub.s32 $0x2, s5  }
0x7: {  	s5 =	sadd.s32 $0x9B400, s7;
	s10 =	sshrl.u32 s8, $0x1;
	s9 =	sshrl.u32 s3, $0x3  }
0x8: {  	s8 =	ssub.s32 s8, s10;
	s10 =	simm.s32 $0x2780;
	s7 =	sadd.s32 s9, s7  }
0x9: {  	s8 =	smax.u32 s8, $0x1;
	s9 =	simm.s32 $0x1;
	s7 =	sadd.s32 $0x1AA00, s7  }
.LBB2_1:
0xa: {  	[tilespmem:s2], [sflag:$0x1] =	stream.linear.gather [hbm4b:s6+s2], $0x2780, $0x38;
	[tilespmem:$0x3780] =	vst v63  }
0xb: {  	_ =	swait.ge [sflag:s9], $0x2780  }
0xc: {  	[sflag:s9] =	ssyncset.done $0x0  }
0xd: {  	s13 =	simm.s32 $0x0;
	[sflag:s9] =	ssyncadd.s32 $0xFFFFD880  }
.LBB2_2:
0xe: {  	s14 =	smul.u32 $0x7D0, s13;
	_ =	sdelay $0x1  }
0xf: {  	s14 =	sadd.s32 s3, s14  }
0x10: {  	s14 =	sshrl.u32 s14, $0x3  }
0x11: {  	s15 =	sadd.s32 s4, s14  }
0x12: {  	[tilespmem:s10], [sflag:$0x1] =	stream.linear.gather [hbm4b:s15+s16], $0x7D0, $0x38;
	[tilespmem:$0x3780] =	vst v63  }
0x13: {  	_ =	swait.ge [sflag:s9], $0x7D0  }
0x14: {  	[sflag:s9] =	ssyncset.done $0x0  }
0x15: {  	s14 =	sadd.s32 s5, s14;
	[sflag:s9] =	ssyncadd.s32 $0xFFFFF830  }
0x16: {  	[tilespmem:s11], [sflag:$0x1] =	stream.linear.gather [hbm4b:s14+s16], $0x7D0, $0x38;
	[tilespmem:$0x3780] =	vst v63  }
0x17: {  	_ =	swait.ge [sflag:s9], $0x7D0  }
0x18: {  	[sflag:s9] =	ssyncset.done $0x0  }
0x19: {  	s15 =	simm.s32 $0x0;
	s14 =	simm.s32 $0x40;
	[sflag:s9] =	ssyncadd.s32 $0xFFFFF830  }
.LBB2_3:
0x1a: {  	p0 =	sne.s32 s14, $0x1F00;
	v0 =	vld [tilespmem:s15+$0x2780];
	_ =	sdelay $0x2  }
0x1b: {  	v1 =	vld [tilespmem:s15+$0x2F80]  }
.Ltmp0:
0x1c: {  	(pc) =	sbr.rel @p0 .LBB2_3-.Ltmp0, $2  }
0x1d: {  	_ =	sdelay $0x2  }
0x1e: {  	s15 =	sshra.s32 s14, $0x2;
	s14 =	sadd.s32 $0x40, s14;
	[tilespmem:v0+s2+$0x0] =	vst.idx.add.f32.msk $0xffff, v1  }
0x1f: {  	v0 =	vld [tilespmem:s15+$0x2780];
	_ =	sdelay $0x1  }
0x20: {  	s13 =	sadd.s32 $0x1, s13  }
0x21: {  	v1 =	vld [tilespmem:s15+$0x2F80];
	p0 =	sne.s32 s13, $0x5  }
.Ltmp1:
0x22: {  	_ = 	snop;
	(pc) =	sbr.rel @p0 .LBB2_2-.Ltmp1, $2  }
0x23: {  	_ =	sdelay $0x2  }
0x24: {  	[tilespmem:v0+s2+$0x0] =	vst.idx.add.f32.msk $0xffff, v1  }
0x25: {  	s12 =	sadd.s32 $0x1, s12  }
0x26: {  	p0 =	sne.s32 s12, s8  }
.Ltmp2:
0x27: {  	_ = 	snop;
	(pc) =	sbr.rel @p0 .LBB2_1-.Ltmp2, $4  }
0x28: {  	[hbm4b:s7+s2] =	stream.linear.scatter [tilespmem:s2], [sflag:$0x1], $0x2710, $0x38;
	[tilespmem:$0x3780] =	vst v63  }
0x29: {  	_ =	swait.ge [sflag:s9], $0x2710  }
0x2a: {  	[sflag:s9] =	ssyncset.done $0x0  }
0x2b: {  	[sflag:s9] =	ssyncadd.s32 $0xFFFFD8F0  }
0x2c: {  	_ =	sfence.sel $0x180000  }
0x2d: {  	[bflag:$0x0] =	sbarrier.arrive $0xFFFF  }
0x2e: {  	p0 =	sne.s32 s0, $0x0;
	_ =	strace $0x9000004D  }
0x2f: {  	s0 =	sadd.s32 @!p0 $0x100000, s1;
	[bflag:$0x2] =	sbarrier.arrive $0xFFFF  }
0x30: {  	[sflag:s0] =	ssyncadd.tile.s32 @!p0 $0x1;
	_ =	shalt  }
.Lfunc_end2:
_tile_overlayer_lowered:
.L_overlay_start_2:
0x31: {  	(tag) =	ssettag $0x2  }
0x32: {  	s0 =	rddreg [dreg:$0x0];
	s2 =	stileid.u32  }
0x33: {  	s1 =	rddreg [dreg:$0x1];
	p0 =	sne.s32 s2, $0x0  }
0x34: {  	s3 =	rddreg [dreg:$0x2];
	[bflag:$0x3] =	sbarrier.arrive $0xFFFF;
	s2 =	simm.s32 @!p0 $0x1C01  }
0x35: {  	[timem:s3], [sflag:s2] =	dma.local @!p0 [hbm:s0], s1  }
0x36: {  	s0 =	simm.s32 @!p0 $0x1  }
0x37: {  	_ =	swait.ge @!p0 [sflag:s0], s1  }
0x38: {  	s1 =	ssub.s32 @!p0 $0x0, s1;
	[sflag:s0] =	ssyncset.done @!p0 $0x0  }
0x39: {  	[sflag:s0] =	ssyncadd.s32 @!p0 s1  }
0x3a: {  	[bflag:$0x3] =	sbarrier.arrive $0xFFFF  }
0x3b: {  	_ =	shalt  }

// kernel: kernel.22.cloned.1.call-start
scs
__scs_entry_jumppad:
0x0: {  	(pc) =	sbr.rel $0x88, $3  }
0x1: {  	(tag) =	ssettag $0x0;
	lr =	simm.s32 $0x1  }
0x2: {  	[smem:$0x3F8D] =	sst lr;
	_ =	strace $0xD0000000  }
0x3: {  	_ = 	snop  }
0x4: {  	_ = 	snop  }
0x5: {  	_ = 	snop  }
0x6: {  	_ = 	snop  }
0x7: {  	_ = 	snop  }
__scs_overlays_trampoline_lowered:
0x8: {  	[smem:$0x3F9C] =	sst s0  }
0x9: {  	[smem:$0x3F9D] =	sst s1  }
0xa: {  	[smem:$0x3F9E] =	sst s2  }
0xb: {  	[smem:$0x3F9F] =	sst s3  }
0xc: {  	[smem:$0x3FA0] =	sst s4  }
0xd: {  	[smem:$0x3FA1] =	sst s5  }
0xe: {  	[smem:$0x3FA2] =	sst s6  }
0xf: {  	[smem:$0x3FA3] =	sst s7  }
0x10: {  	[smem:$0x3FA4] =	sst s8  }
0x11: {  	[smem:$0x3FA5] =	sst s9;
	s0 =	simm.s32 @!p0 $0x0  }
0x12: {  	s1 =	sld [smem:$0x3F8B];
	s0 =	simm.s32 @p0 $0x1  }
0x13: {  	[smem:$0x3FA6] =	sst s0;
	s0 =	simm.s32 @!p1 $0x0  }
0x14: {  	s2 =	sld [smem:$0x3F8A];
	s0 =	simm.s32 @p1 $0x1  }
0x15: {  	[smem:$0x3FA7] =	sst s0;
	s0 =	simm.s32 @!p2 $0x0  }
0x16: {  	s3 =	sld [smem:$0x3FDB];
	s0 =	simm.s32 @p2 $0x1  }
0x17: {  	s4 =	simm.s32 $0x1BF5;
	[smem:$0x3FA9] =	sst s0  }
0x18: {  	s0 =	sld [smem:$0x3F8C];
	_ =	swait.ge [sflag:s4], $0x0  }
0x19: {  	s7 =	sld [smem:$0x3F8D]  }
0x1a: {  	s8 =	sadd.s32 $0xFFFFE003, lr  }
0x1b: {  	s9 =	sadd.s32 $0xFFFFFEF7, lr;
	s5 =	simm.s32 $0xFFFFFFFF;
	p2 =	slt.u32 s8, $0xFFFFF086  }
0x1c: {  	p1 =	slt.u32 s9, $0xF7A;
	s5 =	simm.s32 @!p2 $0x0  }
0x1d: {  	s5 =	simm.s32 @p1 $0x1;
	p0 =	seq.s32 s7, s2  }
0x1e: {  	s7 =	smul.u32 @!p0 $0xF7A, s2;
	p2 =	seq.s32 @!p0 s5, $0x0  }
0x1f: {  	s9 =	smul.u32 $0xF7A, s1;
	s8 =	simm.s32 @!p0 $0x1BF5;
	p2 =	por !p2, p0  }
0x20: {  	[sflag:s8] =	ssyncset.s32 @!p0 $0xFFFFF086;
	s6 =	sadd.s32 @!p0 s3, s7;
	s7 =	simm.s32 @!p0 $0x108  }
0x21: {  	s3 =	sadd.s32 s3, s9;
	s6 =	sadd.s32 @!p0 $0x88, s6;
	s7 =	simm.s32 @p2 $0x1082  }
0x22: {  	[simem:s7], [sflag:s8] =	dma.local @!p0 [hbm:s6], $0xF7A  }
0x23: {  	s9 =	sor.u32 $0xD0000000, s2;
	s6 =	simm.s32 $0x108;
	_ =	swait.ge @!p0 [sflag:s8], $0x0  }
0x24: {  	s3 =	sadd.s32 $0x88, s3;
	s6 =	simm.s32 @!p1 $0x1082;
	[sflag:s4] =	ssyncset.s32 $0xFFFFF086  }
0x25: {  	[simem:s6], [sflag:s4] =	dma.local [hbm:s3], $0xF7A  }
0x26: {  	[smem:$0x3F8D] =	sst s1;
	(tag) =	ssettag s2;
	_ =	strace s9  }
0x27: {  	s1 =	sld [smem:$0x3F9D]  }
0x28: {  	s2 =	sld [smem:$0x3F9E]  }
0x29: {  	s4 =	sld [smem:$0x3FA0]  }
0x2a: {  	p0 =	seq.s32 s5, $0x0;
	s5 =	sld [smem:$0x3FA1]  }
0x2b: {  	s6 =	sld [smem:$0x3FA2]  }
0x2c: {  	s7 =	sld [smem:$0x3FA3]  }
0x2d: {  	s3 =	simm.s32 $0x108;
	s8 =	sld [smem:$0x3FA4]  }
0x2e: {  	s3 =	simm.s32 @!p0 $0x1082;
	s9 =	sld [smem:$0x3FA5]  }
0x2f: {  	lr =	sadd.s32 s0, s3;
	s0 =	sld [smem:$0x3F9C]  }
0x30: {  	s3 =	sld [smem:$0x3F9F]  }
0x31: {  	[smem:$0x3FA8] =	sst s10  }
0x32: {  	s10 =	sld [smem:$0x3FA6];
	_ =	sdelay $0x3  }
0x33: {  	p0 =	seq.s32 s10, $0x1;
	s10 =	sld [smem:$0x3FA8];
	_ =	sdelay $0x3  }
0x34: {  	[smem:$0x3FA8] =	sst s10  }
0x35: {  	s10 =	sld [smem:$0x3FA7];
	_ =	sdelay $0x3  }
0x36: {  	p1 =	seq.s32 s10, $0x1;
	s10 =	sld [smem:$0x3FA8];
	_ =	sdelay $0x3  }
0x37: {  	[smem:$0x3FA8] =	sst s10  }
0x38: {  	s10 =	sld [smem:$0x3FA9]  }
0x39: {  	_ = 	snop;
	(pc) =	sbr.ind lr, $3  }
0x3a: {  	_ = 	snop  }
0x3b: {  	_ = 	snop  }
0x3c: {  	p2 =	seq.s32 s10, $0x1;
	s10 =	sld [smem:$0x3FA8]  }
0x3d: {  	_ =	shalt  }
0x3e: {  	_ =	shalt  }
0x3f: {  	_ =	shalt  }
0x40: {  	_ =	shalt  }
0x41: {  	_ =	shalt  }
0x42: {  	_ =	shalt  }
0x43: {  	_ =	shalt  }
0x44: {  	_ =	shalt  }
0x45: {  	_ =	shalt  }
0x46: {  	_ =	shalt  }
0x47: {  	_ =	shalt  }
0x48: {  	_ =	shalt  }
0x49: {  	_ =	shalt  }
0x4a: {  	_ =	shalt  }
0x4b: {  	_ =	shalt  }
0x4c: {  	_ =	shalt  }
0x4d: {  	_ =	shalt  }
0x4e: {  	_ =	shalt  }
0x4f: {  	_ =	shalt  }
0x50: {  	_ =	shalt  }
0x51: {  	_ =	shalt  }
0x52: {  	_ =	shalt  }
0x53: {  	_ =	shalt  }
0x54: {  	_ =	shalt  }
0x55: {  	_ =	shalt  }
0x56: {  	_ =	shalt  }
0x57: {  	_ =	shalt  }
0x58: {  	_ =	shalt  }
0x59: {  	_ =	shalt  }
0x5a: {  	_ =	shalt  }
0x5b: {  	_ =	shalt  }
0x5c: {  	_ =	shalt  }
0x5d: {  	_ =	shalt  }
0x5e: {  	_ =	shalt  }
0x5f: {  	_ =	shalt  }
0x60: {  	_ =	shalt  }
0x61: {  	_ =	shalt  }
0x62: {  	_ =	shalt  }
0x63: {  	_ =	shalt  }
0x64: {  	_ =	shalt  }
0x65: {  	_ =	shalt  }
0x66: {  	_ =	shalt  }
0x67: {  	_ =	shalt  }
0x68: {  	_ =	shalt  }
0x69: {  	_ =	shalt  }
0x6a: {  	_ =	shalt  }
0x6b: {  	_ =	shalt  }
0x6c: {  	_ =	shalt  }
0x6d: {  	_ =	shalt  }
0x6e: {  	_ =	shalt  }
0x6f: {  	_ =	shalt  }
0x70: {  	_ =	shalt  }
0x71: {  	_ =	shalt  }
0x72: {  	_ =	shalt  }
0x73: {  	_ =	shalt  }
0x74: {  	_ =	shalt  }
0x75: {  	_ =	shalt  }
0x76: {  	_ =	shalt  }
0x77: {  	_ =	shalt  }
0x78: {  	_ =	shalt  }
0x79: {  	_ =	shalt  }
0x7a: {  	_ =	shalt  }
0x7b: {  	_ =	shalt  }
0x7c: {  	_ =	shalt  }
0x7d: {  	_ =	shalt  }
0x7e: {  	_ =	shalt  }
0x7f: {  	_ =	shalt  }
0x80: {  	_ =	shalt  }
0x81: {  	_ =	shalt  }
0x82: {  	_ =	shalt  }
0x83: {  	_ =	shalt  }
0x84: {  	_ =	shalt  }
0x85: {  	_ =	shalt  }
0x86: {  	_ =	shalt  }
0x87: {  	_ =	shalt  }
.Lfunc_end0:
.L_simem_size_0:
called_computation.2_lowered:
.L_overlay_start_0:
0x88: {  	s2 =	sld [smem:$0x3FD9]  }
0x89: {  	s3 =	sld [smem:$0x3FFE];
	_ =	sdelay $0x1  }
0x8a: {  	s1 =	srdreg.scid  }
0x8b: {  	s0 =	sand.u32 $0x1, s1  }
0x8c: {  	s16 =	sshll.u32 s0, $0xA;
	s2 =	sadd.s32 s3, s2  }
0x8d: {  	s2 =	sadd.s32 s2, s16  }
0x8e: {  	[smem:$0x3FB4] =	sst s2  }
0x8f: {  	_ = 	snop  }
0x90: {  	(tm) =	ssettm $0x1  }
0x91: {  	s17 =	sld [smem:$0x3FFB];
	_ =	sdelay $0x3  }
0x92: {  	_ =	strace s17  }
0x93: {  	s2 =	sld [smem:$0x3FFC];
	_ =	sdelay $0x3  }
0x94: {  	_ =	strace s2  }
0x95: {  	s2 =	sld [smem:$0x3FFD];
	_ =	sdelay $0x3  }
0x96: {  	_ =	strace s2  }
0x97: {  	_ =	strace $0x8FFFFFFF  }
0x98: {  	s18 =	sld [smem:$0x3FDB];
	_ =	sdelay $0x1  }
0x99: {  	s19 =	simm.s32 $_scs_section_size  }
0x9a: {  	s4 =	simm.s32 $_size__tile_overlayer_lowered;
	s5 =	simm.s32 $_tile_overlayer_lowered  }
0x9b: {  	s22 =	simm.s32 $0x1BFF;
	s21 =	sshll.u32 s5, $0x1;
	s2 =	sadd.s32 s19, s18  }
0x9c: {  	s6 =	simm.s32 $0x0;
	s20 =	sshll.u32 s4, $0x1;
	s4 =	sadd.s32 s21, s2  }
0x9d: {  	[timem:s6], [sflag:s22] =	dma.local [hbm:s4], s20  }
0x9e: {  	_ =	swait.ge [sflag:s22], s20  }
0x9f: {  	s3 =	ssub.s32 $0x0, s20;
	[sflag:s22] =	ssyncset.done $0x0  }
0xa0: {  	[sflag:s22] =	ssyncadd.s32 s3;
	_ =	sdelay $0x1  }
0xa1: {  	s23 =	simm.s32 $0x1B8B  }
0xa2: {  	_ =	swait.ge [sflag:s23], $0x1  }
0xa3: {  	[sflag:s23] =	ssyncset.done $0x0  }
0xa4: {  	s25 =	simm.s32 $0x1B8E;
	s24 =	sld [smem:$0x3FFE];
	[sflag:s23] =	ssyncadd.s32 $0xFFFFFFFF  }
0xa5: {  	s26 =	simm.s32 $execute0_lowered;
	[smem:$0x3FD2] =	sst s25  }
0xa6: {  	s4 =	sshll.u32 s26, $0x1;
	_ =	strace $0x80000049;
	[dreg:$0x1] =	wrdreg $0xFFFFFFFF  }
0xa7: {  	s28 =	simm.s32 $_size_execute0_lowered;
	s2 =	sadd.s32 s2, s4;
	[dreg:$0x0] =	wrdreg $0x0  }
0xa8: {  	s4 =	sshll.u32 s28, $0x1;
	[dreg:$0x2] =	wrdreg s2  }
0xa9: {  	[dreg:$0x3] =	wrdreg s4  }
0xaa: {  	[dreg:$0x4] =	wrdreg $0xC0  }
0xab: {  	_ =	task [dreg:s6], $0x5FFFF  }
0xac: {  	[dreg:$0x1] =	wrdreg $0xFFFFFFFF  }
0xad: {  	[dreg:$0x0] =	wrdreg $0x60  }
0xae: {  	[dreg:$0x2] =	wrdreg s24  }
0xaf: {  	[dreg:$0x3] =	wrdreg $0x40800  }
0xb0: {  	[dreg:$0x4] =	wrdreg $0xA  }
0xb1: {  	_ =	task.clear_ibuf [dreg:s6], $0x5FFFF;
	_ =	strace $0x90000049  }
0xb2: {  	s29 =	simm.s32 $0xA;
	_ =	strace $0x8000004B  }
0xb3: {  	_ =	swait.ge [sflag:s29], $0x1  }
0xb4: {  	[sflag:s29] =	ssyncadd.s32 $0xFFFFFFFF  }
0xb5: {  	_ =	strace $0x9000004B  }
0xb6: {  	_ =	sfence  }
0xb7: {  	s30 =	sld [smem:$0x0];
	_ =	sdelay $0x2  }
0xb8: {  	s31 =	sshll.u32 s1, $0xD;
	s1 =	sshrl.u32 s1, $0x2  }
0xb9: {  	s3 =	sand.u32 $0x4000, s31;
	s1 =	sadd.s32 s1, s30  }
0xba: {  	s0 =	sor.u32 s3, s0;
	s1 =	sshll.u32 s1, $0x11  }
0xbb: {  	s0 =	sor.u32 s1, s0  }
0xbc: {  	s0 =	sadd.s32 $0x8F2B, s0  }
0xbd: {  	[sflag:s0] =	ssyncadd.remote.s32 $0x1  }
0xbe: {  	_ =	sfence.sel $0xFFFF  }
0xbf: {  	[dreg:$0x0] =	wrdreg $0xFFFFFFFF;
	(pc) =	sbr.abs _section_cstart, $3  }
0xc0: {  	[dreg:$0x1] =	wrdreg $0xFFFFFFFF  }
0xc1: {  	_ =	task.clear_ibuf [dreg:s6], $0x2FFFF;
	_ =	strace $0x9FFFFFFF  }
0xc2: {  	(tm) =	ssettm $0x7FFFFFFF  }
0xc3: {  	_ =	shalt  }
tec
execute0_lowered:
.L_overlay_start_1:
0x0: {  	(tag) =	ssettag $0x1  }
0x1: {  	s7 =	rddreg [dreg:$0x0]  }
0x2: {  	s2 =	rddreg [dreg:$0x1]  }
0x3: {  	s0 =	rddreg [dreg:$0x2];
	s3 =	simm.s32 $0x0;
	s1 =	stileid.u32  }
0x4: {  	s6 =	srdreg.scid;
	[smem:$0x7FF] =	sst s3;
	s4 =	sshll.u32 s1, $0xC  }
0x5: {  	s5 =	sshll.u32 s1, $0x5;
	s8 =	smul.u32 $0x13800, s1;
	s10 =	sand.u32 $0x1, s6  }
0x6: {  	s24 =	smul.u32 $0x4E000, s1;
	s13 =	sadd.s32 $0x4D200, s7;
	s28 =	sshll.u32 s1, $0x6  }
0x7: {  	s17 =	sadd.s32 $0x138000, s2;
	p0 =	sne.s32 s1, $0xF;
	_ =	strace $0x8000004A  }
0x8: {  	s11 =	sadd.s32 s4, s7;
	s12 =	sadd.s32 s5, s7;
	s23 =	ssub.s32 $0x2, s10  }
0x9: {  	s15 =	smul.u32 $0x138800, s10;
	s4 =	sshll.u32 s1, $0x1;
	s6 =	sor.u32 $0x1C01, s28  }
0xa: {  	s30 =	sshll.u32 s10, $0xB;
	s31 =	sshll.u32 s10, $0x4;
	s22 =	sshrl.u32 s8, $0x3  }
0xb: {  	s25 =	sshrl.u32 s23, $0x1;
	s26 =	sshrl.u32 s24, $0x2;
	s11 =	sadd.s32 s30, s11  }
0xc: {  	s12 =	sadd.s32 s31, s12;
	s9 =	sadd.s32 s22, s7;
	s14 =	ssub.s32 s23, s25  }
0xd: {  	s16 =	sadd.s32 s26, s2;
	s8 =	sadd.s32 s8, s15;
	s29 =	sshrl.u32 s15, $0x3  }
0xe: {  	s7 =	sadd.s32 $0x4D000, s7;
	s11 =	sadd.s32 $0xF0E800, s11;
	s12 =	sadd.s32 $0x10600, s12  }
0xf: {  	s15 =	sshrl.u32 @!p0 s17, $0x3;
	s5 =	sadd.s32 $0x26000, s9;
	s8 =	sshrl.u32 s8, $0x3  }
0x10: {  	s9 =	sadd.s32 s13, s29;
	s10 =	smax.u32 s14, $0x1;
	s14 =	simm.s32 $0x1  }
0x11: {  	s8 =	sadd.s32 s13, s8;
	s9 =	sadd.s32 $0x27000, s9;
	s13 =	sshrl.u32 s16, $0x3  }
.LBB2_1:
0x12: {  	[spmem:s13], [sflag:s6] =	dma.local [hbm:s5], $0x2700  }
0x13: {  	_ =	swait.ge [sflag:s14], $0x2700  }
0x14: {  	[sflag:s14] =	ssyncset.done $0x0  }
0x15: {  	s16 =	simm.s32 @!p0 $0x1;
	[sflag:s14] =	ssyncadd.s32 $0xFFFFD900  }
0x16: {  	[spmem:s15], [sflag:s6] =	dma.local @!p0 [hbm:s7], $0x100  }
0x17: {  	_ =	swait.ge @!p0 [sflag:s16], $0x100  }
0x18: {  	s17 =	sadd.s32 $0x0, s4;
	[sflag:s16] =	ssyncset.done @!p0 $0x0  }
0x19: {  	p1 =	sgt.u32 s17, $0x9C3;
	[sflag:s16] =	ssyncadd.s32 @!p0 $0xFFFFFF00  }
0x1a: {  	s18 =	simm.s32 @!p1 $0x2;
	s16 =	simm.s32 @!p1 $0x0;
	[bflag:$0x0] =	sbarrier.arrive $0xFFFF  }
0x1b: {  	[tilespmem:s16], [sflag:$0x2] =	stream.linear.gather @!p1 [hbm4b:s12+s16], $0x80, $0x38;
	[tilespmem:$0x17900] =	vst v63  }
0x1c: {  	_ =	swait.ge @!p1 [sflag:s18], $0x80  }
0x1d: {  	[sflag:s18] =	ssyncset.done @!p1 $0x0;
	p1 =	por p1, p1  }
0x1e: {  	[sflag:s18] =	ssyncadd.s32 @!p1 $0xFFFFFF80;
	s20 =	simm.s32 @!p1 $0x80  }
0x1f: {  	[tilespmem:s20], [sflag:$0x2] =	stream.linear.gather @!p1 [hbm4b:s11+s16], $0x4000, $0x38;
	[tilespmem:$0x17900] =	vst v63  }
0x20: {  	_ =	swait.ge @!p1 [sflag:s18], $0x4000  }
0x21: {  	[sflag:s18] =	ssyncset.done @!p1 $0x0  }
0x22: {  	s31 =	sadd.s32 $0x20, s4;
	s19 =	simm.s32 @!p1 $0x1;
	[sflag:s18] =	ssyncadd.s32 @!p1 $0xFFFFC000  }
0x23: {  	[spmem:s2] =	stream.indirect.scatter.add.f32 @!p1 [tilespmem:s20], [sflag:$0x1], $0x80, s16, s20, $0xb8;
	[tilespmem:$0x17900] =	vst v63  }
0x24: {  	s17 =	simm.s32 $0x40;
	p2 =	sgt.u32 s31, $0x9C3;
	_ =	swait.ge @!p1 [sflag:s19], $0x4000  }
0x25: {  	s18 =	sadd.s32 $0x200, s12;
	s16 =	sadd.s32 $0x10000, s11;
	[sflag:s19] =	ssyncset.done @!p1 $0x0  }
.LBB2_2:
0x26: {  	s20 =	simm.s32 @!p2 $0x0;
	s21 =	simm.s32 @!p2 $0x2;
	[sflag:s19] =	ssyncadd.s32 @!p1 $0xFFFFC000  }
0x27: {  	[tilespmem:s20], [sflag:$0x2] =	stream.linear.gather @!p2 [hbm4b:s18+s20], $0x80, $0x38;
	[tilespmem:$0x17900] =	vst v63  }
0x28: {  	s22 =	smov.u32 s17;
	s17 =	sadd.s32 $0x20, s17;
	_ =	swait.ge @!p2 [sflag:s21], $0x80  }
0x29: {  	p1 =	por p2, p2;
	p3 =	sne.s32 s17, $0x9E0;
	[sflag:s21] =	ssyncset.done @!p2 $0x0  }
0x2a: {  	s23 =	simm.s32 @!p1 $0x80;
	[sflag:s21] =	ssyncadd.s32 @!p1 $0xFFFFFF80  }
0x2b: {  	[tilespmem:s23], [sflag:$0x2] =	stream.linear.gather @!p1 [hbm4b:s16+s20], $0x4000, $0x38;
	[tilespmem:$0x17900] =	vst v63  }
0x2c: {  	_ =	swait.ge @!p1 [sflag:s21], $0x4000  }
.Ltmp0:
0x2d: {  	[sflag:s21] =	ssyncset.done @!p1 $0x0;
	(pc) =	sbr.rel @p3 .LBB2_2-.Ltmp0, $4  }
0x2e: {  	s19 =	simm.s32 @!p1 $0x1;
	[sflag:s21] =	ssyncadd.s32 @!p1 $0xFFFFC000  }
0x2f: {  	[spmem:s2] =	stream.indirect.scatter.add.f32 @!p1 [tilespmem:s23], [sflag:$0x1], $0x80, s20, s23, $0xb8;
	[tilespmem:$0x17900] =	vst v63  }
0x30: {  	s18 =	sadd.s32 $0x200, s18;
	s20 =	sadd.s32 s22, s4;
	_ =	swait.ge @!p1 [sflag:s19], $0x4000  }
0x31: {  	s16 =	sadd.s32 $0x10000, s16;
	p2 =	sgt.u32 s20, $0x9C3;
	[sflag:s19] =	ssyncset.done @!p1 $0x0  }
0x32: {  	s17 =	simm.s32 @!p2 $0x0;
	s20 =	simm.s32 @!p2 $0x2;
	[sflag:s19] =	ssyncadd.s32 @!p1 $0xFFFFC000  }
0x33: {  	[tilespmem:s17], [sflag:$0x2] =	stream.linear.gather @!p2 [hbm4b:s18+s17], $0x80, $0x38;
	[tilespmem:$0x17900] =	vst v63  }
0x34: {  	_ =	swait.ge @!p2 [sflag:s20], $0x80  }
0x35: {  	p1 =	por p2, p2;
	[sflag:s20] =	ssyncset.done @!p2 $0x0  }
0x36: {  	s18 =	simm.s32 @!p1 $0x80;
	[sflag:s20] =	ssyncadd.s32 @!p1 $0xFFFFFF80  }
0x37: {  	[tilespmem:s18], [sflag:$0x2] =	stream.linear.gather @!p1 [hbm4b:s16+s17], $0x4000, $0x38;
	[tilespmem:$0x17900] =	vst v63  }
0x38: {  	_ =	swait.ge @!p1 [sflag:s20], $0x4000  }
0x39: {  	[sflag:s20] =	ssyncset.done @!p1 $0x0  }
0x3a: {  	s16 =	simm.s32 @!p1 $0x1;
	[sflag:s20] =	ssyncadd.s32 @!p1 $0xFFFFC000  }
0x3b: {  	[spmem:s2] =	stream.indirect.scatter.add.f32 @!p1 [tilespmem:s18], [sflag:$0x1], $0x80, s17, s18, $0xb8;
	[tilespmem:$0x17900] =	vst v63  }
0x3c: {  	_ =	swait.ge @!p1 [sflag:s16], $0x4000  }
0x3d: {  	[sflag:s16] =	ssyncset.done @!p1 $0x0  }
0x3e: {  	[sflag:s16] =	ssyncadd.s32 @!p1 $0xFFFFC000  }
0x3f: {  	[bflag:$0x0] =	sbarrier.arrive $0xFFFF  }
0x40: {  	[hbm:s8], [sflag:s6] =	dma.local [spmem:s13], $0x2700  }
0x41: {  	s3 =	sadd.s32 $0x1, s3;
	_ =	swait.ge [sflag:s14], $0x2700  }
0x42: {  	p1 =	sne.s32 s3, s10;
	[sflag:s14] =	ssyncset.done $0x0  }
.Ltmp1:
0x43: {  	s16 =	simm.s32 @!p0 $0x1;
	[sflag:s14] =	ssyncadd.s32 $0xFFFFD900;
	(pc) =	sbr.rel @p1 .LBB2_1-.Ltmp1, $4  }
0x44: {  	[hbm:s9], [sflag:s6] =	dma.local @!p0 [spmem:s15], $0x100  }
0x45: {  	_ =	swait.ge @!p0 [sflag:s16], $0x100  }
0x46: {  	[sflag:s16] =	ssyncset.done @!p0 $0x0  }
0x47: {  	[sflag:s16] =	ssyncadd.s32 @!p0 $0xFFFFFF00  }
0x48: {  	_ =	sfence.sel $0x180000  }
0x49: {  	[bflag:$0x0] =	sbarrier.arrive $0xFFFF  }
0x4a: {  	p0 =	sne.s32 s1, $0x0;
	_ =	strace $0x9000004A  }
0x4b: {  	s0 =	sadd.s32 @!p0 $0x100000, s0;
	[bflag:$0x2] =	sbarrier.arrive $0xFFFF  }
0x4c: {  	[sflag:s0] =	ssyncadd.tile.s32 @!p0 $0x1;
	_ =	shalt  }
.Lfunc_end2:
_tile_overlayer_lowered:
.L_overlay_start_2:
0x4d: {  	(tag) =	ssettag $0x2  }
0x4e: {  	s0 =	rddreg [dreg:$0x0];
	s2 =	stileid.u32  }
0x4f: {  	s1 =	rddreg [dreg:$0x1];
	p0 =	sne.s32 s2, $0x0  }
0x50: {  	s3 =	rddreg [dreg:$0x2];
	[bflag:$0x3] =	sbarrier.arrive $0xFFFF;
	s2 =	simm.s32 @!p0 $0x1C01  }
0x51: {  	[timem:s3], [sflag:s2] =	dma.local @!p0 [hbm:s0], s1  }
0x52: {  	s0 =	simm.s32 @!p0 $0x1  }
0x53: {  	_ =	swait.ge @!p0 [sflag:s0], s1  }
0x54: {  	s1 =	ssub.s32 @!p0 $0x0, s1;
	[sflag:s0] =	ssyncset.done @!p0 $0x0  }
0x55: {  	[sflag:s0] =	ssyncadd.s32 @!p0 s1  }
0x56: {  	[bflag:$0x3] =	sbarrier.arrive $0xFFFF  }
0x57: {  	_ =	shalt  }

// kernel: kernel.25.cloned.1.call-start
scs
__scs_entry_jumppad:
0x0: {  	(pc) =	sbr.rel $0x88, $3  }
0x1: {  	(tag) =	ssettag $0x0;
	lr =	simm.s32 $0x1  }
0x2: {  	[smem:$0x3F8D] =	sst lr;
	_ =	strace $0xD0000000  }
0x3: {  	_ = 	snop  }
0x4: {  	_ = 	snop  }
0x5: {  	_ = 	snop  }
0x6: {  	_ = 	snop  }
0x7: {  	_ = 	snop  }
__scs_overlays_trampoline_lowered:
0x8: {  	[smem:$0x3F9C] =	sst s0  }
0x9: {  	[smem:$0x3F9D] =	sst s1  }
0xa: {  	[smem:$0x3F9E] =	sst s2  }
0xb: {  	[smem:$0x3F9F] =	sst s3  }
0xc: {  	[smem:$0x3FA0] =	sst s4  }
0xd: {  	[smem:$0x3FA1] =	sst s5  }
0xe: {  	[smem:$0x3FA2] =	sst s6  }
0xf: {  	[smem:$0x3FA3] =	sst s7  }
0x10: {  	[smem:$0x3FA4] =	sst s8  }
0x11: {  	[smem:$0x3FA5] =	sst s9;
	s0 =	simm.s32 @!p0 $0x0  }
0x12: {  	s1 =	sld [smem:$0x3F8B];
	s0 =	simm.s32 @p0 $0x1  }
0x13: {  	[smem:$0x3FA6] =	sst s0;
	s0 =	simm.s32 @!p1 $0x0  }
0x14: {  	s2 =	sld [smem:$0x3F8A];
	s0 =	simm.s32 @p1 $0x1  }
0x15: {  	[smem:$0x3FA7] =	sst s0;
	s0 =	simm.s32 @!p2 $0x0  }
0x16: {  	s3 =	sld [smem:$0x3FDB];
	s0 =	simm.s32 @p2 $0x1  }
0x17: {  	s4 =	simm.s32 $0x1BF5;
	[smem:$0x3FA9] =	sst s0  }
0x18: {  	s0 =	sld [smem:$0x3F8C];
	_ =	swait.ge [sflag:s4], $0x0  }
0x19: {  	s7 =	sld [smem:$0x3F8D]  }
0x1a: {  	s8 =	sadd.s32 $0xFFFFE003, lr  }
0x1b: {  	s9 =	sadd.s32 $0xFFFFFEF7, lr;
	s5 =	simm.s32 $0xFFFFFFFF;
	p2 =	slt.u32 s8, $0xFFFFF086  }
0x1c: {  	p1 =	slt.u32 s9, $0xF7A;
	s5 =	simm.s32 @!p2 $0x0  }
0x1d: {  	s5 =	simm.s32 @p1 $0x1;
	p0 =	seq.s32 s7, s2  }
0x1e: {  	s7 =	smul.u32 @!p0 $0xF7A, s2;
	p2 =	seq.s32 @!p0 s5, $0x0  }
0x1f: {  	s9 =	smul.u32 $0xF7A, s1;
	s8 =	simm.s32 @!p0 $0x1BF5;
	p2 =	por !p2, p0  }
0x20: {  	[sflag:s8] =	ssyncset.s32 @!p0 $0xFFFFF086;
	s6 =	sadd.s32 @!p0 s3, s7;
	s7 =	simm.s32 @!p0 $0x108  }
0x21: {  	s3 =	sadd.s32 s3, s9;
	s6 =	sadd.s32 @!p0 $0x88, s6;
	s7 =	simm.s32 @p2 $0x1082  }
0x22: {  	[simem:s7], [sflag:s8] =	dma.local @!p0 [hbm:s6], $0xF7A  }
0x23: {  	s9 =	sor.u32 $0xD0000000, s2;
	s6 =	simm.s32 $0x108;
	_ =	swait.ge @!p0 [sflag:s8], $0x0  }
0x24: {  	s3 =	sadd.s32 $0x88, s3;
	s6 =	simm.s32 @!p1 $0x1082;
	[sflag:s4] =	ssyncset.s32 $0xFFFFF086  }
0x25: {  	[simem:s6], [sflag:s4] =	dma.local [hbm:s3], $0xF7A  }
0x26: {  	[smem:$0x3F8D] =	sst s1;
	(tag) =	ssettag s2;
	_ =	strace s9  }
0x27: {  	s1 =	sld [smem:$0x3F9D]  }
0x28: {  	s2 =	sld [smem:$0x3F9E]  }
0x29: {  	s4 =	sld [smem:$0x3FA0]  }
0x2a: {  	p0 =	seq.s32 s5, $0x0;
	s5 =	sld [smem:$0x3FA1]  }
0x2b: {  	s6 =	sld [smem:$0x3FA2]  }
0x2c: {  	s7 =	sld [smem:$0x3FA3]  }
0x2d: {  	s3 =	simm.s32 $0x108;
	s8 =	sld [smem:$0x3FA4]  }
0x2e: {  	s3 =	simm.s32 @!p0 $0x1082;
	s9 =	sld [smem:$0x3FA5]  }
0x2f: {  	lr =	sadd.s32 s0, s3;
	s0 =	sld [smem:$0x3F9C]  }
0x30: {  	s3 =	sld [smem:$0x3F9F]  }
0x31: {  	[smem:$0x3FA8] =	sst s10  }
0x32: {  	s10 =	sld [smem:$0x3FA6];
	_ =	sdelay $0x3  }
0x33: {  	p0 =	seq.s32 s10, $0x1;
	s10 =	sld [smem:$0x3FA8];
	_ =	sdelay $0x3  }
0x34: {  	[smem:$0x3FA8] =	sst s10  }
0x35: {  	s10 =	sld [smem:$0x3FA7];
	_ =	sdelay $0x3  }
0x36: {  	p1 =	seq.s32 s10, $0x1;
	s10 =	sld [smem:$0x3FA8];
	_ =	sdelay $0x3  }
0x37: {  	[smem:$0x3FA8] =	sst s10  }
0x38: {  	s10 =	sld [smem:$0x3FA9]  }
0x39: {  	_ = 	snop;
	(pc) =	sbr.ind lr, $3  }
0x3a: {  	_ = 	snop  }
0x3b: {  	_ = 	snop  }
0x3c: {  	p2 =	seq.s32 s10, $0x1;
	s10 =	sld [smem:$0x3FA8]  }
0x3d: {  	_ =	shalt  }
0x3e: {  	_ =	shalt  }
0x3f: {  	_ =	shalt  }
0x40: {  	_ =	shalt  }
0x41: {  	_ =	shalt  }
0x42: {  	_ =	shalt  }
0x43: {  	_ =	shalt  }
0x44: {  	_ =	shalt  }
0x45: {  	_ =	shalt  }
0x46: {  	_ =	shalt  }
0x47: {  	_ =	shalt  }
0x48: {  	_ =	shalt  }
0x49: {  	_ =	shalt  }
0x4a: {  	_ =	shalt  }
0x4b: {  	_ =	shalt  }
0x4c: {  	_ =	shalt  }
0x4d: {  	_ =	shalt  }
0x4e: {  	_ =	shalt  }
0x4f: {  	_ =	shalt  }
0x50: {  	_ =	shalt  }
0x51: {  	_ =	shalt  }
0x52: {  	_ =	shalt  }
0x53: {  	_ =	shalt  }
0x54: {  	_ =	shalt  }
0x55: {  	_ =	shalt  }
0x56: {  	_ =	shalt  }
0x57: {  	_ =	shalt  }
0x58: {  	_ =	shalt  }
0x59: {  	_ =	shalt  }
0x5a: {  	_ =	shalt  }
0x5b: {  	_ =	shalt  }
0x5c: {  	_ =	shalt  }
0x5d: {  	_ =	shalt  }
0x5e: {  	_ =	shalt  }
0x5f: {  	_ =	shalt  }
0x60: {  	_ =	shalt  }
0x61: {  	_ =	shalt  }
0x62: {  	_ =	shalt  }
0x63: {  	_ =	shalt  }
0x64: {  	_ =	shalt  }
0x65: {  	_ =	shalt  }
0x66: {  	_ =	shalt  }
0x67: {  	_ =	shalt  }
0x68: {  	_ =	shalt  }
0x69: {  	_ =	shalt  }
0x6a: {  	_ =	shalt  }
0x6b: {  	_ =	shalt  }
0x6c: {  	_ =	shalt  }
0x6d: {  	_ =	shalt  }
0x6e: {  	_ =	shalt  }
0x6f: {  	_ =	shalt  }
0x70: {  	_ =	shalt  }
0x71: {  	_ =	shalt  }
0x72: {  	_ =	shalt  }
0x73: {  	_ =	shalt  }
0x74: {  	_ =	shalt  }
0x75: {  	_ =	shalt  }
0x76: {  	_ =	shalt  }
0x77: {  	_ =	shalt  }
0x78: {  	_ =	shalt  }
0x79: {  	_ =	shalt  }
0x7a: {  	_ =	shalt  }
0x7b: {  	_ =	shalt  }
0x7c: {  	_ =	shalt  }
0x7d: {  	_ =	shalt  }
0x7e: {  	_ =	shalt  }
0x7f: {  	_ =	shalt  }
0x80: {  	_ =	shalt  }
0x81: {  	_ =	shalt  }
0x82: {  	_ =	shalt  }
0x83: {  	_ =	shalt  }
0x84: {  	_ =	shalt  }
0x85: {  	_ =	shalt  }
0x86: {  	_ =	shalt  }
0x87: {  	_ =	shalt  }
.Lfunc_end0:
.L_simem_size_0:
called_computation.3_lowered:
.L_overlay_start_0:
0x88: {  	s2 =	sld [smem:$0x3FD9]  }
0x89: {  	s3 =	sld [smem:$0x3FFE];
	_ =	sdelay $0x1  }
0x8a: {  	s1 =	srdreg.scid  }
0x8b: {  	s0 =	sand.u32 $0x1, s1  }
0x8c: {  	s16 =	sshll.u32 s0, $0xA;
	s2 =	sadd.s32 s3, s2  }
0x8d: {  	s2 =	sadd.s32 s2, s16  }
0x8e: {  	[smem:$0x3FB4] =	sst s2  }
0x8f: {  	_ = 	snop  }
0x90: {  	(tm) =	ssettm $0x1  }
0x91: {  	s17 =	sld [smem:$0x3FFB];
	_ =	sdelay $0x3  }
0x92: {  	_ =	strace s17  }
0x93: {  	s2 =	sld [smem:$0x3FFC];
	_ =	sdelay $0x3  }
0x94: {  	_ =	strace s2  }
0x95: {  	s2 =	sld [smem:$0x3FFD];
	_ =	sdelay $0x3  }
0x96: {  	_ =	strace s2  }
0x97: {  	_ =	strace $0x8FFFFFFF  }
0x98: {  	s18 =	sld [smem:$0x3FDB];
	_ =	sdelay $0x1  }
0x99: {  	s19 =	simm.s32 $_scs_section_size  }
0x9a: {  	s4 =	simm.s32 $_size__tile_overlayer_lowered;
	s5 =	simm.s32 $_tile_overlayer_lowered  }
0x9b: {  	s22 =	simm.s32 $0x1BFF;
	s21 =	sshll.u32 s5, $0x1;
	s2 =	sadd.s32 s19, s18  }
0x9c: {  	s6 =	simm.s32 $0x0;
	s20 =	sshll.u32 s4, $0x1;
	s4 =	sadd.s32 s21, s2  }
0x9d: {  	[timem:s6], [sflag:s22] =	dma.local [hbm:s4], s20  }
0x9e: {  	_ =	swait.ge [sflag:s22], s20  }
0x9f: {  	s3 =	ssub.s32 $0x0, s20;
	[sflag:s22] =	ssyncset.done $0x0  }
0xa0: {  	[sflag:s22] =	ssyncadd.s32 s3;
	_ =	sdelay $0x1  }
0xa1: {  	s23 =	simm.s32 $0x1B8B  }
0xa2: {  	_ =	swait.ge [sflag:s23], $0x1  }
0xa3: {  	[sflag:s23] =	ssyncset.done $0x0  }
0xa4: {  	s25 =	simm.s32 $0x1B8E;
	s24 =	sld [smem:$0x3FFE];
	[sflag:s23] =	ssyncadd.s32 $0xFFFFFFFF  }
0xa5: {  	s26 =	simm.s32 $execute0_lowered;
	[smem:$0x3FD2] =	sst s25  }
0xa6: {  	s4 =	sshll.u32 s26, $0x1;
	_ =	strace $0x8000004F;
	[dreg:$0x1] =	wrdreg $0xFFFFFFFF  }
0xa7: {  	s28 =	simm.s32 $_size_execute0_lowered;
	s2 =	sadd.s32 s2, s4;
	[dreg:$0x0] =	wrdreg $0x0  }
0xa8: {  	s4 =	sshll.u32 s28, $0x1;
	[dreg:$0x2] =	wrdreg s2  }
0xa9: {  	[dreg:$0x3] =	wrdreg s4  }
0xaa: {  	[dreg:$0x4] =	wrdreg $0xC0  }
0xab: {  	_ =	task [dreg:s6], $0x5FFFF  }
0xac: {  	[dreg:$0x1] =	wrdreg $0xFFFFFFFF  }
0xad: {  	[dreg:$0x0] =	wrdreg $0x60  }
0xae: {  	[dreg:$0x2] =	wrdreg s24  }
0xaf: {  	[dreg:$0x3] =	wrdreg $0x9  }
0xb0: {  	_ =	task.clear_ibuf [dreg:s6], $0x4FFFF;
	_ =	strace $0x9000004F  }
0xb1: {  	s29 =	simm.s32 $0x9;
	_ =	strace $0x80000051  }
0xb2: {  	_ =	swait.ge [sflag:s29], $0x1  }
0xb3: {  	[sflag:s29] =	ssyncadd.s32 $0xFFFFFFFF  }
0xb4: {  	_ =	strace $0x90000051  }
0xb5: {  	_ =	sfence  }
0xb6: {  	s30 =	sld [smem:$0x0];
	_ =	sdelay $0x2  }
0xb7: {  	s31 =	sshll.u32 s1, $0xD;
	s1 =	sshrl.u32 s1, $0x2  }
0xb8: {  	s3 =	sand.u32 $0x4000, s31;
	s1 =	sadd.s32 s1, s30  }
0xb9: {  	s0 =	sor.u32 s3, s0;
	s1 =	sshll.u32 s1, $0x11  }
0xba: {  	s0 =	sor.u32 s1, s0  }
0xbb: {  	s0 =	sadd.s32 $0x8F2B, s0  }
0xbc: {  	[sflag:s0] =	ssyncadd.remote.s32 $0x1  }
0xbd: {  	_ =	sfence.sel $0xFFFF  }
0xbe: {  	[dreg:$0x0] =	wrdreg $0xFFFFFFFF;
	(pc) =	sbr.abs _section_cstart, $3  }
0xbf: {  	[dreg:$0x1] =	wrdreg $0xFFFFFFFF  }
0xc0: {  	_ =	task.clear_ibuf [dreg:s6], $0x2FFFF;
	_ =	strace $0x9FFFFFFF  }
0xc1: {  	(tm) =	ssettm $0x7FFFFFFF  }
tec
execute0_lowered:
.L_overlay_start_1:
0x0: {  	(tag) =	ssettag $0x1  }
0x1: {  	s4 =	rddreg [dreg:$0x0]  }
0x2: {  	s0 =	rddreg [dreg:$0x1]  }
0x3: {  	s2 =	simm.s32 $0x0;
	s3 =	srdreg.scid;
	s1 =	stileid.u32  }
0x4: {  	[smem:$0x7FF] =	sst s2;
	s5 =	sand.u32 $0x1, s3;
	s3 =	sadd.s32 $0x4D200, s4  }
0x5: {  	s6 =	sshll.u32 s1, $0x5;
	s8 =	sshll.u32 s1, $0xC;
	_ =	strace $0x80000050  }
0x6: {  	s7 =	ssub.s32 $0x2, s5;
	s6 =	sadd.s32 s6, s4;
	s8 =	sadd.s32 s8, s4  }
0x7: {  	s31 =	sshll.u32 s5, $0x4;
	s10 =	sshll.u32 s5, $0xB;
	s9 =	sshrl.u32 s7, $0x1  }
0x8: {  	s4 =	sshll.u32 s1, $0x1;
	s10 =	sadd.s32 s10, s8;
	s7 =	ssub.s32 s7, s9  }
0x9: {  	s9 =	sadd.s32 s31, s6;
	s8 =	sadd.s32 $0xF0E800, s10;
	s5 =	smax.u32 s7, $0x1  }
0xa: {  	s6 =	sadd.s32 $0x10600, s9;
	s7 =	sadd.s32 $0x6800, s9;
	s9 =	sadd.s32 $0x74400, s10  }
.LBB2_1:
0xb: {  	p0 =	sgt.u32 s4, $0x9C3  }
0xc: {  	s10 =	sadd.s32 @!p0 $0x0, s7;
	s11 =	simm.s32 @!p0 $0x0;
	s14 =	simm.s32 @!p0 $0x4  }
0xd: {  	[tilespmem:s11], [sflag:$0x4] =	stream.linear.gather @!p0 [hbm4b:s10+s11], $0x80, $0x38;
	[tilespmem:$0x8100] =	vst v63  }
0xe: {  	_ =	swait.ge @!p0 [sflag:s14], $0x80;
	p0 =	por p0, p0  }
0xf: {  	[sflag:s14] =	ssyncset.done @!p0 $0x0  }
0x10: {  	s10 =	sadd.s32 @!p0 $0x0, s6;
	s12 =	simm.s32 @!p0 $0x80;
	[sflag:s14] =	ssyncadd.s32 @!p0 $0xFFFFFF80  }
0x11: {  	[tilespmem:s12], [sflag:$0x4] =	stream.linear.gather @!p0 [hbm4b:s10+s11], $0x80, $0x38;
	[tilespmem:$0x8100] =	vst v63  }
0x12: {  	_ =	swait.ge @!p0 [sflag:s14], $0x80  }
0x13: {  	[sflag:s14] =	ssyncset.done @!p0 $0x0  }
0x14: {  	s10 =	simm.s32 @!p0 $0x100;
	[sflag:s14] =	ssyncadd.s32 @!p0 $0xFFFFFF80  }
0x15: {  	[tilespmem:s10], [sflag:$0x1] =	stream.indirect.gather @!p0 [hbm4b:s3+s12], $0x80, s11, s12, $0xb8;
	[tilespmem:$0x8100] =	vst v63  }
0x16: {  	s15 =	simm.s32 @!p0 $0x4100;
	s13 =	simm.s32 @!p0 $0x1  }
0x17: {  	[tilespmem:s15], [sflag:$0x2] =	stream.indirect.gather @!p0 [hbm4b:s3+s12], $0x80, s12, s12, $0xb8;
	[tilespmem:$0x8100] =	vst v63  }
0x18: {  	_ =	swait.ge @!p0 [sflag:s13], $0x4000  }
0x19: {  	[sflag:s13] =	ssyncset.done @!p0 $0x0  }
0x1a: {  	s12 =	simm.s32 @!p0 $0x2;
	[sflag:s13] =	ssyncadd.s32 @!p0 $0xFFFFC000  }
0x1b: {  	_ =	swait.ge @!p0 [sflag:s12], $0x4000  }
0x1c: {  	[sflag:s12] =	ssyncset.done @!p0 $0x0  }
0x1d: {  	[sflag:s12] =	ssyncadd.s32 @!p0 $0xFFFFC000  }
0x1e: {  	[hbm4b:s9+s11] =	stream.linear.scatter @!p0 [tilespmem:s10], [sflag:$0x4], $0x4000, $0x38;
	[tilespmem:$0x8100] =	vst v63  }
0x1f: {  	_ =	swait.ge @!p0 [sflag:s14], $0x4000  }
0x20: {  	[sflag:s14] =	ssyncset.done @!p0 $0x0  }
0x21: {  	s13 =	simm.s32 $0x400;
	s12 =	simm.s32 $0x200;
	[sflag:s14] =	ssyncadd.s32 @!p0 $0xFFFFC000  }
0x22: {  	[hbm4b:s8+s11] =	stream.linear.scatter @!p0 [tilespmem:s15], [sflag:$0x3], $0x4000, $0x38;
	[tilespmem:$0x8100] =	vst v63  }
0x23: {  	s10 =	sadd.s32 $0x10000, s9;
	s14 =	sadd.s32 $0x20, s4;
	s15 =	simm.s32 @!p0 $0x3  }
0x24: {  	p2 =	sgt.u32 s14, $0x9C3;
	s11 =	sadd.s32 $0x10000, s8;
	_ =	swait.ge @!p0 [sflag:s15], $0x4000  }
.LBB2_2:
0x25: {  	s16 =	sadd.s32 @!p2 s12, s7  }
0x26: {  	s17 =	simm.s32 @!p2 $0x0;
	[sflag:s15] =	ssyncset.done @!p0 $0x0;
	s18 =	smov.u32 s13  }
0x27: {  	s13 =	sadd.s32 $0x200, s13;
	s19 =	simm.s32 @!p2 $0x4;
	[sflag:s15] =	ssyncadd.s32 @!p0 $0xFFFFC000  }
0x28: {  	[tilespmem:s17], [sflag:$0x4] =	stream.linear.gather @!p2 [hbm4b:s16+s17], $0x80, $0x38;
	[tilespmem:$0x8100] =	vst v63  }
0x29: {  	p1 =	sne.s32 s13, $0x9E00;
	p0 =	por p2, p2;
	_ =	swait.ge @!p2 [sflag:s19], $0x80  }
0x2a: {  	[sflag:s19] =	ssyncset.done @!p0 $0x0  }
0x2b: {  	s12 =	sadd.s32 @!p0 s12, s6;
	s15 =	simm.s32 @!p0 $0x80;
	[sflag:s19] =	ssyncadd.s32 @!p0 $0xFFFFFF80  }
0x2c: {  	[tilespmem:s15], [sflag:$0x4] =	stream.linear.gather @!p0 [hbm4b:s12+s17], $0x80, $0x38;
	[tilespmem:$0x8100] =	vst v63  }
0x2d: {  	s12 =	smov.u32 s18;
	_ =	swait.ge @!p0 [sflag:s19], $0x80  }
0x2e: {  	[sflag:s19] =	ssyncset.done @!p0 $0x0  }
0x2f: {  	s16 =	simm.s32 @!p0 $0x100;
	[sflag:s19] =	ssyncadd.s32 @!p0 $0xFFFFFF80  }
0x30: {  	[tilespmem:s16], [sflag:$0x1] =	stream.indirect.gather @!p0 [hbm4b:s3+s15], $0x80, s17, s15, $0xb8;
	[tilespmem:$0x8100] =	vst v63  }
0x31: {  	s20 =	simm.s32 @!p0 $0x1;
	s18 =	simm.s32 @!p0 $0x4100  }
0x32: {  	[tilespmem:s18], [sflag:$0x2] =	stream.indirect.gather @!p0 [hbm4b:s3+s15], $0x80, s15, s15, $0xb8;
	[tilespmem:$0x8100] =	vst v63  }
0x33: {  	_ =	swait.ge @!p0 [sflag:s20], $0x4000  }
0x34: {  	[sflag:s20] =	ssyncset.done @!p0 $0x0  }
0x35: {  	s15 =	simm.s32 @!p0 $0x2;
	[sflag:s20] =	ssyncadd.s32 @!p0 $0xFFFFC000  }
0x36: {  	_ =	swait.ge @!p0 [sflag:s15], $0x4000  }
0x37: {  	[sflag:s15] =	ssyncset.done @!p0 $0x0  }
0x38: {  	[sflag:s15] =	ssyncadd.s32 @!p0 $0xFFFFC000  }
0x39: {  	[hbm4b:s10+s17] =	stream.linear.scatter @!p0 [tilespmem:s16], [sflag:$0x4], $0x4000, $0x38;
	[tilespmem:$0x8100] =	vst v63  }
.Ltmp0:
0x3a: {  	_ =	swait.ge @!p0 [sflag:s19], $0x4000;
	(pc) =	sbr.rel @p1 .LBB2_2-.Ltmp0, $4  }
0x3b: {  	s10 =	sadd.s32 $0x10000, s10;
	[sflag:s19] =	ssyncset.done @!p0 $0x0  }
0x3c: {  	s14 =	sadd.s32 $0x20, s14;
	s15 =	simm.s32 @!p0 $0x3;
	[sflag:s19] =	ssyncadd.s32 @!p0 $0xFFFFC000  }
0x3d: {  	[hbm4b:s11+s17] =	stream.linear.scatter @!p0 [tilespmem:s18], [sflag:$0x3], $0x4000, $0x38;
	[tilespmem:$0x8100] =	vst v63  }
0x3e: {  	p2 =	sgt.u32 s14, $0x9C3;
	s11 =	sadd.s32 $0x10000, s11;
	_ =	swait.ge @!p0 [sflag:s15], $0x4000  }
0x3f: {  	s13 =	sadd.s32 @!p2 s12, s7;
	[sflag:s15] =	ssyncset.done @!p0 $0x0  }
0x40: {  	s14 =	simm.s32 @!p2 $0x0;
	s16 =	simm.s32 @!p2 $0x4;
	[sflag:s15] =	ssyncadd.s32 @!p0 $0xFFFFC000  }
0x41: {  	[tilespmem:s14], [sflag:$0x4] =	stream.linear.gather @!p2 [hbm4b:s13+s14], $0x80, $0x38;
	[tilespmem:$0x8100] =	vst v63  }
0x42: {  	p0 =	por p2, p2;
	_ =	swait.ge @!p2 [sflag:s16], $0x80  }
0x43: {  	[sflag:s16] =	ssyncset.done @!p0 $0x0  }
0x44: {  	s12 =	sadd.s32 @!p0 s12, s6;
	s13 =	simm.s32 @!p0 $0x80;
	[sflag:s16] =	ssyncadd.s32 @!p0 $0xFFFFFF80  }
0x45: {  	[tilespmem:s13], [sflag:$0x4] =	stream.linear.gather @!p0 [hbm4b:s12+s14], $0x80, $0x38;
	[tilespmem:$0x8100] =	vst v63  }
0x46: {  	_ =	swait.ge @!p0 [sflag:s16], $0x80  }
0x47: {  	[sflag:s16] =	ssyncset.done @!p0 $0x0  }
0x48: {  	s12 =	simm.s32 @!p0 $0x100;
	[sflag:s16] =	ssyncadd.s32 @!p0 $0xFFFFFF80  }
0x49: {  	[tilespmem:s12], [sflag:$0x1] =	stream.indirect.gather @!p0 [hbm4b:s3+s13], $0x80, s14, s13, $0xb8;
	[tilespmem:$0x8100] =	vst v63  }
0x4a: {  	s15 =	simm.s32 @!p0 $0x4100;
	s17 =	simm.s32 @!p0 $0x1  }
0x4b: {  	[tilespmem:s15], [sflag:$0x2] =	stream.indirect.gather @!p0 [hbm4b:s3+s13], $0x80, s13, s13, $0xb8;
	[tilespmem:$0x8100] =	vst v63  }
0x4c: {  	_ =	swait.ge @!p0 [sflag:s17], $0x4000  }
0x4d: {  	[sflag:s17] =	ssyncset.done @!p0 $0x0  }
0x4e: {  	s13 =	simm.s32 @!p0 $0x2;
	[sflag:s17] =	ssyncadd.s32 @!p0 $0xFFFFC000  }
0x4f: {  	_ =	swait.ge @!p0 [sflag:s13], $0x4000  }
0x50: {  	[sflag:s13] =	ssyncset.done @!p0 $0x0  }
0x51: {  	[sflag:s13] =	ssyncadd.s32 @!p0 $0xFFFFC000  }
0x52: {  	[hbm4b:s10+s14] =	stream.linear.scatter @!p0 [tilespmem:s12], [sflag:$0x4], $0x4000, $0x38;
	[tilespmem:$0x8100] =	vst v63  }
0x53: {  	s2 =	sadd.s32 $0x1, s2;
	_ =	swait.ge @!p0 [sflag:s16], $0x4000  }
0x54: {  	p1 =	sne.s32 s2, s5;
	[sflag:s16] =	ssyncset.done @!p0 $0x0  }
.Ltmp1:
0x55: {  	s10 =	simm.s32 @!p0 $0x3;
	[sflag:s16] =	ssyncadd.s32 @!p0 $0xFFFFC000;
	(pc) =	sbr.rel @p1 .LBB2_1-.Ltmp1, $4  }
0x56: {  	[hbm4b:s11+s14] =	stream.linear.scatter @!p0 [tilespmem:s15], [sflag:$0x3], $0x4000, $0x38;
	[tilespmem:$0x8100] =	vst v63  }
0x57: {  	_ =	swait.ge @!p0 [sflag:s10], $0x4000  }
0x58: {  	[sflag:s10] =	ssyncset.done @!p0 $0x0  }
0x59: {  	[sflag:s10] =	ssyncadd.s32 @!p0 $0xFFFFC000  }
0x5a: {  	_ =	sfence.sel $0x180000  }
0x5b: {  	[bflag:$0x0] =	sbarrier.arrive $0xFFFF  }
0x5c: {  	p0 =	sne.s32 s1, $0x0;
	_ =	strace $0x90000050  }
0x5d: {  	s0 =	sadd.s32 @!p0 $0x100000, s0;
	[bflag:$0x2] =	sbarrier.arrive $0xFFFF  }
0x5e: {  	[sflag:s0] =	ssyncadd.tile.s32 @!p0 $0x1;
	_ =	shalt  }
.Lfunc_end2:
_tile_overlayer_lowered:
.L_overlay_start_2:
0x5f: {  	(tag) =	ssettag $0x2  }
0x60: {  	s0 =	rddreg [dreg:$0x0];
	s2 =	stileid.u32  }
0x61: {  	s1 =	rddreg [dreg:$0x1];
	p0 =	sne.s32 s2, $0x0  }
0x62: {  	s3 =	rddreg [dreg:$0x2];
	[bflag:$0x3] =	sbarrier.arrive $0xFFFF;
	s2 =	simm.s32 @!p0 $0x1C03  }
0x63: {  	[timem:s3], [sflag:s2] =	dma.local @!p0 [hbm:s0], s1  }
0x64: {  	s0 =	simm.s32 @!p0 $0x3  }
0x65: {  	_ =	swait.ge @!p0 [sflag:s0], s1  }
0x66: {  	s1 =	ssub.s32 @!p0 $0x0, s1;
	[sflag:s0] =	ssyncset.done @!p0 $0x0  }
0x67: {  	[sflag:s0] =	ssyncadd.s32 @!p0 s1  }
0x68: {  	[bflag:$0x3] =	sbarrier.arrive $0xFFFF  }
0x69: {  	_ =	shalt  }

// kernel: kernel.28.cloned.1.call-start
scs
__scs_entry_jumppad:
0x0: {  	(pc) =	sbr.rel $0x88, $3  }
0x1: {  	(tag) =	ssettag $0x0;
	lr =	simm.s32 $0x1  }
0x2: {  	[smem:$0x3F8D] =	sst lr;
	_ =	strace $0xD0000000  }
0x3: {  	_ = 	snop  }
0x4: {  	_ = 	snop  }
0x5: {  	_ = 	snop  }
0x6: {  	_ = 	snop  }
0x7: {  	_ = 	snop  }
__scs_overlays_trampoline_lowered:
0x8: {  	[smem:$0x3F9C] =	sst s0  }
0x9: {  	[smem:$0x3F9D] =	sst s1  }
0xa: {  	[smem:$0x3F9E] =	sst s2  }
0xb: {  	[smem:$0x3F9F] =	sst s3  }
0xc: {  	[smem:$0x3FA0] =	sst s4  }
0xd: {  	[smem:$0x3FA1] =	sst s5  }
0xe: {  	[smem:$0x3FA2] =	sst s6  }
0xf: {  	[smem:$0x3FA3] =	sst s7  }
0x10: {  	[smem:$0x3FA4] =	sst s8  }
0x11: {  	[smem:$0x3FA5] =	sst s9;
	s0 =	simm.s32 @!p0 $0x0  }
0x12: {  	s1 =	sld [smem:$0x3F8B];
	s0 =	simm.s32 @p0 $0x1  }
0x13: {  	[smem:$0x3FA6] =	sst s0;
	s0 =	simm.s32 @!p1 $0x0  }
0x14: {  	s2 =	sld [smem:$0x3F8A];
	s0 =	simm.s32 @p1 $0x1  }
0x15: {  	[smem:$0x3FA7] =	sst s0;
	s0 =	simm.s32 @!p2 $0x0  }
0x16: {  	s3 =	sld [smem:$0x3FDB];
	s0 =	simm.s32 @p2 $0x1  }
0x17: {  	s4 =	simm.s32 $0x1BF5;
	[smem:$0x3FA9] =	sst s0  }
0x18: {  	s0 =	sld [smem:$0x3F8C];
	_ =	swait.ge [sflag:s4], $0x0  }
0x19: {  	s7 =	sld [smem:$0x3F8D]  }
0x1a: {  	s8 =	sadd.s32 $0xFFFFE003, lr  }
0x1b: {  	s9 =	sadd.s32 $0xFFFFFEF7, lr;
	s5 =	simm.s32 $0xFFFFFFFF;
	p2 =	slt.u32 s8, $0xFFFFF086  }
0x1c: {  	p1 =	slt.u32 s9, $0xF7A;
	s5 =	simm.s32 @!p2 $0x0  }
0x1d: {  	s5 =	simm.s32 @p1 $0x1;
	p0 =	seq.s32 s7, s2  }
0x1e: {  	s7 =	smul.u32 @!p0 $0xF7A, s2;
	p2 =	seq.s32 @!p0 s5, $0x0  }
0x1f: {  	s9 =	smul.u32 $0xF7A, s1;
	s8 =	simm.s32 @!p0 $0x1BF5;
	p2 =	por !p2, p0  }
0x20: {  	[sflag:s8] =	ssyncset.s32 @!p0 $0xFFFFF086;
	s6 =	sadd.s32 @!p0 s3, s7;
	s7 =	simm.s32 @!p0 $0x108  }
0x21: {  	s3 =	sadd.s32 s3, s9;
	s6 =	sadd.s32 @!p0 $0x88, s6;
	s7 =	simm.s32 @p2 $0x1082  }
0x22: {  	[simem:s7], [sflag:s8] =	dma.local @!p0 [hbm:s6], $0xF7A  }
0x23: {  	s9 =	sor.u32 $0xD0000000, s2;
	s6 =	simm.s32 $0x108;
	_ =	swait.ge @!p0 [sflag:s8], $0x0  }
0x24: {  	s3 =	sadd.s32 $0x88, s3;
	s6 =	simm.s32 @!p1 $0x1082;
	[sflag:s4] =	ssyncset.s32 $0xFFFFF086  }
0x25: {  	[simem:s6], [sflag:s4] =	dma.local [hbm:s3], $0xF7A  }
0x26: {  	[smem:$0x3F8D] =	sst s1;
	(tag) =	ssettag s2;
	_ =	strace s9  }
0x27: {  	s1 =	sld [smem:$0x3F9D]  }
0x28: {  	s2 =	sld [smem:$0x3F9E]  }
0x29: {  	s4 =	sld [smem:$0x3FA0]  }
0x2a: {  	p0 =	seq.s32 s5, $0x0;
	s5 =	sld [smem:$0x3FA1]  }
0x2b: {  	s6 =	sld [smem:$0x3FA2]  }
0x2c: {  	s7 =	sld [smem:$0x3FA3]  }
0x2d: {  	s3 =	simm.s32 $0x108;
	s8 =	sld [smem:$0x3FA4]  }
0x2e: {  	s3 =	simm.s32 @!p0 $0x1082;
	s9 =	sld [smem:$0x3FA5]  }
0x2f: {  	lr =	sadd.s32 s0, s3;
	s0 =	sld [smem:$0x3F9C]  }
0x30: {  	s3 =	sld [smem:$0x3F9F]  }
0x31: {  	[smem:$0x3FA8] =	sst s10  }
0x32: {  	s10 =	sld [smem:$0x3FA6];
	_ =	sdelay $0x3  }
0x33: {  	p0 =	seq.s32 s10, $0x1;
	s10 =	sld [smem:$0x3FA8];
	_ =	sdelay $0x3  }
0x34: {  	[smem:$0x3FA8] =	sst s10  }
0x35: {  	s10 =	sld [smem:$0x3FA7];
	_ =	sdelay $0x3  }
0x36: {  	p1 =	seq.s32 s10, $0x1;
	s10 =	sld [smem:$0x3FA8];
	_ =	sdelay $0x3  }
0x37: {  	[smem:$0x3FA8] =	sst s10  }
0x38: {  	s10 =	sld [smem:$0x3FA9]  }
0x39: {  	_ = 	snop;
	(pc) =	sbr.ind lr, $3  }
0x3a: {  	_ = 	snop  }
0x3b: {  	_ = 	snop  }
0x3c: {  	p2 =	seq.s32 s10, $0x1;
	s10 =	sld [smem:$0x3FA8]  }
0x3d: {  	_ =	shalt  }
0x3e: {  	_ =	shalt  }
0x3f: {  	_ =	shalt  }
0x40: {  	_ =	shalt  }
0x41: {  	_ =	shalt  }
0x42: {  	_ =	shalt  }
0x43: {  	_ =	shalt  }
0x44: {  	_ =	shalt  }
0x45: {  	_ =	shalt  }
0x46: {  	_ =	shalt  }
0x47: {  	_ =	shalt  }
0x48: {  	_ =	shalt  }
0x49: {  	_ =	shalt  }
0x4a: {  	_ =	shalt  }
0x4b: {  	_ =	shalt  }
0x4c: {  	_ =	shalt  }
0x4d: {  	_ =	shalt  }
0x4e: {  	_ =	shalt  }
0x4f: {  	_ =	shalt  }
0x50: {  	_ =	shalt  }
0x51: {  	_ =	shalt  }
0x52: {  	_ =	shalt  }
0x53: {  	_ =	shalt  }
0x54: {  	_ =	shalt  }
0x55: {  	_ =	shalt  }
0x56: {  	_ =	shalt  }
0x57: {  	_ =	shalt  }
0x58: {  	_ =	shalt  }
0x59: {  	_ =	shalt  }
0x5a: {  	_ =	shalt  }
0x5b: {  	_ =	shalt  }
0x5c: {  	_ =	shalt  }
0x5d: {  	_ =	shalt  }
0x5e: {  	_ =	shalt  }
0x5f: {  	_ =	shalt  }
0x60: {  	_ =	shalt  }
0x61: {  	_ =	shalt  }
0x62: {  	_ =	shalt  }
0x63: {  	_ =	shalt  }
0x64: {  	_ =	shalt  }
0x65: {  	_ =	shalt  }
0x66: {  	_ =	shalt  }
0x67: {  	_ =	shalt  }
0x68: {  	_ =	shalt  }
0x69: {  	_ =	shalt  }
0x6a: {  	_ =	shalt  }
0x6b: {  	_ =	shalt  }
0x6c: {  	_ =	shalt  }
0x6d: {  	_ =	shalt  }
0x6e: {  	_ =	shalt  }
0x6f: {  	_ =	shalt  }
0x70: {  	_ =	shalt  }
0x71: {  	_ =	shalt  }
0x72: {  	_ =	shalt  }
0x73: {  	_ =	shalt  }
0x74: {  	_ =	shalt  }
0x75: {  	_ =	shalt  }
0x76: {  	_ =	shalt  }
0x77: {  	_ =	shalt  }
0x78: {  	_ =	shalt  }
0x79: {  	_ =	shalt  }
0x7a: {  	_ =	shalt  }
0x7b: {  	_ =	shalt  }
0x7c: {  	_ =	shalt  }
0x7d: {  	_ =	shalt  }
0x7e: {  	_ =	shalt  }
0x7f: {  	_ =	shalt  }
0x80: {  	_ =	shalt  }
0x81: {  	_ =	shalt  }
0x82: {  	_ =	shalt  }
0x83: {  	_ =	shalt  }
0x84: {  	_ =	shalt  }
0x85: {  	_ =	shalt  }
0x86: {  	_ =	shalt  }
0x87: {  	_ =	shalt  }
.Lfunc_end0:
.L_simem_size_0:
called_computation.4_lowered:
.L_overlay_start_0:
0x88: {  	s2 =	sld [smem:$0x3FD9]  }
0x89: {  	s3 =	sld [smem:$0x3FFE];
	_ =	sdelay $0x1  }
0x8a: {  	s1 =	srdreg.scid  }
0x8b: {  	s0 =	sand.u32 $0x1, s1  }
0x8c: {  	s17 =	sshll.u32 s0, $0xA;
	s2 =	sadd.s32 s3, s2  }
0x8d: {  	s2 =	sadd.s32 s2, s17  }
0x8e: {  	[smem:$0x3FB4] =	sst s2  }
0x8f: {  	_ = 	snop  }
0x90: {  	(tm) =	ssettm $0x1  }
0x91: {  	s18 =	sld [smem:$0x3FFB];
	_ =	sdelay $0x3  }
0x92: {  	_ =	strace s18  }
0x93: {  	s2 =	sld [smem:$0x3FFC];
	_ =	sdelay $0x3  }
0x94: {  	_ =	strace s2  }
0x95: {  	s2 =	sld [smem:$0x3FFD];
	_ =	sdelay $0x3  }
0x96: {  	_ =	strace s2  }
0x97: {  	_ =	strace $0x8FFFFFFF  }
0x98: {  	s19 =	sld [smem:$0x3FDB];
	_ =	sdelay $0x1  }
0x99: {  	s20 =	simm.s32 $_scs_section_size  }
0x9a: {  	s4 =	simm.s32 $_size__tile_overlayer_lowered;
	s5 =	simm.s32 $_tile_overlayer_lowered  }
0x9b: {  	s6 =	simm.s32 $0x1BFF;
	s21 =	sshll.u32 s5, $0x1;
	s3 =	sadd.s32 s20, s19  }
0x9c: {  	s22 =	simm.s32 $0x0;
	s4 =	sshll.u32 s4, $0x1;
	s5 =	sadd.s32 s21, s3  }
0x9d: {  	[timem:s22], [sflag:s6] =	dma.local [hbm:s5], s4  }
0x9e: {  	_ =	swait.ge [sflag:s6], s4  }
0x9f: {  	s4 =	ssub.s32 $0x0, s4;
	[sflag:s6] =	ssyncset.done $0x0  }
0xa0: {  	[sflag:s6] =	ssyncadd.s32 s4;
	_ =	sdelay $0x1  }
0xa1: {  	s23 =	simm.s32 $0x1B8B  }
0xa2: {  	_ =	swait.ge [sflag:s23], $0x1  }
0xa3: {  	[sflag:s23] =	ssyncset.done $0x0  }
0xa4: {  	[sflag:s23] =	ssyncadd.s32 $0xFFFFFFFF  }
0xa5: {  	s4 =	sld [smem:$0x0]  }
0xa6: {  	s5 =	sand.u32 $0xFFFFFFFE, s1  }
0xa7: {  	p0 =	sne.s32 s1, s5  }
0xa8: {  	s5 =	sshll.u32 @p0 s5, $0xE  }
0xa9: {  	s5 =	sadd.s32 @p0 $0x11B8D, s5;
	s6 =	sshll.u32 @p0 s4, $0x11  }
0xaa: {  	s5 =	sor.u32 @p0 s6, s5  }
0xab: {  	[sflag:s5] =	ssyncadd.remote.s32 @p0 $0x1;
	_ =	sdelay $0x1  }
0xac: {  	s5 =	simm.s32 @p0 $0x1B8D  }
0xad: {  	_ =	swait.eq @p0 [sflag:s5], $0x1  }
0xae: {  	[sflag:s5] =	ssyncadd.s32 @p0 $0xFFFFFFFF  }
0xaf: {  	s6 =	sshll.u32 @!p0 s1, $0xE  }
0xb0: {  	s6 =	sor.u32 @!p0 $0x4000, s6;
	s5 =	simm.s32 @!p0 $0x1B8D  }
0xb1: {  	s4 =	sshll.u32 @!p0 s4, $0x11;
	s6 =	sadd.s32 @!p0 $0x11B8D, s6;
	_ =	swait.eq @!p0 [sflag:s5], $0x1  }
0xb2: {  	s4 =	sor.u32 @!p0 s4, s6;
	[sflag:s5] =	ssyncadd.s32 @!p0 $0xFFFFFFFF  }
0xb3: {  	s25 =	simm.s32 $0x1B8E;
	s24 =	sld [smem:$0x3FFE];
	[sflag:s4] =	ssyncadd.remote.s32 @!p0 $0x1  }
0xb4: {  	s26 =	simm.s32 $execute0_lowered;
	[smem:$0x3FD2] =	sst s25  }
0xb5: {  	s5 =	sshll.u32 s26, $0x1;
	_ =	strace $0x80000055;
	[dreg:$0x1] =	wrdreg $0xFFFFFFFF  }
0xb6: {  	s28 =	simm.s32 $_size_execute0_lowered;
	s3 =	sadd.s32 s3, s5;
	[dreg:$0x0] =	wrdreg $0x0  }
0xb7: {  	s5 =	sshll.u32 s28, $0x1;
	[dreg:$0x2] =	wrdreg s3  }
0xb8: {  	[dreg:$0x3] =	wrdreg s5  }
0xb9: {  	[dreg:$0x4] =	wrdreg $0xC0  }
0xba: {  	_ =	task [dreg:s22], $0x5FFFF  }
0xbb: {  	[dreg:$0x1] =	wrdreg $0xFFFFFFFF  }
0xbc: {  	[dreg:$0x0] =	wrdreg $0x60  }
0xbd: {  	[dreg:$0x2] =	wrdreg s24  }
0xbe: {  	[dreg:$0x3] =	wrdreg $0x9  }
0xbf: {  	_ =	task.clear_ibuf [dreg:s22], $0x4FFFF;
	_ =	strace $0x90000055  }
0xc0: {  	s29 =	simm.s32 $0x9;
	_ =	strace $0x80000057  }
0xc1: {  	_ =	swait.ge [sflag:s29], $0x1  }
0xc2: {  	[sflag:s29] =	ssyncadd.s32 $0xFFFFFFFF  }
0xc3: {  	_ =	strace $0x90000057  }
0xc4: {  	_ =	sfence  }
0xc5: {  	s30 =	sld [smem:$0x0];
	_ =	sdelay $0x2  }
0xc6: {  	s31 =	sshll.u32 s1, $0xD;
	s1 =	sshrl.u32 s1, $0x2  }
0xc7: {  	s4 =	sand.u32 $0x4000, s31;
	s1 =	sadd.s32 s1, s30  }
0xc8: {  	s0 =	sor.u32 s4, s0;
	s1 =	sshll.u32 s1, $0x11  }
0xc9: {  	s0 =	sor.u32 s1, s0  }
0xca: {  	s0 =	sadd.s32 $0x8F2B, s0  }
0xcb: {  	[sflag:s0] =	ssyncadd.remote.s32 $0x1  }
0xcc: {  	_ =	sfence.sel $0xFFFF  }
0xcd: {  	[dreg:$0x0] =	wrdreg $0xFFFFFFFF;
	(pc) =	sbr.abs _section_cstart, $3  }
0xce: {  	[dreg:$0x1] =	wrdreg $0xFFFFFFFF  }
0xcf: {  	_ =	task.clear_ibuf [dreg:s22], $0x2FFFF;
	_ =	strace $0x9FFFFFFF  }
0xd0: {  	(tm) =	ssettm $0x7FFFFFFF  }
0xd1: {  	_ =	shalt  }
tec
execute0_lowered:
.L_overlay_start_1:
0x0: {  	(tag) =	ssettag $0x1  }
0x1: {  	s1 =	srdreg.scid;
	s0 =	stileid.u32  }
0x2: {  	s7 =	rddreg [dreg:$0x0];
	s2 =	simm.s32 $0x0;
	s11 =	simm.s32 $0x2F80  }
0x3: {  	s12 =	simm.s32 $0x0;
	s5 =	sand.u32 $0x1, s1;
	s3 =	sshll.u32 s0, $0x1  }
0x4: {  	s16 =	simm.s32 $0x0;
	s1 =	rddreg [dreg:$0x1];
	s3 =	sor.u32 s5, s3  }
0x5: {  	[smem:$0x7FF] =	sst s2;
	s4 =	sadd.s32 $0x10600, s7;
	s3 =	smul.u32 $0x2710, s3  }
0x6: {  	s6 =	sadd.s32 $0x1A400, s7;
	_ =	strace $0x80000056;
	s8 =	ssub.s32 $0x2, s5  }
0x7: {  	s5 =	sadd.s32 $0x6800, s7;
	s10 =	sshrl.u32 s8, $0x1;
	s9 =	sshrl.u32 s3, $0x3  }
0x8: {  	s8 =	ssub.s32 s8, s10;
	s10 =	simm.s32 $0x2780;
	s7 =	sadd.s32 s9, s7  }
0x9: {  	s8 =	smax.u32 s8, $0x1;
	s9 =	simm.s32 $0x1;
	s7 =	sadd.s32 $0x1AA00, s7  }
.LBB2_1:
0xa: {  	[tilespmem:s2], [sflag:$0x1] =	stream.linear.gather [hbm4b:s6+s2], $0x2780, $0x38;
	[tilespmem:$0x3780] =	vst v63  }
0xb: {  	_ =	swait.ge [sflag:s9], $0x2780  }
0xc: {  	[sflag:s9] =	ssyncset.done $0x0  }
0xd: {  	s13 =	simm.s32 $0x0;
	[sflag:s9] =	ssyncadd.s32 $0xFFFFD880  }
.LBB2_2:
0xe: {  	s14 =	smul.u32 $0x7D0, s13;
	_ =	sdelay $0x1  }
0xf: {  	s14 =	sadd.s32 s3, s14  }
0x10: {  	s14 =	sshrl.u32 s14, $0x3  }
0x11: {  	s15 =	sadd.s32 s4, s14  }
0x12: {  	[tilespmem:s10], [sflag:$0x1] =	stream.linear.gather [hbm4b:s15+s16], $0x7D0, $0x38;
	[tilespmem:$0x3780] =	vst v63  }
0x13: {  	_ =	swait.ge [sflag:s9], $0x7D0  }
0x14: {  	[sflag:s9] =	ssyncset.done $0x0  }
0x15: {  	s14 =	sadd.s32 s5, s14;
	[sflag:s9] =	ssyncadd.s32 $0xFFFFF830  }
0x16: {  	[tilespmem:s11], [sflag:$0x1] =	stream.linear.gather [hbm4b:s14+s16], $0x7D0, $0x38;
	[tilespmem:$0x3780] =	vst v63  }
0x17: {  	_ =	swait.ge [sflag:s9], $0x7D0  }
0x18: {  	[sflag:s9] =	ssyncset.done $0x0  }
0x19: {  	s15 =	simm.s32 $0x0;
	s14 =	simm.s32 $0x40;
	[sflag:s9] =	ssyncadd.s32 $0xFFFFF830  }
.LBB2_3:
0x1a: {  	p0 =	sne.s32 s14, $0x1F00;
	v0 =	vld [tilespmem:s15+$0x2780];
	_ =	sdelay $0x2  }
0x1b: {  	v1 =	vld [tilespmem:s15+$0x2F80]  }
.Ltmp0:
0x1c: {  	(pc) =	sbr.rel @p0 .LBB2_3-.Ltmp0, $2  }
0x1d: {  	_ =	sdelay $0x2  }
0x1e: {  	s15 =	sshra.s32 s14, $0x2;
	s14 =	sadd.s32 $0x40, s14;
	[tilespmem:v0+s2+$0x0] =	vst.idx.add.f32.msk $0xffff, v1  }
0x1f: {  	v0 =	vld [tilespmem:s15+$0x2780];
	_ =	sdelay $0x1  }
0x20: {  	s13 =	sadd.s32 $0x1, s13  }
0x21: {  	v1 =	vld [tilespmem:s15+$0x2F80];
	p0 =	sne.s32 s13, $0x5  }
.Ltmp1:
0x22: {  	_ = 	snop;
	(pc) =	sbr.rel @p0 .LBB2_2-.Ltmp1, $2  }
0x23: {  	_ =	sdelay $0x2  }
0x24: {  	[tilespmem:v0+s2+$0x0] =	vst.idx.add.f32.msk $0xffff, v1  }
0x25: {  	s12 =	sadd.s32 $0x1, s12  }
0x26: {  	p0 =	sne.s32 s12, s8  }
.Ltmp2:
0x27: {  	_ = 	snop;
	(pc) =	sbr.rel @p0 .LBB2_1-.Ltmp2, $4  }
0x28: {  	[hbm4b:s7+s2] =	stream.linear.scatter [tilespmem:s2], [sflag:$0x1], $0x2710, $0x38;
	[tilespmem:$0x3780] =	vst v63  }
0x29: {  	_ =	swait.ge [sflag:s9], $0x2710  }
0x2a: {  	[sflag:s9] =	ssyncset.done $0x0  }
0x2b: {  	[sflag:s9] =	ssyncadd.s32 $0xFFFFD8F0  }
0x2c: {  	_ =	sfence.sel $0x180000  }
0x2d: {  	[bflag:$0x0] =	sbarrier.arrive $0xFFFF  }
0x2e: {  	p0 =	sne.s32 s0, $0x0;
	_ =	strace $0x90000056  }
0x2f: {  	s0 =	sadd.s32 @!p0 $0x100000, s1;
	[bflag:$0x2] =	sbarrier.arrive $0xFFFF  }
0x30: {  	[sflag:s0] =	ssyncadd.tile.s32 @!p0 $0x1;
	_ =	shalt  }
.Lfunc_end2:
_tile_overlayer_lowered:
.L_overlay_start_2:
0x31: {  	(tag) =	ssettag $0x2  }
0x32: {  	s0 =	rddreg [dreg:$0x0];
	s2 =	stileid.u32  }
0x33: {  	s1 =	rddreg [dreg:$0x1];
	p0 =	sne.s32 s2, $0x0  }
0x34: {  	s3 =	rddreg [dreg:$0x2];
	[bflag:$0x3] =	sbarrier.arrive $0xFFFF;
	s2 =	simm.s32 @!p0 $0x1C01  }
0x35: {  	[timem:s3], [sflag:s2] =	dma.local @!p0 [hbm:s0], s1  }
0x36: {  	s0 =	simm.s32 @!p0 $0x1  }
0x37: {  	_ =	swait.ge @!p0 [sflag:s0], s1  }
0x38: {  	s1 =	ssub.s32 @!p0 $0x0, s1;
	[sflag:s0] =	ssyncset.done @!p0 $0x0  }
0x39: {  	[sflag:s0] =	ssyncadd.s32 @!p0 s1  }
0x3a: {  	[bflag:$0x3] =	sbarrier.arrive $0xFFFF  }
0x3b: {  	_ =	shalt  }

// kernel: kernel.31.cloned.1.call-start
scs
__scs_entry_jumppad:
0x0: {  	(pc) =	sbr.rel $0x88, $3  }
0x1: {  	(tag) =	ssettag $0x0;
	lr =	simm.s32 $0x1  }
0x2: {  	[smem:$0x3F8D] =	sst lr;
	_ =	strace $0xD0000000  }
0x3: {  	_ = 	snop  }
0x4: {  	_ = 	snop  }
0x5: {  	_ = 	snop  }
0x6: {  	_ = 	snop  }
0x7: {  	_ = 	snop  }
__scs_overlays_trampoline_lowered:
0x8: {  	[smem:$0x3F9C] =	sst s0  }
0x9: {  	[smem:$0x3F9D] =	sst s1  }
0xa: {  	[smem:$0x3F9E] =	sst s2  }
0xb: {  	[smem:$0x3F9F] =	sst s3  }
0xc: {  	[smem:$0x3FA0] =	sst s4  }
0xd: {  	[smem:$0x3FA1] =	sst s5  }
0xe: {  	[smem:$0x3FA2] =	sst s6  }
0xf: {  	[smem:$0x3FA3] =	sst s7  }
0x10: {  	[smem:$0x3FA4] =	sst s8  }
0x11: {  	[smem:$0x3FA5] =	sst s9;
	s0 =	simm.s32 @!p0 $0x0  }
0x12: {  	s1 =	sld [smem:$0x3F8B];
	s0 =	simm.s32 @p0 $0x1  }
0x13: {  	[smem:$0x3FA6] =	sst s0;
	s0 =	simm.s32 @!p1 $0x0  }
0x14: {  	s2 =	sld [smem:$0x3F8A];
	s0 =	simm.s32 @p1 $0x1  }
0x15: {  	[smem:$0x3FA7] =	sst s0;
	s0 =	simm.s32 @!p2 $0x0  }
0x16: {  	s3 =	sld [smem:$0x3FDB];
	s0 =	simm.s32 @p2 $0x1  }
0x17: {  	s4 =	simm.s32 $0x1BF5;
	[smem:$0x3FA9] =	sst s0  }
0x18: {  	s0 =	sld [smem:$0x3F8C];
	_ =	swait.ge [sflag:s4], $0x0  }
0x19: {  	s7 =	sld [smem:$0x3F8D]  }
0x1a: {  	s8 =	sadd.s32 $0xFFFFE003, lr  }
0x1b: {  	s9 =	sadd.s32 $0xFFFFFEF7, lr;
	s5 =	simm.s32 $0xFFFFFFFF;
	p2 =	slt.u32 s8, $0xFFFFF086  }
0x1c: {  	p1 =	slt.u32 s9, $0xF7A;
	s5 =	simm.s32 @!p2 $0x0  }
0x1d: {  	s5 =	simm.s32 @p1 $0x1;
	p0 =	seq.s32 s7, s2  }
0x1e: {  	s7 =	smul.u32 @!p0 $0xF7A, s2;
	p2 =	seq.s32 @!p0 s5, $0x0  }
0x1f: {  	s9 =	smul.u32 $0xF7A, s1;
	s8 =	simm.s32 @!p0 $0x1BF5;
	p2 =	por !p2, p0  }
0x20: {  	[sflag:s8] =	ssyncset.s32 @!p0 $0xFFFFF086;
	s6 =	sadd.s32 @!p0 s3, s7;
	s7 =	simm.s32 @!p0 $0x108  }
0x21: {  	s3 =	sadd.s32 s3, s9;
	s6 =	sadd.s32 @!p0 $0x88, s6;
	s7 =	simm.s32 @p2 $0x1082  }
0x22: {  	[simem:s7], [sflag:s8] =	dma.local @!p0 [hbm:s6], $0xF7A  }
0x23: {  	s9 =	sor.u32 $0xD0000000, s2;
	s6 =	simm.s32 $0x108;
	_ =	swait.ge @!p0 [sflag:s8], $0x0  }
0x24: {  	s3 =	sadd.s32 $0x88, s3;
	s6 =	simm.s32 @!p1 $0x1082;
	[sflag:s4] =	ssyncset.s32 $0xFFFFF086  }
0x25: {  	[simem:s6], [sflag:s4] =	dma.local [hbm:s3], $0xF7A  }
0x26: {  	[smem:$0x3F8D] =	sst s1;
	(tag) =	ssettag s2;
	_ =	strace s9  }
0x27: {  	s1 =	sld [smem:$0x3F9D]  }
0x28: {  	s2 =	sld [smem:$0x3F9E]  }
0x29: {  	s4 =	sld [smem:$0x3FA0]  }
0x2a: {  	p0 =	seq.s32 s5, $0x0;
	s5 =	sld [smem:$0x3FA1]  }
0x2b: {  	s6 =	sld [smem:$0x3FA2]  }
0x2c: {  	s7 =	sld [smem:$0x3FA3]  }
0x2d: {  	s3 =	simm.s32 $0x108;
	s8 =	sld [smem:$0x3FA4]  }
0x2e: {  	s3 =	simm.s32 @!p0 $0x1082;
	s9 =	sld [smem:$0x3FA5]  }
0x2f: {  	lr =	sadd.s32 s0, s3;
	s0 =	sld [smem:$0x3F9C]  }
0x30: {  	s3 =	sld [smem:$0x3F9F]  }
0x31: {  	[smem:$0x3FA8] =	sst s10  }
0x32: {  	s10 =	sld [smem:$0x3FA6];
	_ =	sdelay $0x3  }
0x33: {  	p0 =	seq.s32 s10, $0x1;
	s10 =	sld [smem:$0x3FA8];
	_ =	sdelay $0x3  }
0x34: {  	[smem:$0x3FA8] =	sst s10  }
0x35: {  	s10 =	sld [smem:$0x3FA7];
	_ =	sdelay $0x3  }
0x36: {  	p1 =	seq.s32 s10, $0x1;
	s10 =	sld [smem:$0x3FA8];
	_ =	sdelay $0x3  }
0x37: {  	[smem:$0x3FA8] =	sst s10  }
0x38: {  	s10 =	sld [smem:$0x3FA9]  }
0x39: {  	_ = 	snop;
	(pc) =	sbr.ind lr, $3  }
0x3a: {  	_ = 	snop  }
0x3b: {  	_ = 	snop  }
0x3c: {  	p2 =	seq.s32 s10, $0x1;
	s10 =	sld [smem:$0x3FA8]  }
0x3d: {  	_ =	shalt  }
0x3e: {  	_ =	shalt  }
0x3f: {  	_ =	shalt  }
0x40: {  	_ =	shalt  }
0x41: {  	_ =	shalt  }
0x42: {  	_ =	shalt  }
0x43: {  	_ =	shalt  }
0x44: {  	_ =	shalt  }
0x45: {  	_ =	shalt  }
0x46: {  	_ =	shalt  }
0x47: {  	_ =	shalt  }
0x48: {  	_ =	shalt  }
0x49: {  	_ =	shalt  }
0x4a: {  	_ =	shalt  }
0x4b: {  	_ =	shalt  }
0x4c: {  	_ =	shalt  }
0x4d: {  	_ =	shalt  }
0x4e: {  	_ =	shalt  }
0x4f: {  	_ =	shalt  }
0x50: {  	_ =	shalt  }
0x51: {  	_ =	shalt  }
0x52: {  	_ =	shalt  }
0x53: {  	_ =	shalt  }
0x54: {  	_ =	shalt  }
0x55: {  	_ =	shalt  }
0x56: {  	_ =	shalt  }
0x57: {  	_ =	shalt  }
0x58: {  	_ =	shalt  }
0x59: {  	_ =	shalt  }
0x5a: {  	_ =	shalt  }
0x5b: {  	_ =	shalt  }
0x5c: {  	_ =	shalt  }
0x5d: {  	_ =	shalt  }
0x5e: {  	_ =	shalt  }
0x5f: {  	_ =	shalt  }
0x60: {  	_ =	shalt  }
0x61: {  	_ =	shalt  }
0x62: {  	_ =	shalt  }
0x63: {  	_ =	shalt  }
0x64: {  	_ =	shalt  }
0x65: {  	_ =	shalt  }
0x66: {  	_ =	shalt  }
0x67: {  	_ =	shalt  }
0x68: {  	_ =	shalt  }
0x69: {  	_ =	shalt  }
0x6a: {  	_ =	shalt  }
0x6b: {  	_ =	shalt  }
0x6c: {  	_ =	shalt  }
0x6d: {  	_ =	shalt  }
0x6e: {  	_ =	shalt  }
0x6f: {  	_ =	shalt  }
0x70: {  	_ =	shalt  }
0x71: {  	_ =	shalt  }
0x72: {  	_ =	shalt  }
0x73: {  	_ =	shalt  }
0x74: {  	_ =	shalt  }
0x75: {  	_ =	shalt  }
0x76: {  	_ =	shalt  }
0x77: {  	_ =	shalt  }
0x78: {  	_ =	shalt  }
0x79: {  	_ =	shalt  }
0x7a: {  	_ =	shalt  }
0x7b: {  	_ =	shalt  }
0x7c: {  	_ =	shalt  }
0x7d: {  	_ =	shalt  }
0x7e: {  	_ =	shalt  }
0x7f: {  	_ =	shalt  }
0x80: {  	_ =	shalt  }
0x81: {  	_ =	shalt  }
0x82: {  	_ =	shalt  }
0x83: {  	_ =	shalt  }
0x84: {  	_ =	shalt  }
0x85: {  	_ =	shalt  }
0x86: {  	_ =	shalt  }
0x87: {  	_ =	shalt  }
.Lfunc_end0:
.L_simem_size_0:
called_computation.5_lowered:
.L_overlay_start_0:
0x88: {  	s2 =	sld [smem:$0x3FD9]  }
0x89: {  	s3 =	sld [smem:$0x3FFE];
	_ =	sdelay $0x1  }
0x8a: {  	s1 =	srdreg.scid  }
0x8b: {  	s0 =	sand.u32 $0x1, s1  }
0x8c: {  	s16 =	sshll.u32 s0, $0xA;
	s2 =	sadd.s32 s3, s2  }
0x8d: {  	s2 =	sadd.s32 s2, s16  }
0x8e: {  	[smem:$0x3FB4] =	sst s2  }
0x8f: {  	_ = 	snop  }
0x90: {  	(tm) =	ssettm $0x1  }
0x91: {  	s17 =	sld [smem:$0x3FFB];
	_ =	sdelay $0x3  }
0x92: {  	_ =	strace s17  }
0x93: {  	s2 =	sld [smem:$0x3FFC];
	_ =	sdelay $0x3  }
0x94: {  	_ =	strace s2  }
0x95: {  	s2 =	sld [smem:$0x3FFD];
	_ =	sdelay $0x3  }
0x96: {  	_ =	strace s2  }
0x97: {  	_ =	strace $0x8FFFFFFF  }
0x98: {  	s18 =	sld [smem:$0x3FDB];
	_ =	sdelay $0x1  }
0x99: {  	s19 =	simm.s32 $_scs_section_size  }
0x9a: {  	s4 =	simm.s32 $_size__tile_overlayer_lowered;
	s5 =	simm.s32 $_tile_overlayer_lowered  }
0x9b: {  	s22 =	simm.s32 $0x1BFF;
	s21 =	sshll.u32 s5, $0x1;
	s2 =	sadd.s32 s19, s18  }
0x9c: {  	s6 =	simm.s32 $0x0;
	s20 =	sshll.u32 s4, $0x1;
	s4 =	sadd.s32 s21, s2  }
0x9d: {  	[timem:s6], [sflag:s22] =	dma.local [hbm:s4], s20  }
0x9e: {  	_ =	swait.ge [sflag:s22], s20  }
0x9f: {  	s3 =	ssub.s32 $0x0, s20;
	[sflag:s22] =	ssyncset.done $0x0  }
0xa0: {  	[sflag:s22] =	ssyncadd.s32 s3;
	_ =	sdelay $0x1  }
0xa1: {  	s23 =	simm.s32 $0x1B8B  }
0xa2: {  	_ =	swait.ge [sflag:s23], $0x1  }
0xa3: {  	[sflag:s23] =	ssyncset.done $0x0  }
0xa4: {  	s25 =	simm.s32 $0x1B8E;
	s24 =	sld [smem:$0x3FFE];
	[sflag:s23] =	ssyncadd.s32 $0xFFFFFFFF  }
0xa5: {  	s26 =	simm.s32 $execute0_lowered;
	[smem:$0x3FD2] =	sst s25  }
0xa6: {  	s4 =	sshll.u32 s26, $0x1;
	_ =	strace $0x80000052;
	[dreg:$0x1] =	wrdreg $0xFFFFFFFF  }
0xa7: {  	s28 =	simm.s32 $_size_execute0_lowered;
	s2 =	sadd.s32 s2, s4;
	[dreg:$0x0] =	wrdreg $0x0  }
0xa8: {  	s4 =	sshll.u32 s28, $0x1;
	[dreg:$0x2] =	wrdreg s2  }
0xa9: {  	[dreg:$0x3] =	wrdreg s4  }
0xaa: {  	[dreg:$0x4] =	wrdreg $0xC0  }
0xab: {  	_ =	task [dreg:s6], $0x5FFFF  }
0xac: {  	[dreg:$0x1] =	wrdreg $0xFFFFFFFF  }
0xad: {  	[dreg:$0x0] =	wrdreg $0x60  }
0xae: {  	[dreg:$0x2] =	wrdreg s24  }
0xaf: {  	[dreg:$0x3] =	wrdreg $0x40800  }
0xb0: {  	[dreg:$0x4] =	wrdreg $0xA  }
0xb1: {  	_ =	task.clear_ibuf [dreg:s6], $0x5FFFF;
	_ =	strace $0x90000052  }
0xb2: {  	s29 =	simm.s32 $0xA;
	_ =	strace $0x80000054  }
0xb3: {  	_ =	swait.ge [sflag:s29], $0x1  }
0xb4: {  	[sflag:s29] =	ssyncadd.s32 $0xFFFFFFFF  }
0xb5: {  	_ =	strace $0x90000054  }
0xb6: {  	_ =	sfence  }
0xb7: {  	s30 =	sld [smem:$0x0];
	_ =	sdelay $0x2  }
0xb8: {  	s31 =	sshll.u32 s1, $0xD;
	s1 =	sshrl.u32 s1, $0x2  }
0xb9: {  	s3 =	sand.u32 $0x4000, s31;
	s1 =	sadd.s32 s1, s30  }
0xba: {  	s0 =	sor.u32 s3, s0;
	s1 =	sshll.u32 s1, $0x11  }
0xbb: {  	s0 =	sor.u32 s1, s0  }
0xbc: {  	s0 =	sadd.s32 $0x8F2B, s0  }
0xbd: {  	[sflag:s0] =	ssyncadd.remote.s32 $0x1  }
0xbe: {  	_ =	sfence.sel $0xFFFF  }
0xbf: {  	[dreg:$0x0] =	wrdreg $0xFFFFFFFF;
	(pc) =	sbr.abs _section_cstart, $3  }
0xc0: {  	[dreg:$0x1] =	wrdreg $0xFFFFFFFF  }
0xc1: {  	_ =	task.clear_ibuf [dreg:s6], $0x2FFFF;
	_ =	strace $0x9FFFFFFF  }
0xc2: {  	(tm) =	ssettm $0x7FFFFFFF  }
0xc3: {  	_ =	shalt  }
tec
execute0_lowered:
.L_overlay_start_1:
0x0: {  	(tag) =	ssettag $0x1  }
0x1: {  	s7 =	rddreg [dreg:$0x0]  }
0x2: {  	s2 =	rddreg [dreg:$0x1]  }
0x3: {  	s0 =	rddreg [dreg:$0x2];
	s3 =	simm.s32 $0x0;
	s1 =	stileid.u32  }
0x4: {  	s6 =	srdreg.scid;
	[smem:$0x7FF] =	sst s3;
	s4 =	sshll.u32 s1, $0xC  }
0x5: {  	s5 =	sshll.u32 s1, $0x5;
	s8 =	smul.u32 $0x13800, s1;
	s10 =	sand.u32 $0x1, s6  }
0x6: {  	s24 =	smul.u32 $0x4E000, s1;
	s13 =	sadd.s32 $0x58E00, s7;
	s28 =	sshll.u32 s1, $0x6  }
0x7: {  	s17 =	sadd.s32 $0x138000, s2;
	p0 =	sne.s32 s1, $0xF;
	_ =	strace $0x80000053  }
0x8: {  	s11 =	sadd.s32 s4, s7;
	s12 =	sadd.s32 s5, s7;
	s23 =	ssub.s32 $0x2, s10  }
0x9: {  	s15 =	smul.u32 $0x138800, s10;
	s4 =	sshll.u32 s1, $0x1;
	s6 =	sor.u32 $0x1C01, s28  }
0xa: {  	s30 =	sshll.u32 s10, $0xB;
	s31 =	sshll.u32 s10, $0x4;
	s22 =	sshrl.u32 s8, $0x3  }
0xb: {  	s25 =	sshrl.u32 s23, $0x1;
	s26 =	sshrl.u32 s24, $0x2;
	s11 =	sadd.s32 s30, s11  }
0xc: {  	s12 =	sadd.s32 s31, s12;
	s9 =	sadd.s32 s22, s7;
	s14 =	ssub.s32 s23, s25  }
0xd: {  	s16 =	sadd.s32 s26, s2;
	s8 =	sadd.s32 s8, s15;
	s29 =	sshrl.u32 s15, $0x3  }
0xe: {  	s7 =	sadd.s32 $0x4D000, s7;
	s11 =	sadd.s32 $0x13F0800, s11;
	s12 =	sadd.s32 $0x10600, s12  }
0xf: {  	s15 =	sshrl.u32 @!p0 s17, $0x3;
	s5 =	sadd.s32 $0x26000, s9;
	s8 =	sshrl.u32 s8, $0x3  }
0x10: {  	s9 =	sadd.s32 s13, s29;
	s10 =	smax.u32 s14, $0x1;
	s14 =	simm.s32 $0x1  }
0x11: {  	s8 =	sadd.s32 s13, s8;
	s9 =	sadd.s32 $0x27000, s9;
	s13 =	sshrl.u32 s16, $0x3  }
.LBB2_1:
0x12: {  	[spmem:s13], [sflag:s6] =	dma.local [hbm:s5], $0x2700  }
0x13: {  	_ =	swait.ge [sflag:s14], $0x2700  }
0x14: {  	[sflag:s14] =	ssyncset.done $0x0  }
0x15: {  	s16 =	simm.s32 @!p0 $0x1;
	[sflag:s14] =	ssyncadd.s32 $0xFFFFD900  }
0x16: {  	[spmem:s15], [sflag:s6] =	dma.local @!p0 [hbm:s7], $0x100  }
0x17: {  	_ =	swait.ge @!p0 [sflag:s16], $0x100  }
0x18: {  	s17 =	sadd.s32 $0x0, s4;
	[sflag:s16] =	ssyncset.done @!p0 $0x0  }
0x19: {  	p1 =	sgt.u32 s17, $0x9C3;
	[sflag:s16] =	ssyncadd.s32 @!p0 $0xFFFFFF00  }
0x1a: {  	s18 =	simm.s32 @!p1 $0x2;
	s16 =	simm.s32 @!p1 $0x0;
	[bflag:$0x0] =	sbarrier.arrive $0xFFFF  }
0x1b: {  	[tilespmem:s16], [sflag:$0x2] =	stream.linear.gather @!p1 [hbm4b:s12+s16], $0x80, $0x38;
	[tilespmem:$0x17900] =	vst v63  }
0x1c: {  	_ =	swait.ge @!p1 [sflag:s18], $0x80  }
0x1d: {  	[sflag:s18] =	ssyncset.done @!p1 $0x0;
	p1 =	por p1, p1  }
0x1e: {  	[sflag:s18] =	ssyncadd.s32 @!p1 $0xFFFFFF80;
	s20 =	simm.s32 @!p1 $0x80  }
0x1f: {  	[tilespmem:s20], [sflag:$0x2] =	stream.linear.gather @!p1 [hbm4b:s11+s16], $0x4000, $0x38;
	[tilespmem:$0x17900] =	vst v63  }
0x20: {  	_ =	swait.ge @!p1 [sflag:s18], $0x4000  }
0x21: {  	[sflag:s18] =	ssyncset.done @!p1 $0x0  }
0x22: {  	s31 =	sadd.s32 $0x20, s4;
	s19 =	simm.s32 @!p1 $0x1;
	[sflag:s18] =	ssyncadd.s32 @!p1 $0xFFFFC000  }
0x23: {  	[spmem:s2] =	stream.indirect.scatter.add.f32 @!p1 [tilespmem:s20], [sflag:$0x1], $0x80, s16, s20, $0xb8;
	[tilespmem:$0x17900] =	vst v63  }
0x24: {  	s17 =	simm.s32 $0x40;
	p2 =	sgt.u32 s31, $0x9C3;
	_ =	swait.ge @!p1 [sflag:s19], $0x4000  }
0x25: {  	s18 =	sadd.s32 $0x200, s12;
	s16 =	sadd.s32 $0x10000, s11;
	[sflag:s19] =	ssyncset.done @!p1 $0x0  }
.LBB2_2:
0x26: {  	s20 =	simm.s32 @!p2 $0x0;
	s21 =	simm.s32 @!p2 $0x2;
	[sflag:s19] =	ssyncadd.s32 @!p1 $0xFFFFC000  }
0x27: {  	[tilespmem:s20], [sflag:$0x2] =	stream.linear.gather @!p2 [hbm4b:s18+s20], $0x80, $0x38;
	[tilespmem:$0x17900] =	vst v63  }
0x28: {  	s22 =	smov.u32 s17;
	s17 =	sadd.s32 $0x20, s17;
	_ =	swait.ge @!p2 [sflag:s21], $0x80  }
0x29: {  	p1 =	por p2, p2;
	p3 =	sne.s32 s17, $0x9E0;
	[sflag:s21] =	ssyncset.done @!p2 $0x0  }
0x2a: {  	s23 =	simm.s32 @!p1 $0x80;
	[sflag:s21] =	ssyncadd.s32 @!p1 $0xFFFFFF80  }
0x2b: {  	[tilespmem:s23], [sflag:$0x2] =	stream.linear.gather @!p1 [hbm4b:s16+s20], $0x4000, $0x38;
	[tilespmem:$0x17900] =	vst v63  }
0x2c: {  	_ =	swait.ge @!p1 [sflag:s21], $0x4000  }
.Ltmp0:
0x2d: {  	[sflag:s21] =	ssyncset.done @!p1 $0x0;
	(pc) =	sbr.rel @p3 .LBB2_2-.Ltmp0, $4  }
0x2e: {  	s19 =	simm.s32 @!p1 $0x1;
	[sflag:s21] =	ssyncadd.s32 @!p1 $0xFFFFC000  }
0x2f: {  	[spmem:s2] =	stream.indirect.scatter.add.f32 @!p1 [tilespmem:s23], [sflag:$0x1], $0x80, s20, s23, $0xb8;
	[tilespmem:$0x17900] =	vst v63  }
0x30: {  	s18 =	sadd.s32 $0x200, s18;
	s20 =	sadd.s32 s22, s4;
	_ =	swait.ge @!p1 [sflag:s19], $0x4000  }
0x31: {  	s16 =	sadd.s32 $0x10000, s16;
	p2 =	sgt.u32 s20, $0x9C3;
	[sflag:s19] =	ssyncset.done @!p1 $0x0  }
0x32: {  	s17 =	simm.s32 @!p2 $0x0;
	s20 =	simm.s32 @!p2 $0x2;
	[sflag:s19] =	ssyncadd.s32 @!p1 $0xFFFFC000  }
0x33: {  	[tilespmem:s17], [sflag:$0x2] =	stream.linear.gather @!p2 [hbm4b:s18+s17], $0x80, $0x38;
	[tilespmem:$0x17900] =	vst v63  }
0x34: {  	_ =	swait.ge @!p2 [sflag:s20], $0x80  }
0x35: {  	p1 =	por p2, p2;
	[sflag:s20] =	ssyncset.done @!p2 $0x0  }
0x36: {  	s18 =	simm.s32 @!p1 $0x80;
	[sflag:s20] =	ssyncadd.s32 @!p1 $0xFFFFFF80  }
0x37: {  	[tilespmem:s18], [sflag:$0x2] =	stream.linear.gather @!p1 [hbm4b:s16+s17], $0x4000, $0x38;
	[tilespmem:$0x17900] =	vst v63  }
0x38: {  	_ =	swait.ge @!p1 [sflag:s20], $0x4000  }
0x39: {  	[sflag:s20] =	ssyncset.done @!p1 $0x0  }
0x3a: {  	s16 =	simm.s32 @!p1 $0x1;
	[sflag:s20] =	ssyncadd.s32 @!p1 $0xFFFFC000  }
0x3b: {  	[spmem:s2] =	stream.indirect.scatter.add.f32 @!p1 [tilespmem:s18], [sflag:$0x1], $0x80, s17, s18, $0xb8;
	[tilespmem:$0x17900] =	vst v63  }
0x3c: {  	_ =	swait.ge @!p1 [sflag:s16], $0x4000  }
0x3d: {  	[sflag:s16] =	ssyncset.done @!p1 $0x0  }
0x3e: {  	[sflag:s16] =	ssyncadd.s32 @!p1 $0xFFFFC000  }
0x3f: {  	[bflag:$0x0] =	sbarrier.arrive $0xFFFF  }
0x40: {  	[hbm:s8], [sflag:s6] =	dma.local [spmem:s13], $0x2700  }
0x41: {  	s3 =	sadd.s32 $0x1, s3;
	_ =	swait.ge [sflag:s14], $0x2700  }
0x42: {  	p1 =	sne.s32 s3, s10;
	[sflag:s14] =	ssyncset.done $0x0  }
.Ltmp1:
0x43: {  	s16 =	simm.s32 @!p0 $0x1;
	[sflag:s14] =	ssyncadd.s32 $0xFFFFD900;
	(pc) =	sbr.rel @p1 .LBB2_1-.Ltmp1, $4  }
0x44: {  	[hbm:s9], [sflag:s6] =	dma.local @!p0 [spmem:s15], $0x100  }
0x45: {  	_ =	swait.ge @!p0 [sflag:s16], $0x100  }
0x46: {  	[sflag:s16] =	ssyncset.done @!p0 $0x0  }
0x47: {  	[sflag:s16] =	ssyncadd.s32 @!p0 $0xFFFFFF00  }
0x48: {  	_ =	sfence.sel $0x180000  }
0x49: {  	[bflag:$0x0] =	sbarrier.arrive $0xFFFF  }
0x4a: {  	p0 =	sne.s32 s1, $0x0;
	_ =	strace $0x90000053  }
0x4b: {  	s0 =	sadd.s32 @!p0 $0x100000, s0;
	[bflag:$0x2] =	sbarrier.arrive $0xFFFF  }
0x4c: {  	[sflag:s0] =	ssyncadd.tile.s32 @!p0 $0x1;
	_ =	shalt  }
.Lfunc_end2:
_tile_overlayer_lowered:
.L_overlay_start_2:
0x4d: {  	(tag) =	ssettag $0x2  }
0x4e: {  	s0 =	rddreg [dreg:$0x0];
	s2 =	stileid.u32  }
0x4f: {  	s1 =	rddreg [dreg:$0x1];
	p0 =	sne.s32 s2, $0x0  }
0x50: {  	s3 =	rddreg [dreg:$0x2];
	[bflag:$0x3] =	sbarrier.arrive $0xFFFF;
	s2 =	simm.s32 @!p0 $0x1C01  }
0x51: {  	[timem:s3], [sflag:s2] =	dma.local @!p0 [hbm:s0], s1  }
0x52: {  	s0 =	simm.s32 @!p0 $0x1  }
0x53: {  	_ =	swait.ge @!p0 [sflag:s0], s1  }
0x54: {  	s1 =	ssub.s32 @!p0 $0x0, s1;
	[sflag:s0] =	ssyncset.done @!p0 $0x0  }
0x55: {  	[sflag:s0] =	ssyncadd.s32 @!p0 s1  }
0x56: {  	[bflag:$0x3] =	sbarrier.arrive $0xFFFF  }
0x57: {  	_ =	shalt  }

</sc_bundles>
